<compile_context>
chip_gen: v7x
topology: tpu7x:2x2x1
jax: 0.10.2.dev20260603
libtpu: 0.0.44.dev20260713+nightly
codegen_flags: <defaults>
</compile_context>

<pallas_src>
import functools

import jax
import jax.numpy as jnp
from jax import lax
from jax.experimental import pallas as pl
from jax.experimental.pallas import tpu as pltpu
from jax.experimental.pallas import tpu_sc as plsc

PAD = 1
BATCH = 4
SEQ = 4096
DIM = 512

NUM_CORES = 2
NUM_SUBCORES = 16
NW = NUM_CORES * NUM_SUBCORES
TOK_PER_W = (BATCH * SEQ) // NW
WORKERS_PER_ROW = SEQ // TOK_PER_W
VREG = 16
CHUNK = 32
NCHUNK = TOK_PER_W // CHUNK
VREGS_PER_CHUNK = CHUNK // VREG
VREGS_PER_W = TOK_PER_W // VREG
NBUF = 5


def _body(x_hbm, w_hbm, out_hbm, xchunk, idx, cnt_v, counts_v,
          bufs, gsems, wsems, counts_sh):
    cid = lax.axis_index("c")
    sid = lax.axis_index("s")
    wid = cid * NUM_SUBCORES + sid
    j = sid % WORKERS_PER_ROW
    lrb = sid - j

    pltpu.sync_copy(x_hbm.at[pl.ds(wid * TOK_PER_W, TOK_PER_W)], xchunk)

    acc = jnp.zeros((VREG,), jnp.int32)
    for k in range(VREGS_PER_W):
        v = xchunk[pl.ds(k * VREG, VREG)]
        acc = acc + plsc.all_reduce_population_count(v != PAD)
    cnt_v[...] = acc

    pltpu.sync_copy(cnt_v, counts_sh.at[pl.ds(sid * VREG, VREG)])
    plsc.subcore_barrier()
    pltpu.sync_copy(counts_sh, counts_v)
    pfx = jnp.zeros((VREG,), jnp.int32)
    for k in range(WORKERS_PER_ROW):
        ck = counts_v[pl.ds((lrb + k) * VREG, VREG)]
        pfx = pfx + ck * (j > k).astype(jnp.int32)

    out_base = wid * TOK_PER_W

    def _chunk_positions(c, pfx):
        for q in range(VREGS_PER_CHUNK):
            k = c * VREGS_PER_CHUNK + q
            v = xchunk[pl.ds(k * VREG, VREG)]
            mb = v != PAD
            m = mb.astype(jnp.int32)
            cum = plsc.cumsum(m)
            idx[pl.ds(k * VREG, VREG)] = (pfx + cum) * m + PAD
            pfx = pfx + plsc.all_reduce_population_count(mb)
        return pfx

    def _start_read(c):
        return pltpu.async_copy(
            w_hbm.at[idx.at[pl.ds(c * CHUNK, CHUNK)]],
            bufs[c % NBUF], gsems[c % NBUF],
        )

    def _start_write(c):
        return pltpu.async_copy(
            bufs[c % NBUF], out_hbm.at[pl.ds(out_base + c * CHUNK, CHUNK)],
            wsems[c % NBUF],
        )

    gcopies = [None] * NCHUNK
    wcopies = [None] * NCHUNK
    for c in range(3):
        pfx = _chunk_positions(c, pfx)
        gcopies[c] = _start_read(c)

    for c in range(NCHUNK):
        if c + 3 < NCHUNK:
            pfx = _chunk_positions(c + 3, pfx)
            if c >= 2:
                wcopies[c - 2].wait()
            gcopies[c + 3] = _start_read(c + 3)
        gcopies[c].wait()
        wcopies[c] = _start_write(c)
    for c in range(NCHUNK - NBUF, NCHUNK):
        wcopies[c].wait()


@functools.partial(
    pl.kernel,
    mesh=plsc.VectorSubcoreMesh(core_axis_name="c", subcore_axis_name="s"),
    out_type=jax.ShapeDtypeStruct((BATCH * SEQ, DIM), jnp.float32),
    compiler_params=pltpu.CompilerParams(needs_layout_passes=False),
    scratch_types=[
        pltpu.VMEM((TOK_PER_W,), jnp.int32),
        pltpu.VMEM((TOK_PER_W,), jnp.int32),
        pltpu.VMEM((VREG,), jnp.int32),
        pltpu.VMEM((NUM_SUBCORES * VREG,), jnp.int32),
        [pltpu.VMEM((CHUNK, DIM), jnp.float32) for _ in range(NBUF)],
        [pltpu.SemaphoreType.DMA for _ in range(NBUF)],
        [pltpu.SemaphoreType.DMA for _ in range(NBUF)],
        pltpu.VMEM_SHARED((NUM_SUBCORES * VREG,), jnp.int32),
    ],
)
def _pos_lookup(x_hbm, w_hbm, out_hbm, xchunk, idx, cnt_v, counts_v,
                bufs, gsems, wsems, counts_sh):
    _body(x_hbm, w_hbm, out_hbm, xchunk, idx, cnt_v, counts_v,
          bufs, gsems, wsems, counts_sh)


def kernel(x, weights):
    out = _pos_lookup(x.reshape(-1), weights)
    return lax.stop_gradient(out.reshape(BATCH, SEQ, DIM))

# --- scband reference (transcript-rebuilt; emitter-appended) ---
"""Pipeline reference for scband-position-encoding-82429012345616 (READ-ONLY COPY).

The authoritative reference and input builder live on the scoring server;
editing this copy changes nothing except your own understanding.
"""

import math
import jax, jax.numpy as jnp
import numpy as np

EMBED_DIM = 1024
PADDING_IDX = 1
BASE = 10000
INIT_SIZE = 8192


def get_weights(init_size, embed_dim, padding_idx, base):
    # Faithful port of PositionEncoding.get_weights, including the
    # dim-0 concatenation (table shape [2*init_size, embed_dim//2]).
    half_dim = embed_dim // 2
    scale = math.log(base) / (half_dim - 1)
    emb = jnp.exp(jnp.arange(0, half_dim, dtype=jnp.float32) * -scale)
    emb = jnp.arange(0, init_size, dtype=jnp.float32)[:, None] * emb[None, :]
    emb = jnp.concatenate([jnp.sin(emb), jnp.cos(emb)], axis=0)
    if padding_idx is not None:
        emb = emb.at[padding_idx, :].set(0.0)
    return emb


def setup_inputs(seed: int = 0) -> dict:
    key = jax.random.key(seed)
    x = jax.random.randint(key, (4, 4096), 0, 32000, dtype=jnp.int32)
    weights = get_weights(INIT_SIZE, EMBED_DIM, PADDING_IDX, BASE)
    return {"x": x, "weights": weights}


def reference(x, weights):
    batch_size, sequence_length = x.shape
    mask = (x != PADDING_IDX).astype(jnp.int32)
    # torch.cusum is a typo for torch.cumsum in the original
    positions = (jnp.cumsum(mask, axis=1) * mask + PADDING_IDX).astype(x.dtype)
    out = jnp.take(weights, positions.reshape(-1), axis=0)
    out = out.reshape(batch_size, sequence_length, -1)
    return jax.lax.stop_gradient(out)

if __name__ == "__main__":
    import jax
    _d = setup_inputs()
    print(jax.jit(kernel)(*tuple(_d.values())))

</pallas_src>

<mosaic_0001>
#map = affine_map<(d0, d1) -> (0)>
#map1 = affine_map<(d0, d1) -> (0, 0)>
module attributes {stable_mosaic.version = 14 : i64} {
  func.func @_pos_lookup(%arg0: i32, %arg1: i32, %arg2: memref<16384xi32, #tpu.memory_space<hbm>>, %arg3: memref<16384x512xf32, #tpu.memory_space<hbm>>, %arg4: memref<16384x512xf32, #tpu.memory_space<hbm>>, %arg5: memref<512xi32, #tpu.memory_space<vmem>>, %arg6: memref<512xi32, #tpu.memory_space<vmem>>, %arg7: memref<16xi32, #tpu.memory_space<vmem>>, %arg8: memref<256xi32, #tpu.memory_space<vmem>>, %arg9: memref<32x512xf32, #tpu.memory_space<vmem>>, %arg10: memref<32x512xf32, #tpu.memory_space<vmem>>, %arg11: memref<32x512xf32, #tpu.memory_space<vmem>>, %arg12: memref<32x512xf32, #tpu.memory_space<vmem>>, %arg13: memref<32x512xf32, #tpu.memory_space<vmem>>, %arg14: memref<!tpu.dma_semaphore, #tpu.memory_space<semaphore_mem>>, %arg15: memref<!tpu.dma_semaphore, #tpu.memory_space<semaphore_mem>>, %arg16: memref<!tpu.dma_semaphore, #tpu.memory_space<semaphore_mem>>, %arg17: memref<!tpu.dma_semaphore, #tpu.memory_space<semaphore_mem>>, %arg18: memref<!tpu.dma_semaphore, #tpu.memory_space<semaphore_mem>>, %arg19: memref<!tpu.dma_semaphore, #tpu.memory_space<semaphore_mem>>, %arg20: memref<!tpu.dma_semaphore, #tpu.memory_space<semaphore_mem>>, %arg21: memref<!tpu.dma_semaphore, #tpu.memory_space<semaphore_mem>>, %arg22: memref<!tpu.dma_semaphore, #tpu.memory_space<semaphore_mem>>, %arg23: memref<!tpu.dma_semaphore, #tpu.memory_space<semaphore_mem>>, %arg24: memref<256xi32, #tpu.memory_space<vmem_shared>>) attributes {dimension_semantics = [#tpu.dimension_semantics<core_parallel>, #tpu.dimension_semantics<subcore_parallel>], iteration_bounds = array<i64: 2, 16>, scalar_prefetch = 0 : i64, scratch_operands = 20 : i64, tpu.core_type = #tpu.core_type<sc_vector_subcore>, window_params = [{transform_indices = #map}, {transform_indices = #map1}, {transform_indices = #map1}]} {
    %mul3A = arith.constant 16 : i32
    %mul3A_0 = arith.muli %arg0, %mul3A : i32
    %add3A = arith.addi %mul3A_0, %arg1 : i32
    %jit3A = arith.constant 8 : i32
    %eq3A = arith.constant 0 : i32
    %eq3A_1 = arith.cmpi eq, %jit3A, %eq3A : i32
    %jit3A_2 = arith.constant 1 : i32
    %select_n3A = arith.select %eq3A_1, %jit3A_2, %jit3A : i32
    %rem3A = arith.remsi %arg1, %select_n3A : i32
    %ne3A = arith.constant 0 : i32
    %ne3A_3 = arith.cmpi ne, %rem3A, %ne3A : i32
    %lt3A = arith.constant 0 : i32
    %lt3A_4 = arith.cmpi slt, %rem3A, %lt3A : i32
    %lt3A_5 = arith.constant 0 : i32
    %lt3A_6 = arith.cmpi slt, %select_n3A, %lt3A_5 : i32
    %ne3A_7 = arith.xori %lt3A_4, %lt3A_6 : i1
    %and3A = arith.andi %ne3A_7, %ne3A_3 : i1
    %add3A_8 = arith.addi %rem3A, %select_n3A : i32
    %select_n3A_9 = arith.select %and3A, %add3A_8, %rem3A : i32
    %sub3A = arith.subi %arg1, %select_n3A_9 : i32
    %mul3A_10 = arith.constant 512 : i32
    %mul3A_11 = arith.muli %add3A, %mul3A_10 : i32
    "tpu.region"() ({
      %run_scoped3A = tpu.sem_alloc : memref<!tpu.dma_semaphore, #tpu.memory_space<semaphore_mem>>
      %dma_start3A_1229 = tpu.memref_slice %arg2[%mul3A_11] : memref<16384xi32, #tpu.memory_space<hbm>> -> memref<512xi32, #tpu.memory_space<hbm>>
      %dma_start3A_1230 = tpu.memref_slice %arg2[%mul3A_11] : memref<16384xi32, #tpu.memory_space<hbm>> -> memref<512xi32, #tpu.memory_space<hbm>>
      tpu.enqueue_dma source(%dma_start3A_1230 : memref<512xi32, #tpu.memory_space<hbm>>) target(%arg5 : memref<512xi32, #tpu.memory_space<vmem>>) target_semaphore(%run_scoped3A : memref<!tpu.dma_semaphore, #tpu.memory_space<semaphore_mem>>)
      %dma_wait3A_1231 = tpu.memref_slice %arg2[%mul3A_11] : memref<16384xi32, #tpu.memory_space<hbm>> -> memref<512xi32, #tpu.memory_space<hbm>>
      %dma_wait3A_1232 = tpu.memref_slice %arg2[%mul3A_11] : memref<16384xi32, #tpu.memory_space<hbm>> -> memref<512xi32, #tpu.memory_space<hbm>>
      tpu.wait_dma2 semaphore(%run_scoped3A : memref<!tpu.dma_semaphore, #tpu.memory_space<semaphore_mem>>) src(%dma_wait3A_1232 : memref<512xi32, #tpu.memory_space<hbm>>) dst(%arg5 : memref<512xi32, #tpu.memory_space<vmem>>)
      tpu.yield
    }) : () -> ()
    %broadcast_in_dim3A = arith.constant 0 : i32
    %broadcast_in_dim3A_12 = vector.broadcast %broadcast_in_dim3A : i32 to vector<16xi32>
    %get3A = arith.constant 0 : index
    %get3A_13 = tpu.vector_load %arg5[%get3A] {strides = array<i32>} : memref<512xi32, #tpu.memory_space<vmem>>, vector<16xi32>,
    %ne3A_14 = arith.constant 1 : i32
    %ne3A_15 = vector.broadcast %ne3A_14 : i32 to vector<16xi32>
    %ne3A_16 = arith.cmpi ne, %get3A_13, %ne3A_15 : vector<16xi32>
    %all_reduce_population_count3A = tpu.all_reduce %ne3A_16 {dim = 0 : i64, kind = #tpu.reduction_kind<sum>} : vector<16xi1> -> vector<16xi32>
    %add3A_17 = arith.addi %broadcast_in_dim3A_12, %all_reduce_population_count3A : vector<16xi32>
    %get3A_18 = arith.constant 16 : index
    %get3A_19 = tpu.vector_load %arg5[%get3A_18] {strides = array<i32>} : memref<512xi32, #tpu.memory_space<vmem>>, vector<16xi32>,
    %ne3A_20 = arith.constant 1 : i32
    %ne3A_21 = vector.broadcast %ne3A_20 : i32 to vector<16xi32>
    %ne3A_22 = arith.cmpi ne, %get3A_19, %ne3A_21 : vector<16xi32>
    %all_reduce_population_count3A_23 = tpu.all_reduce %ne3A_22 {dim = 0 : i64, kind = #tpu.reduction_kind<sum>} : vector<16xi1> -> vector<16xi32>
    %add3A_24 = arith.addi %add3A_17, %all_reduce_population_count3A_23 : vector<16xi32>
    %get3A_25 = arith.constant 32 : index
    %get3A_26 = tpu.vector_load %arg5[%get3A_25] {strides = array<i32>} : memref<512xi32, #tpu.memory_space<vmem>>, vector<16xi32>,
    %ne3A_27 = arith.constant 1 : i32
    %ne3A_28 = vector.broadcast %ne3A_27 : i32 to vector<16xi32>
    %ne3A_29 = arith.cmpi ne, %get3A_26, %ne3A_28 : vector<16xi32>
    %all_reduce_population_count3A_30 = tpu.all_reduce %ne3A_29 {dim = 0 : i64, kind = #tpu.reduction_kind<sum>} : vector<16xi1> -> vector<16xi32>
    %add3A_31 = arith.addi %add3A_24, %all_reduce_population_count3A_30 : vector<16xi32>
    %get3A_32 = arith.constant 48 : index
    %get3A_33 = tpu.vector_load %arg5[%get3A_32] {strides = array<i32>} : memref<512xi32, #tpu.memory_space<vmem>>, vector<16xi32>,
    %ne3A_34 = arith.constant 1 : i32
    %ne3A_35 = vector.broadcast %ne3A_34 : i32 to vector<16xi32>
    %ne3A_36 = arith.cmpi ne, %get3A_33, %ne3A_35 : vector<16xi32>
    %all_reduce_population_count3A_37 = tpu.all_reduce %ne3A_36 {dim = 0 : i64, kind = #tpu.reduction_kind<sum>} : vector<16xi1> -> vector<16xi32>
    %add3A_38 = arith.addi %add3A_31, %all_reduce_population_count3A_37 : vector<16xi32>
    %get3A_39 = arith.constant 64 : index
    %get3A_40 = tpu.vector_load %arg5[%get3A_39] {strides = array<i32>} : memref<512xi32, #tpu.memory_space<vmem>>, vector<16xi32>,
    %ne3A_41 = arith.constant 1 : i32
    %ne3A_42 = vector.broadcast %ne3A_41 : i32 to vector<16xi32>
    %ne3A_43 = arith.cmpi ne, %get3A_40, %ne3A_42 : vector<16xi32>
    %all_reduce_population_count3A_44 = tpu.all_reduce %ne3A_43 {dim = 0 : i64, kind = #tpu.reduction_kind<sum>} : vector<16xi1> -> vector<16xi32>
    %add3A_45 = arith.addi %add3A_38, %all_reduce_population_count3A_44 : vector<16xi32>
    %get3A_46 = arith.constant 80 : index
    %get3A_47 = tpu.vector_load %arg5[%get3A_46] {strides = array<i32>} : memref<512xi32, #tpu.memory_space<vmem>>, vector<16xi32>,
    %ne3A_48 = arith.constant 1 : i32
    %ne3A_49 = vector.broadcast %ne3A_48 : i32 to vector<16xi32>
    %ne3A_50 = arith.cmpi ne, %get3A_47, %ne3A_49 : vector<16xi32>
    %all_reduce_population_count3A_51 = tpu.all_reduce %ne3A_50 {dim = 0 : i64, kind = #tpu.reduction_kind<sum>} : vector<16xi1> -> vector<16xi32>
    %add3A_52 = arith.addi %add3A_45, %all_reduce_population_count3A_51 : vector<16xi32>
    %get3A_53 = arith.constant 96 : index
    %get3A_54 = tpu.vector_load %arg5[%get3A_53] {strides = array<i32>} : memref<512xi32, #tpu.memory_space<vmem>>, vector<16xi32>,
    %ne3A_55 = arith.constant 1 : i32
    %ne3A_56 = vector.broadcast %ne3A_55 : i32 to vector<16xi32>
    %ne3A_57 = arith.cmpi ne, %get3A_54, %ne3A_56 : vector<16xi32>
    %all_reduce_population_count3A_58 = tpu.all_reduce %ne3A_57 {dim = 0 : i64, kind = #tpu.reduction_kind<sum>} : vector<16xi1> -> vector<16xi32>
    %add3A_59 = arith.addi %add3A_52, %all_reduce_population_count3A_58 : vector<16xi32>
    %get3A_60 = arith.constant 112 : index
    %get3A_61 = tpu.vector_load %arg5[%get3A_60] {strides = array<i32>} : memref<512xi32, #tpu.memory_space<vmem>>, vector<16xi32>,
    %ne3A_62 = arith.constant 1 : i32
    %ne3A_63 = vector.broadcast %ne3A_62 : i32 to vector<16xi32>
    %ne3A_64 = arith.cmpi ne, %get3A_61, %ne3A_63 : vector<16xi32>
    %all_reduce_population_count3A_65 = tpu.all_reduce %ne3A_64 {dim = 0 : i64, kind = #tpu.reduction_kind<sum>} : vector<16xi1> -> vector<16xi32>
    %add3A_66 = arith.addi %add3A_59, %all_reduce_population_count3A_65 : vector<16xi32>
    %get3A_67 = arith.constant 128 : index
    %get3A_68 = tpu.vector_load %arg5[%get3A_67] {strides = array<i32>} : memref<512xi32, #tpu.memory_space<vmem>>, vector<16xi32>,
    %ne3A_69 = arith.constant 1 : i32
    %ne3A_70 = vector.broadcast %ne3A_69 : i32 to vector<16xi32>
    %ne3A_71 = arith.cmpi ne, %get3A_68, %ne3A_70 : vector<16xi32>
    %all_reduce_population_count3A_72 = tpu.all_reduce %ne3A_71 {dim = 0 : i64, kind = #tpu.reduction_kind<sum>} : vector<16xi1> -> vector<16xi32>
    %add3A_73 = arith.addi %add3A_66, %all_reduce_population_count3A_72 : vector<16xi32>
    %get3A_74 = arith.constant 144 : index
    %get3A_75 = tpu.vector_load %arg5[%get3A_74] {strides = array<i32>} : memref<512xi32, #tpu.memory_space<vmem>>, vector<16xi32>,
    %ne3A_76 = arith.constant 1 : i32
    %ne3A_77 = vector.broadcast %ne3A_76 : i32 to vector<16xi32>
    %ne3A_78 = arith.cmpi ne, %get3A_75, %ne3A_77 : vector<16xi32>
    %all_reduce_population_count3A_79 = tpu.all_reduce %ne3A_78 {dim = 0 : i64, kind = #tpu.reduction_kind<sum>} : vector<16xi1> -> vector<16xi32>
    %add3A_80 = arith.addi %add3A_73, %all_reduce_population_count3A_79 : vector<16xi32>
    %get3A_81 = arith.constant 160 : index
    %get3A_82 = tpu.vector_load %arg5[%get3A_81] {strides = array<i32>} : memref<512xi32, #tpu.memory_space<vmem>>, vector<16xi32>,
    %ne3A_83 = arith.constant 1 : i32
    %ne3A_84 = vector.broadcast %ne3A_83 : i32 to vector<16xi32>
    %ne3A_85 = arith.cmpi ne, %get3A_82, %ne3A_84 : vector<16xi32>
    %all_reduce_population_count3A_86 = tpu.all_reduce %ne3A_85 {dim = 0 : i64, kind = #tpu.reduction_kind<sum>} : vector<16xi1> -> vector<16xi32>
    %add3A_87 = arith.addi %add3A_80, %all_reduce_population_count3A_86 : vector<16xi32>
    %get3A_88 = arith.constant 176 : index
    %get3A_89 = tpu.vector_load %arg5[%get3A_88] {strides = array<i32>} : memref<512xi32, #tpu.memory_space<vmem>>, vector<16xi32>,
    %ne3A_90 = arith.constant 1 : i32
    %ne3A_91 = vector.broadcast %ne3A_90 : i32 to vector<16xi32>
    %ne3A_92 = arith.cmpi ne, %get3A_89, %ne3A_91 : vector<16xi32>
    %all_reduce_population_count3A_93 = tpu.all_reduce %ne3A_92 {dim = 0 : i64, kind = #tpu.reduction_kind<sum>} : vector<16xi1> -> vector<16xi32>
    %add3A_94 = arith.addi %add3A_87, %all_reduce_population_count3A_93 : vector<16xi32>
    %get3A_95 = arith.constant 192 : index
    %get3A_96 = tpu.vector_load %arg5[%get3A_95] {strides = array<i32>} : memref<512xi32, #tpu.memory_space<vmem>>, vector<16xi32>,
    %ne3A_97 = arith.constant 1 : i32
    %ne3A_98 = vector.broadcast %ne3A_97 : i32 to vector<16xi32>
    %ne3A_99 = arith.cmpi ne, %get3A_96, %ne3A_98 : vector<16xi32>
    %all_reduce_population_count3A_100 = tpu.all_reduce %ne3A_99 {dim = 0 : i64, kind = #tpu.reduction_kind<sum>} : vector<16xi1> -> vector<16xi32>
    %add3A_101 = arith.addi %add3A_94, %all_reduce_population_count3A_100 : vector<16xi32>
    %get3A_102 = arith.constant 208 : index
    %get3A_103 = tpu.vector_load %arg5[%get3A_102] {strides = array<i32>} : memref<512xi32, #tpu.memory_space<vmem>>, vector<16xi32>,
    %ne3A_104 = arith.constant 1 : i32
    %ne3A_105 = vector.broadcast %ne3A_104 : i32 to vector<16xi32>
    %ne3A_106 = arith.cmpi ne, %get3A_103, %ne3A_105 : vector<16xi32>
    %all_reduce_population_count3A_107 = tpu.all_reduce %ne3A_106 {dim = 0 : i64, kind = #tpu.reduction_kind<sum>} : vector<16xi1> -> vector<16xi32>
    %add3A_108 = arith.addi %add3A_101, %all_reduce_population_count3A_107 : vector<16xi32>
    %get3A_109 = arith.constant 224 : index
    %get3A_110 = tpu.vector_load %arg5[%get3A_109] {strides = array<i32>} : memref<512xi32, #tpu.memory_space<vmem>>, vector<16xi32>,
    %ne3A_111 = arith.constant 1 : i32
    %ne3A_112 = vector.broadcast %ne3A_111 : i32 to vector<16xi32>
    %ne3A_113 = arith.cmpi ne, %get3A_110, %ne3A_112 : vector<16xi32>
    %all_reduce_population_count3A_114 = tpu.all_reduce %ne3A_113 {dim = 0 : i64, kind = #tpu.reduction_kind<sum>} : vector<16xi1> -> vector<16xi32>
    %add3A_115 = arith.addi %add3A_108, %all_reduce_population_count3A_114 : vector<16xi32>
    %get3A_116 = arith.constant 240 : index
    %get3A_117 = tpu.vector_load %arg5[%get3A_116] {strides = array<i32>} : memref<512xi32, #tpu.memory_space<vmem>>, vector<16xi32>,
    %ne3A_118 = arith.constant 1 : i32
    %ne3A_119 = vector.broadcast %ne3A_118 : i32 to vector<16xi32>
    %ne3A_120 = arith.cmpi ne, %get3A_117, %ne3A_119 : vector<16xi32>
    %all_reduce_population_count3A_121 = tpu.all_reduce %ne3A_120 {dim = 0 : i64, kind = #tpu.reduction_kind<sum>} : vector<16xi1> -> vector<16xi32>
    %add3A_122 = arith.addi %add3A_115, %all_reduce_population_count3A_121 : vector<16xi32>
    %get3A_123 = arith.constant 256 : index
    %get3A_124 = tpu.vector_load %arg5[%get3A_123] {strides = array<i32>} : memref<512xi32, #tpu.memory_space<vmem>>, vector<16xi32>,
    %ne3A_125 = arith.constant 1 : i32
    %ne3A_126 = vector.broadcast %ne3A_125 : i32 to vector<16xi32>
    %ne3A_127 = arith.cmpi ne, %get3A_124, %ne3A_126 : vector<16xi32>
    %all_reduce_population_count3A_128 = tpu.all_reduce %ne3A_127 {dim = 0 : i64, kind = #tpu.reduction_kind<sum>} : vector<16xi1> -> vector<16xi32>
    %add3A_129 = arith.addi %add3A_122, %all_reduce_population_count3A_128 : vector<16xi32>
    %get3A_130 = arith.constant 272 : index
    %get3A_131 = tpu.vector_load %arg5[%get3A_130] {strides = array<i32>} : memref<512xi32, #tpu.memory_space<vmem>>, vector<16xi32>,
    %ne3A_132 = arith.constant 1 : i32
    %ne3A_133 = vector.broadcast %ne3A_132 : i32 to vector<16xi32>
    %ne3A_134 = arith.cmpi ne, %get3A_131, %ne3A_133 : vector<16xi32>
    %all_reduce_population_count3A_135 = tpu.all_reduce %ne3A_134 {dim = 0 : i64, kind = #tpu.reduction_kind<sum>} : vector<16xi1> -> vector<16xi32>
    %add3A_136 = arith.addi %add3A_129, %all_reduce_population_count3A_135 : vector<16xi32>
    %get3A_137 = arith.constant 288 : index
    %get3A_138 = tpu.vector_load %arg5[%get3A_137] {strides = array<i32>} : memref<512xi32, #tpu.memory_space<vmem>>, vector<16xi32>,
    %ne3A_139 = arith.constant 1 : i32
    %ne3A_140 = vector.broadcast %ne3A_139 : i32 to vector<16xi32>
    %ne3A_141 = arith.cmpi ne, %get3A_138, %ne3A_140 : vector<16xi32>
    %all_reduce_population_count3A_142 = tpu.all_reduce %ne3A_141 {dim = 0 : i64, kind = #tpu.reduction_kind<sum>} : vector<16xi1> -> vector<16xi32>
    %add3A_143 = arith.addi %add3A_136, %all_reduce_population_count3A_142 : vector<16xi32>
    %get3A_144 = arith.constant 304 : index
    %get3A_145 = tpu.vector_load %arg5[%get3A_144] {strides = array<i32>} : memref<512xi32, #tpu.memory_space<vmem>>, vector<16xi32>,
    %ne3A_146 = arith.constant 1 : i32
    %ne3A_147 = vector.broadcast %ne3A_146 : i32 to vector<16xi32>
    %ne3A_148 = arith.cmpi ne, %get3A_145, %ne3A_147 : vector<16xi32>
    %all_reduce_population_count3A_149 = tpu.all_reduce %ne3A_148 {dim = 0 : i64, kind = #tpu.reduction_kind<sum>} : vector<16xi1> -> vector<16xi32>
    %add3A_150 = arith.addi %add3A_143, %all_reduce_population_count3A_149 : vector<16xi32>
    %get3A_151 = arith.constant 320 : index
    %get3A_152 = tpu.vector_load %arg5[%get3A_151] {strides = array<i32>} : memref<512xi32, #tpu.memory_space<vmem>>, vector<16xi32>,
    %ne3A_153 = arith.constant 1 : i32
    %ne3A_154 = vector.broadcast %ne3A_153 : i32 to vector<16xi32>
    %ne3A_155 = arith.cmpi ne, %get3A_152, %ne3A_154 : vector<16xi32>
    %all_reduce_population_count3A_156 = tpu.all_reduce %ne3A_155 {dim = 0 : i64, kind = #tpu.reduction_kind<sum>} : vector<16xi1> -> vector<16xi32>
    %add3A_157 = arith.addi %add3A_150, %all_reduce_population_count3A_156 : vector<16xi32>
    %get3A_158 = arith.constant 336 : index
    %get3A_159 = tpu.vector_load %arg5[%get3A_158] {strides = array<i32>} : memref<512xi32, #tpu.memory_space<vmem>>, vector<16xi32>,
    %ne3A_160 = arith.constant 1 : i32
    %ne3A_161 = vector.broadcast %ne3A_160 : i32 to vector<16xi32>
    %ne3A_162 = arith.cmpi ne, %get3A_159, %ne3A_161 : vector<16xi32>
    %all_reduce_population_count3A_163 = tpu.all_reduce %ne3A_162 {dim = 0 : i64, kind = #tpu.reduction_kind<sum>} : vector<16xi1> -> vector<16xi32>
    %add3A_164 = arith.addi %add3A_157, %all_reduce_population_count3A_163 : vector<16xi32>
    %get3A_165 = arith.constant 352 : index
    %get3A_166 = tpu.vector_load %arg5[%get3A_165] {strides = array<i32>} : memref<512xi32, #tpu.memory_space<vmem>>, vector<16xi32>,
    %ne3A_167 = arith.constant 1 : i32
    %ne3A_168 = vector.broadcast %ne3A_167 : i32 to vector<16xi32>
    %ne3A_169 = arith.cmpi ne, %get3A_166, %ne3A_168 : vector<16xi32>
    %all_reduce_population_count3A_170 = tpu.all_reduce %ne3A_169 {dim = 0 : i64, kind = #tpu.reduction_kind<sum>} : vector<16xi1> -> vector<16xi32>
    %add3A_171 = arith.addi %add3A_164, %all_reduce_population_count3A_170 : vector<16xi32>
    %get3A_172 = arith.constant 368 : index
    %get3A_173 = tpu.vector_load %arg5[%get3A_172] {strides = array<i32>} : memref<512xi32, #tpu.memory_space<vmem>>, vector<16xi32>,
    %ne3A_174 = arith.constant 1 : i32
    %ne3A_175 = vector.broadcast %ne3A_174 : i32 to vector<16xi32>
    %ne3A_176 = arith.cmpi ne, %get3A_173, %ne3A_175 : vector<16xi32>
    %all_reduce_population_count3A_177 = tpu.all_reduce %ne3A_176 {dim = 0 : i64, kind = #tpu.reduction_kind<sum>} : vector<16xi1> -> vector<16xi32>
    %add3A_178 = arith.addi %add3A_171, %all_reduce_population_count3A_177 : vector<16xi32>
    %get3A_179 = arith.constant 384 : index
    %get3A_180 = tpu.vector_load %arg5[%get3A_179] {strides = array<i32>} : memref<512xi32, #tpu.memory_space<vmem>>, vector<16xi32>,
    %ne3A_181 = arith.constant 1 : i32
    %ne3A_182 = vector.broadcast %ne3A_181 : i32 to vector<16xi32>
    %ne3A_183 = arith.cmpi ne, %get3A_180, %ne3A_182 : vector<16xi32>
    %all_reduce_population_count3A_184 = tpu.all_reduce %ne3A_183 {dim = 0 : i64, kind = #tpu.reduction_kind<sum>} : vector<16xi1> -> vector<16xi32>
    %add3A_185 = arith.addi %add3A_178, %all_reduce_population_count3A_184 : vector<16xi32>
    %get3A_186 = arith.constant 400 : index
    %get3A_187 = tpu.vector_load %arg5[%get3A_186] {strides = array<i32>} : memref<512xi32, #tpu.memory_space<vmem>>, vector<16xi32>,
    %ne3A_188 = arith.constant 1 : i32
    %ne3A_189 = vector.broadcast %ne3A_188 : i32 to vector<16xi32>
    %ne3A_190 = arith.cmpi ne, %get3A_187, %ne3A_189 : vector<16xi32>
    %all_reduce_population_count3A_191 = tpu.all_reduce %ne3A_190 {dim = 0 : i64, kind = #tpu.reduction_kind<sum>} : vector<16xi1> -> vector<16xi32>
    %add3A_192 = arith.addi %add3A_185, %all_reduce_population_count3A_191 : vector<16xi32>
    %get3A_193 = arith.constant 416 : index
    %get3A_194 = tpu.vector_load %arg5[%get3A_193] {strides = array<i32>} : memref<512xi32, #tpu.memory_space<vmem>>, vector<16xi32>,
    %ne3A_195 = arith.constant 1 : i32
    %ne3A_196 = vector.broadcast %ne3A_195 : i32 to vector<16xi32>
    %ne3A_197 = arith.cmpi ne, %get3A_194, %ne3A_196 : vector<16xi32>
    %all_reduce_population_count3A_198 = tpu.all_reduce %ne3A_197 {dim = 0 : i64, kind = #tpu.reduction_kind<sum>} : vector<16xi1> -> vector<16xi32>
    %add3A_199 = arith.addi %add3A_192, %all_reduce_population_count3A_198 : vector<16xi32>
    %get3A_200 = arith.constant 432 : index
    %get3A_201 = tpu.vector_load %arg5[%get3A_200] {strides = array<i32>} : memref<512xi32, #tpu.memory_space<vmem>>, vector<16xi32>,
    %ne3A_202 = arith.constant 1 : i32
    %ne3A_203 = vector.broadcast %ne3A_202 : i32 to vector<16xi32>
    %ne3A_204 = arith.cmpi ne, %get3A_201, %ne3A_203 : vector<16xi32>
    %all_reduce_population_count3A_205 = tpu.all_reduce %ne3A_204 {dim = 0 : i64, kind = #tpu.reduction_kind<sum>} : vector<16xi1> -> vector<16xi32>
    %add3A_206 = arith.addi %add3A_199, %all_reduce_population_count3A_205 : vector<16xi32>
    %get3A_207 = arith.constant 448 : index
    %get3A_208 = tpu.vector_load %arg5[%get3A_207] {strides = array<i32>} : memref<512xi32, #tpu.memory_space<vmem>>, vector<16xi32>,
    %ne3A_209 = arith.constant 1 : i32
    %ne3A_210 = vector.broadcast %ne3A_209 : i32 to vector<16xi32>
    %ne3A_211 = arith.cmpi ne, %get3A_208, %ne3A_210 : vector<16xi32>
    %all_reduce_population_count3A_212 = tpu.all_reduce %ne3A_211 {dim = 0 : i64, kind = #tpu.reduction_kind<sum>} : vector<16xi1> -> vector<16xi32>
    %add3A_213 = arith.addi %add3A_206, %all_reduce_population_count3A_212 : vector<16xi32>
    %get3A_214 = arith.constant 464 : index
    %get3A_215 = tpu.vector_load %arg5[%get3A_214] {strides = array<i32>} : memref<512xi32, #tpu.memory_space<vmem>>, vector<16xi32>,
    %ne3A_216 = arith.constant 1 : i32
    %ne3A_217 = vector.broadcast %ne3A_216 : i32 to vector<16xi32>
    %ne3A_218 = arith.cmpi ne, %get3A_215, %ne3A_217 : vector<16xi32>
    %all_reduce_population_count3A_219 = tpu.all_reduce %ne3A_218 {dim = 0 : i64, kind = #tpu.reduction_kind<sum>} : vector<16xi1> -> vector<16xi32>
    %add3A_220 = arith.addi %add3A_213, %all_reduce_population_count3A_219 : vector<16xi32>
    %get3A_221 = arith.constant 480 : index
    %get3A_222 = tpu.vector_load %arg5[%get3A_221] {strides = array<i32>} : memref<512xi32, #tpu.memory_space<vmem>>, vector<16xi32>,
    %ne3A_223 = arith.constant 1 : i32
    %ne3A_224 = vector.broadcast %ne3A_223 : i32 to vector<16xi32>
    %ne3A_225 = arith.cmpi ne, %get3A_222, %ne3A_224 : vector<16xi32>
    %all_reduce_population_count3A_226 = tpu.all_reduce %ne3A_225 {dim = 0 : i64, kind = #tpu.reduction_kind<sum>} : vector<16xi1> -> vector<16xi32>
    %add3A_227 = arith.addi %add3A_220, %all_reduce_population_count3A_226 : vector<16xi32>
    %get3A_228 = arith.constant 496 : index
    %get3A_229 = tpu.vector_load %arg5[%get3A_228] {strides = array<i32>} : memref<512xi32, #tpu.memory_space<vmem>>, vector<16xi32>,
    %ne3A_230 = arith.constant 1 : i32
    %ne3A_231 = vector.broadcast %ne3A_230 : i32 to vector<16xi32>
    %ne3A_232 = arith.cmpi ne, %get3A_229, %ne3A_231 : vector<16xi32>
    %all_reduce_population_count3A_233 = tpu.all_reduce %ne3A_232 {dim = 0 : i64, kind = #tpu.reduction_kind<sum>} : vector<16xi1> -> vector<16xi32>
    %add3A_234 = arith.addi %add3A_227, %all_reduce_population_count3A_233 : vector<16xi32>
    %swap3A = arith.constant 0 : index
    %swap3A_235 = tpu.vector_load %arg7[%swap3A] {strides = array<i32>} : memref<16xi32, #tpu.memory_space<vmem>>, vector<16xi32>,
    tpu.vector_store %arg7[%swap3A], %add3A_234 {strides = array<i32>} : memref<16xi32, #tpu.memory_space<vmem>>, vector<16xi32>,
    %mul3A_236 = arith.constant 16 : i32
    %mul3A_237 = arith.muli %arg1, %mul3A_236 : i32
    "tpu.region"() ({
      %run_scoped3A = tpu.sem_alloc : memref<!tpu.dma_semaphore, #tpu.memory_space<semaphore_mem>>
      %dma_start3A_1229 = tpu.memref_slice %arg24[%mul3A_237] : memref<256xi32, #tpu.memory_space<vmem_shared>> -> memref<16xi32, #tpu.memory_space<vmem_shared>>
      %dma_start3A_1230 = tpu.memref_slice %arg24[%mul3A_237] : memref<256xi32, #tpu.memory_space<vmem_shared>> -> memref<16xi32, #tpu.memory_space<vmem_shared>>
      tpu.enqueue_dma source(%arg7 : memref<16xi32, #tpu.memory_space<vmem>>) target(%dma_start3A_1230 : memref<16xi32, #tpu.memory_space<vmem_shared>>) target_semaphore(%run_scoped3A : memref<!tpu.dma_semaphore, #tpu.memory_space<semaphore_mem>>)
      %dma_wait3A_1231 = tpu.memref_slice %arg24[%mul3A_237] : memref<256xi32, #tpu.memory_space<vmem_shared>> -> memref<16xi32, #tpu.memory_space<vmem_shared>>
      %dma_wait3A_1232 = tpu.memref_slice %arg24[%mul3A_237] : memref<256xi32, #tpu.memory_space<vmem_shared>> -> memref<16xi32, #tpu.memory_space<vmem_shared>>
      tpu.wait_dma2 semaphore(%run_scoped3A : memref<!tpu.dma_semaphore, #tpu.memory_space<semaphore_mem>>) src(%arg7 : memref<16xi32, #tpu.memory_space<vmem>>) dst(%dma_wait3A_1232 : memref<16xi32, #tpu.memory_space<vmem_shared>>)
      tpu.yield
    }) : () -> ()
    %barrier3A = arith.constant 0 : index
    tpu.barrier barrier_id(%barrier3A)
    "tpu.region"() ({
      %run_scoped3A = tpu.sem_alloc : memref<!tpu.dma_semaphore, #tpu.memory_space<semaphore_mem>>
      tpu.enqueue_dma source(%arg24 : memref<256xi32, #tpu.memory_space<vmem_shared>>) target(%arg8 : memref<256xi32, #tpu.memory_space<vmem>>) target_semaphore(%run_scoped3A : memref<!tpu.dma_semaphore, #tpu.memory_space<semaphore_mem>>)
      tpu.wait_dma2 semaphore(%run_scoped3A : memref<!tpu.dma_semaphore, #tpu.memory_space<semaphore_mem>>) src(%arg24 : memref<256xi32, #tpu.memory_space<vmem_shared>>) dst(%arg8 : memref<256xi32, #tpu.memory_space<vmem>>)
      tpu.yield
    }) : () -> ()
    %broadcast_in_dim3A_238 = arith.constant 0 : i32
    %broadcast_in_dim3A_239 = vector.broadcast %broadcast_in_dim3A_238 : i32 to vector<16xi32>
    %add3A_240 = arith.constant 0 : i32
    %add3A_241 = arith.addi %sub3A, %add3A_240 : i32
    %mul3A_242 = arith.constant 16 : i32
    %mul3A_243 = arith.muli %add3A_241, %mul3A_242 : i32
    %get3A_244 = arith.index_cast %mul3A_243 : i32 to index
    %get3A_245 = tpu.vector_load %arg8[%get3A_244] {strides = array<i32>} : memref<256xi32, #tpu.memory_space<vmem>>, vector<16xi32>,
    %gt3A = arith.constant 0 : i32
    %gt3A_246 = arith.cmpi sgt, %select_n3A_9, %gt3A : i32
    %convert_element_type3A = arith.extui %gt3A_246 : i1 to i32
    %mul3A_247 = vector.broadcast %convert_element_type3A : i32 to vector<16xi32>
    %mul3A_248 = arith.muli %get3A_245, %mul3A_247 : vector<16xi32>
    %add3A_249 = arith.addi %broadcast_in_dim3A_239, %mul3A_248 : vector<16xi32>
    %add3A_250 = arith.constant 1 : i32
    %add3A_251 = arith.addi %sub3A, %add3A_250 : i32
    %mul3A_252 = arith.constant 16 : i32
    %mul3A_253 = arith.muli %add3A_251, %mul3A_252 : i32
    %get3A_254 = arith.index_cast %mul3A_253 : i32 to index
    %get3A_255 = tpu.vector_load %arg8[%get3A_254] {strides = array<i32>} : memref<256xi32, #tpu.memory_space<vmem>>, vector<16xi32>,
    %gt3A_256 = arith.constant 1 : i32
    %gt3A_257 = arith.cmpi sgt, %select_n3A_9, %gt3A_256 : i32
    %convert_element_type3A_258 = arith.extui %gt3A_257 : i1 to i32
    %mul3A_259 = vector.broadcast %convert_element_type3A_258 : i32 to vector<16xi32>
    %mul3A_260 = arith.muli %get3A_255, %mul3A_259 : vector<16xi32>
    %add3A_261 = arith.addi %add3A_249, %mul3A_260 : vector<16xi32>
    %add3A_262 = arith.constant 2 : i32
    %add3A_263 = arith.addi %sub3A, %add3A_262 : i32
    %mul3A_264 = arith.constant 16 : i32
    %mul3A_265 = arith.muli %add3A_263, %mul3A_264 : i32
    %get3A_266 = arith.index_cast %mul3A_265 : i32 to index
    %get3A_267 = tpu.vector_load %arg8[%get3A_266] {strides = array<i32>} : memref<256xi32, #tpu.memory_space<vmem>>, vector<16xi32>,
    %gt3A_268 = arith.constant 2 : i32
    %gt3A_269 = arith.cmpi sgt, %select_n3A_9, %gt3A_268 : i32
    %convert_element_type3A_270 = arith.extui %gt3A_269 : i1 to i32
    %mul3A_271 = vector.broadcast %convert_element_type3A_270 : i32 to vector<16xi32>
    %mul3A_272 = arith.muli %get3A_267, %mul3A_271 : vector<16xi32>
    %add3A_273 = arith.addi %add3A_261, %mul3A_272 : vector<16xi32>
    %add3A_274 = arith.constant 3 : i32
    %add3A_275 = arith.addi %sub3A, %add3A_274 : i32
    %mul3A_276 = arith.constant 16 : i32
    %mul3A_277 = arith.muli %add3A_275, %mul3A_276 : i32
    %get3A_278 = arith.index_cast %mul3A_277 : i32 to index
    %get3A_279 = tpu.vector_load %arg8[%get3A_278] {strides = array<i32>} : memref<256xi32, #tpu.memory_space<vmem>>, vector<16xi32>,
    %gt3A_280 = arith.constant 3 : i32
    %gt3A_281 = arith.cmpi sgt, %select_n3A_9, %gt3A_280 : i32
    %convert_element_type3A_282 = arith.extui %gt3A_281 : i1 to i32
    %mul3A_283 = vector.broadcast %convert_element_type3A_282 : i32 to vector<16xi32>
    %mul3A_284 = arith.muli %get3A_279, %mul3A_283 : vector<16xi32>
    %add3A_285 = arith.addi %add3A_273, %mul3A_284 : vector<16xi32>
    %add3A_286 = arith.constant 4 : i32
    %add3A_287 = arith.addi %sub3A, %add3A_286 : i32
    %mul3A_288 = arith.constant 16 : i32
    %mul3A_289 = arith.muli %add3A_287, %mul3A_288 : i32
    %get3A_290 = arith.index_cast %mul3A_289 : i32 to index
    %get3A_291 = tpu.vector_load %arg8[%get3A_290] {strides = array<i32>} : memref<256xi32, #tpu.memory_space<vmem>>, vector<16xi32>,
    %gt3A_292 = arith.constant 4 : i32
    %gt3A_293 = arith.cmpi sgt, %select_n3A_9, %gt3A_292 : i32
    %convert_element_type3A_294 = arith.extui %gt3A_293 : i1 to i32
    %mul3A_295 = vector.broadcast %convert_element_type3A_294 : i32 to vector<16xi32>
    %mul3A_296 = arith.muli %get3A_291, %mul3A_295 : vector<16xi32>
    %add3A_297 = arith.addi %add3A_285, %mul3A_296 : vector<16xi32>
    %add3A_298 = arith.constant 5 : i32
    %add3A_299 = arith.addi %sub3A, %add3A_298 : i32
    %mul3A_300 = arith.constant 16 : i32
    %mul3A_301 = arith.muli %add3A_299, %mul3A_300 : i32
    %get3A_302 = arith.index_cast %mul3A_301 : i32 to index
    %get3A_303 = tpu.vector_load %arg8[%get3A_302] {strides = array<i32>} : memref<256xi32, #tpu.memory_space<vmem>>, vector<16xi32>,
    %gt3A_304 = arith.constant 5 : i32
    %gt3A_305 = arith.cmpi sgt, %select_n3A_9, %gt3A_304 : i32
    %convert_element_type3A_306 = arith.extui %gt3A_305 : i1 to i32
    %mul3A_307 = vector.broadcast %convert_element_type3A_306 : i32 to vector<16xi32>
    %mul3A_308 = arith.muli %get3A_303, %mul3A_307 : vector<16xi32>
    %add3A_309 = arith.addi %add3A_297, %mul3A_308 : vector<16xi32>
    %add3A_310 = arith.constant 6 : i32
    %add3A_311 = arith.addi %sub3A, %add3A_310 : i32
    %mul3A_312 = arith.constant 16 : i32
    %mul3A_313 = arith.muli %add3A_311, %mul3A_312 : i32
    %get3A_314 = arith.index_cast %mul3A_313 : i32 to index
    %get3A_315 = tpu.vector_load %arg8[%get3A_314] {strides = array<i32>} : memref<256xi32, #tpu.memory_space<vmem>>, vector<16xi32>,
    %gt3A_316 = arith.constant 6 : i32
    %gt3A_317 = arith.cmpi sgt, %select_n3A_9, %gt3A_316 : i32
    %convert_element_type3A_318 = arith.extui %gt3A_317 : i1 to i32
    %mul3A_319 = vector.broadcast %convert_element_type3A_318 : i32 to vector<16xi32>
    %mul3A_320 = arith.muli %get3A_315, %mul3A_319 : vector<16xi32>
    %add3A_321 = arith.addi %add3A_309, %mul3A_320 : vector<16xi32>
    %add3A_322 = arith.constant 7 : i32
    %add3A_323 = arith.addi %sub3A, %add3A_322 : i32
    %mul3A_324 = arith.constant 16 : i32
    %mul3A_325 = arith.muli %add3A_323, %mul3A_324 : i32
    %get3A_326 = arith.index_cast %mul3A_325 : i32 to index
    %get3A_327 = tpu.vector_load %arg8[%get3A_326] {strides = array<i32>} : memref<256xi32, #tpu.memory_space<vmem>>, vector<16xi32>,
    %gt3A_328 = arith.constant 7 : i32
    %gt3A_329 = arith.cmpi sgt, %select_n3A_9, %gt3A_328 : i32
    %convert_element_type3A_330 = arith.extui %gt3A_329 : i1 to i32
    %mul3A_331 = vector.broadcast %convert_element_type3A_330 : i32 to vector<16xi32>
    %mul3A_332 = arith.muli %get3A_327, %mul3A_331 : vector<16xi32>
    %add3A_333 = arith.addi %add3A_321, %mul3A_332 : vector<16xi32>
    %mul3A_334 = arith.constant 512 : i32
    %mul3A_335 = arith.muli %add3A, %mul3A_334 : i32
    %get3A_336 = arith.constant 0 : index
    %get3A_337 = tpu.vector_load %arg5[%get3A_336] {strides = array<i32>} : memref<512xi32, #tpu.memory_space<vmem>>, vector<16xi32>,
    %ne3A_338 = arith.constant 1 : i32
    %ne3A_339 = vector.broadcast %ne3A_338 : i32 to vector<16xi32>
    %ne3A_340 = arith.cmpi ne, %get3A_337, %ne3A_339 : vector<16xi32>
    %convert_element_type3A_341 = arith.extui %ne3A_340 : vector<16xi1> to vector<16xi32>
    %broadcast_in_dim3A_342 = arith.constant true
    %broadcast_in_dim3A_343 = vector.broadcast %broadcast_in_dim3A_342 : i1 to vector<16xi1>
    %masked_cumsum3A = tpu.scan <sum>, %convert_element_type3A_341 masked %broadcast_in_dim3A_343 : vector<16xi32>, vector<16xi1> -> vector<16xi32>
    %add3A_344 = arith.addi %add3A_333, %masked_cumsum3A : vector<16xi32>
    %mul3A_345 = arith.muli %add3A_344, %convert_element_type3A_341 : vector<16xi32>
    %add3A_346 = arith.constant 1 : i32
    %add3A_347 = vector.broadcast %add3A_346 : i32 to vector<16xi32>
    %add3A_348 = arith.addi %mul3A_345, %add3A_347 : vector<16xi32>
    %swap3A_349 = arith.constant 0 : index
    %swap3A_350 = tpu.vector_load %arg6[%swap3A_349] {strides = array<i32>} : memref<512xi32, #tpu.memory_space<vmem>>, vector<16xi32>,
    tpu.vector_store %arg6[%swap3A_349], %add3A_348 {strides = array<i32>} : memref<512xi32, #tpu.memory_space<vmem>>, vector<16xi32>,
    %all_reduce_population_count3A_351 = tpu.all_reduce %ne3A_340 {dim = 0 : i64, kind = #tpu.reduction_kind<sum>} : vector<16xi1> -> vector<16xi32>
    %add3A_352 = arith.addi %add3A_333, %all_reduce_population_count3A_351 : vector<16xi32>
    %get3A_353 = arith.constant 16 : index
    %get3A_354 = tpu.vector_load %arg5[%get3A_353] {strides = array<i32>} : memref<512xi32, #tpu.memory_space<vmem>>, vector<16xi32>,
    %ne3A_355 = arith.constant 1 : i32
    %ne3A_356 = vector.broadcast %ne3A_355 : i32 to vector<16xi32>
    %ne3A_357 = arith.cmpi ne, %get3A_354, %ne3A_356 : vector<16xi32>
    %convert_element_type3A_358 = arith.extui %ne3A_357 : vector<16xi1> to vector<16xi32>
    %broadcast_in_dim3A_359 = arith.constant true
    %broadcast_in_dim3A_360 = vector.broadcast %broadcast_in_dim3A_359 : i1 to vector<16xi1>
    %masked_cumsum3A_361 = tpu.scan <sum>, %convert_element_type3A_358 masked %broadcast_in_dim3A_360 : vector<16xi32>, vector<16xi1> -> vector<16xi32>
    %add3A_362 = arith.addi %add3A_352, %masked_cumsum3A_361 : vector<16xi32>
    %mul3A_363 = arith.muli %add3A_362, %convert_element_type3A_358 : vector<16xi32>
    %add3A_364 = arith.constant 1 : i32
    %add3A_365 = vector.broadcast %add3A_364 : i32 to vector<16xi32>
    %add3A_366 = arith.addi %mul3A_363, %add3A_365 : vector<16xi32>
    %swap3A_367 = arith.constant 16 : index
    %swap3A_368 = tpu.vector_load %arg6[%swap3A_367] {strides = array<i32>} : memref<512xi32, #tpu.memory_space<vmem>>, vector<16xi32>,
    tpu.vector_store %arg6[%swap3A_367], %add3A_366 {strides = array<i32>} : memref<512xi32, #tpu.memory_space<vmem>>, vector<16xi32>,
    %all_reduce_population_count3A_369 = tpu.all_reduce %ne3A_357 {dim = 0 : i64, kind = #tpu.reduction_kind<sum>} : vector<16xi1> -> vector<16xi32>
    %add3A_370 = arith.addi %add3A_352, %all_reduce_population_count3A_369 : vector<16xi32>
    %dma_start3A = arith.constant 0 : i32
    %dma_start3A_371 = tpu.memref_slice %arg6[%dma_start3A] : memref<512xi32, #tpu.memory_space<vmem>> -> memref<32xi32, #tpu.memory_space<vmem>>
    %dma_start3A_372 = arith.constant 0 : i32
    %dma_start3A_373 = arith.constant 0 : i32
    %dma_start3A_374 = tpu.memref_slice %arg3[%dma_start3A_372, %dma_start3A_373] : memref<16384x512xf32, #tpu.memory_space<hbm>> -> memref<16384x512xf32, #tpu.memory_space<hbm>>
    tpu.enqueue_indirect_dma source(%dma_start3A_374 : memref<16384x512xf32, #tpu.memory_space<hbm>>) target(%arg9 : memref<32x512xf32, #tpu.memory_space<vmem>>) offsets(%dma_start3A_371 : memref<32xi32, #tpu.memory_space<vmem>>) semaphore(%arg14 : memref<!tpu.dma_semaphore, #tpu.memory_space<semaphore_mem>>)
    %get3A_375 = arith.constant 32 : index
    %get3A_376 = tpu.vector_load %arg5[%get3A_375] {strides = array<i32>} : memref<512xi32, #tpu.memory_space<vmem>>, vector<16xi32>,
    %ne3A_377 = arith.constant 1 : i32
    %ne3A_378 = vector.broadcast %ne3A_377 : i32 to vector<16xi32>
    %ne3A_379 = arith.cmpi ne, %get3A_376, %ne3A_378 : vector<16xi32>
    %convert_element_type3A_380 = arith.extui %ne3A_379 : vector<16xi1> to vector<16xi32>
    %broadcast_in_dim3A_381 = arith.constant true
    %broadcast_in_dim3A_382 = vector.broadcast %broadcast_in_dim3A_381 : i1 to vector<16xi1>
    %masked_cumsum3A_383 = tpu.scan <sum>, %convert_element_type3A_380 masked %broadcast_in_dim3A_382 : vector<16xi32>, vector<16xi1> -> vector<16xi32>
    %add3A_384 = arith.addi %add3A_370, %masked_cumsum3A_383 : vector<16xi32>
    %mul3A_385 = arith.muli %add3A_384, %convert_element_type3A_380 : vector<16xi32>
    %add3A_386 = arith.constant 1 : i32
    %add3A_387 = vector.broadcast %add3A_386 : i32 to vector<16xi32>
    %add3A_388 = arith.addi %mul3A_385, %add3A_387 : vector<16xi32>
    %swap3A_389 = arith.constant 32 : index
    %swap3A_390 = tpu.vector_load %arg6[%swap3A_389] {strides = array<i32>} : memref<512xi32, #tpu.memory_space<vmem>>, vector<16xi32>,
    tpu.vector_store %arg6[%swap3A_389], %add3A_388 {strides = array<i32>} : memref<512xi32, #tpu.memory_space<vmem>>, vector<16xi32>,
    %all_reduce_population_count3A_391 = tpu.all_reduce %ne3A_379 {dim = 0 : i64, kind = #tpu.reduction_kind<sum>} : vector<16xi1> -> vector<16xi32>
    %add3A_392 = arith.addi %add3A_370, %all_reduce_population_count3A_391 : vector<16xi32>
    %get3A_393 = arith.constant 48 : index
    %get3A_394 = tpu.vector_load %arg5[%get3A_393] {strides = array<i32>} : memref<512xi32, #tpu.memory_space<vmem>>, vector<16xi32>,
    %ne3A_395 = arith.constant 1 : i32
    %ne3A_396 = vector.broadcast %ne3A_395 : i32 to vector<16xi32>
    %ne3A_397 = arith.cmpi ne, %get3A_394, %ne3A_396 : vector<16xi32>
    %convert_element_type3A_398 = arith.extui %ne3A_397 : vector<16xi1> to vector<16xi32>
    %broadcast_in_dim3A_399 = arith.constant true
    %broadcast_in_dim3A_400 = vector.broadcast %broadcast_in_dim3A_399 : i1 to vector<16xi1>
    %masked_cumsum3A_401 = tpu.scan <sum>, %convert_element_type3A_398 masked %broadcast_in_dim3A_400 : vector<16xi32>, vector<16xi1> -> vector<16xi32>
    %add3A_402 = arith.addi %add3A_392, %masked_cumsum3A_401 : vector<16xi32>
    %mul3A_403 = arith.muli %add3A_402, %convert_element_type3A_398 : vector<16xi32>
    %add3A_404 = arith.constant 1 : i32
    %add3A_405 = vector.broadcast %add3A_404 : i32 to vector<16xi32>
    %add3A_406 = arith.addi %mul3A_403, %add3A_405 : vector<16xi32>
    %swap3A_407 = arith.constant 48 : index
    %swap3A_408 = tpu.vector_load %arg6[%swap3A_407] {strides = array<i32>} : memref<512xi32, #tpu.memory_space<vmem>>, vector<16xi32>,
    tpu.vector_store %arg6[%swap3A_407], %add3A_406 {strides = array<i32>} : memref<512xi32, #tpu.memory_space<vmem>>, vector<16xi32>,
    %all_reduce_population_count3A_409 = tpu.all_reduce %ne3A_397 {dim = 0 : i64, kind = #tpu.reduction_kind<sum>} : vector<16xi1> -> vector<16xi32>
    %add3A_410 = arith.addi %add3A_392, %all_reduce_population_count3A_409 : vector<16xi32>
    %dma_start3A_411 = arith.constant 32 : i32
    %dma_start3A_412 = tpu.memref_slice %arg6[%dma_start3A_411] : memref<512xi32, #tpu.memory_space<vmem>> -> memref<32xi32, #tpu.memory_space<vmem>>
    %dma_start3A_413 = arith.constant 0 : i32
    %dma_start3A_414 = arith.constant 0 : i32
    %dma_start3A_415 = tpu.memref_slice %arg3[%dma_start3A_413, %dma_start3A_414] : memref<16384x512xf32, #tpu.memory_space<hbm>> -> memref<16384x512xf32, #tpu.memory_space<hbm>>
    tpu.enqueue_indirect_dma source(%dma_start3A_415 : memref<16384x512xf32, #tpu.memory_space<hbm>>) target(%arg10 : memref<32x512xf32, #tpu.memory_space<vmem>>) offsets(%dma_start3A_412 : memref<32xi32, #tpu.memory_space<vmem>>) semaphore(%arg15 : memref<!tpu.dma_semaphore, #tpu.memory_space<semaphore_mem>>)
    %get3A_416 = arith.constant 64 : index
    %get3A_417 = tpu.vector_load %arg5[%get3A_416] {strides = array<i32>} : memref<512xi32, #tpu.memory_space<vmem>>, vector<16xi32>,
    %ne3A_418 = arith.constant 1 : i32
    %ne3A_419 = vector.broadcast %ne3A_418 : i32 to vector<16xi32>
    %ne3A_420 = arith.cmpi ne, %get3A_417, %ne3A_419 : vector<16xi32>
    %convert_element_type3A_421 = arith.extui %ne3A_420 : vector<16xi1> to vector<16xi32>
    %broadcast_in_dim3A_422 = arith.constant true
    %broadcast_in_dim3A_423 = vector.broadcast %broadcast_in_dim3A_422 : i1 to vector<16xi1>
    %masked_cumsum3A_424 = tpu.scan <sum>, %convert_element_type3A_421 masked %broadcast_in_dim3A_423 : vector<16xi32>, vector<16xi1> -> vector<16xi32>
    %add3A_425 = arith.addi %add3A_410, %masked_cumsum3A_424 : vector<16xi32>
    %mul3A_426 = arith.muli %add3A_425, %convert_element_type3A_421 : vector<16xi32>
    %add3A_427 = arith.constant 1 : i32
    %add3A_428 = vector.broadcast %add3A_427 : i32 to vector<16xi32>
    %add3A_429 = arith.addi %mul3A_426, %add3A_428 : vector<16xi32>
    %swap3A_430 = arith.constant 64 : index
    %swap3A_431 = tpu.vector_load %arg6[%swap3A_430] {strides = array<i32>} : memref<512xi32, #tpu.memory_space<vmem>>, vector<16xi32>,
    tpu.vector_store %arg6[%swap3A_430], %add3A_429 {strides = array<i32>} : memref<512xi32, #tpu.memory_space<vmem>>, vector<16xi32>,
    %all_reduce_population_count3A_432 = tpu.all_reduce %ne3A_420 {dim = 0 : i64, kind = #tpu.reduction_kind<sum>} : vector<16xi1> -> vector<16xi32>
    %add3A_433 = arith.addi %add3A_410, %all_reduce_population_count3A_432 : vector<16xi32>
    %get3A_434 = arith.constant 80 : index
    %get3A_435 = tpu.vector_load %arg5[%get3A_434] {strides = array<i32>} : memref<512xi32, #tpu.memory_space<vmem>>, vector<16xi32>,
    %ne3A_436 = arith.constant 1 : i32
    %ne3A_437 = vector.broadcast %ne3A_436 : i32 to vector<16xi32>
    %ne3A_438 = arith.cmpi ne, %get3A_435, %ne3A_437 : vector<16xi32>
    %convert_element_type3A_439 = arith.extui %ne3A_438 : vector<16xi1> to vector<16xi32>
    %broadcast_in_dim3A_440 = arith.constant true
    %broadcast_in_dim3A_441 = vector.broadcast %broadcast_in_dim3A_440 : i1 to vector<16xi1>
    %masked_cumsum3A_442 = tpu.scan <sum>, %convert_element_type3A_439 masked %broadcast_in_dim3A_441 : vector<16xi32>, vector<16xi1> -> vector<16xi32>
    %add3A_443 = arith.addi %add3A_433, %masked_cumsum3A_442 : vector<16xi32>
    %mul3A_444 = arith.muli %add3A_443, %convert_element_type3A_439 : vector<16xi32>
    %add3A_445 = arith.constant 1 : i32
    %add3A_446 = vector.broadcast %add3A_445 : i32 to vector<16xi32>
    %add3A_447 = arith.addi %mul3A_444, %add3A_446 : vector<16xi32>
    %swap3A_448 = arith.constant 80 : index
    %swap3A_449 = tpu.vector_load %arg6[%swap3A_448] {strides = array<i32>} : memref<512xi32, #tpu.memory_space<vmem>>, vector<16xi32>,
    tpu.vector_store %arg6[%swap3A_448], %add3A_447 {strides = array<i32>} : memref<512xi32, #tpu.memory_space<vmem>>, vector<16xi32>,
    %all_reduce_population_count3A_450 = tpu.all_reduce %ne3A_438 {dim = 0 : i64, kind = #tpu.reduction_kind<sum>} : vector<16xi1> -> vector<16xi32>
    %add3A_451 = arith.addi %add3A_433, %all_reduce_population_count3A_450 : vector<16xi32>
    %dma_start3A_452 = arith.constant 64 : i32
    %dma_start3A_453 = tpu.memref_slice %arg6[%dma_start3A_452] : memref<512xi32, #tpu.memory_space<vmem>> -> memref<32xi32, #tpu.memory_space<vmem>>
    %dma_start3A_454 = arith.constant 0 : i32
    %dma_start3A_455 = arith.constant 0 : i32
    %dma_start3A_456 = tpu.memref_slice %arg3[%dma_start3A_454, %dma_start3A_455] : memref<16384x512xf32, #tpu.memory_space<hbm>> -> memref<16384x512xf32, #tpu.memory_space<hbm>>
    tpu.enqueue_indirect_dma source(%dma_start3A_456 : memref<16384x512xf32, #tpu.memory_space<hbm>>) target(%arg11 : memref<32x512xf32, #tpu.memory_space<vmem>>) offsets(%dma_start3A_453 : memref<32xi32, #tpu.memory_space<vmem>>) semaphore(%arg16 : memref<!tpu.dma_semaphore, #tpu.memory_space<semaphore_mem>>)
    %get3A_457 = arith.constant 96 : index
    %get3A_458 = tpu.vector_load %arg5[%get3A_457] {strides = array<i32>} : memref<512xi32, #tpu.memory_space<vmem>>, vector<16xi32>,
    %ne3A_459 = arith.constant 1 : i32
    %ne3A_460 = vector.broadcast %ne3A_459 : i32 to vector<16xi32>
    %ne3A_461 = arith.cmpi ne, %get3A_458, %ne3A_460 : vector<16xi32>
    %convert_element_type3A_462 = arith.extui %ne3A_461 : vector<16xi1> to vector<16xi32>
    %broadcast_in_dim3A_463 = arith.constant true
    %broadcast_in_dim3A_464 = vector.broadcast %broadcast_in_dim3A_463 : i1 to vector<16xi1>
    %masked_cumsum3A_465 = tpu.scan <sum>, %convert_element_type3A_462 masked %broadcast_in_dim3A_464 : vector<16xi32>, vector<16xi1> -> vector<16xi32>
    %add3A_466 = arith.addi %add3A_451, %masked_cumsum3A_465 : vector<16xi32>
    %mul3A_467 = arith.muli %add3A_466, %convert_element_type3A_462 : vector<16xi32>
    %add3A_468 = arith.constant 1 : i32
    %add3A_469 = vector.broadcast %add3A_468 : i32 to vector<16xi32>
    %add3A_470 = arith.addi %mul3A_467, %add3A_469 : vector<16xi32>
    %swap3A_471 = arith.constant 96 : index
    %swap3A_472 = tpu.vector_load %arg6[%swap3A_471] {strides = array<i32>} : memref<512xi32, #tpu.memory_space<vmem>>, vector<16xi32>,
    tpu.vector_store %arg6[%swap3A_471], %add3A_470 {strides = array<i32>} : memref<512xi32, #tpu.memory_space<vmem>>, vector<16xi32>,
    %all_reduce_population_count3A_473 = tpu.all_reduce %ne3A_461 {dim = 0 : i64, kind = #tpu.reduction_kind<sum>} : vector<16xi1> -> vector<16xi32>
    %add3A_474 = arith.addi %add3A_451, %all_reduce_population_count3A_473 : vector<16xi32>
    %get3A_475 = arith.constant 112 : index
    %get3A_476 = tpu.vector_load %arg5[%get3A_475] {strides = array<i32>} : memref<512xi32, #tpu.memory_space<vmem>>, vector<16xi32>,
    %ne3A_477 = arith.constant 1 : i32
    %ne3A_478 = vector.broadcast %ne3A_477 : i32 to vector<16xi32>
    %ne3A_479 = arith.cmpi ne, %get3A_476, %ne3A_478 : vector<16xi32>
    %convert_element_type3A_480 = arith.extui %ne3A_479 : vector<16xi1> to vector<16xi32>
    %broadcast_in_dim3A_481 = arith.constant true
    %broadcast_in_dim3A_482 = vector.broadcast %broadcast_in_dim3A_481 : i1 to vector<16xi1>
    %masked_cumsum3A_483 = tpu.scan <sum>, %convert_element_type3A_480 masked %broadcast_in_dim3A_482 : vector<16xi32>, vector<16xi1> -> vector<16xi32>
    %add3A_484 = arith.addi %add3A_474, %masked_cumsum3A_483 : vector<16xi32>
    %mul3A_485 = arith.muli %add3A_484, %convert_element_type3A_480 : vector<16xi32>
    %add3A_486 = arith.constant 1 : i32
    %add3A_487 = vector.broadcast %add3A_486 : i32 to vector<16xi32>
    %add3A_488 = arith.addi %mul3A_485, %add3A_487 : vector<16xi32>
    %swap3A_489 = arith.constant 112 : index
    %swap3A_490 = tpu.vector_load %arg6[%swap3A_489] {strides = array<i32>} : memref<512xi32, #tpu.memory_space<vmem>>, vector<16xi32>,
    tpu.vector_store %arg6[%swap3A_489], %add3A_488 {strides = array<i32>} : memref<512xi32, #tpu.memory_space<vmem>>, vector<16xi32>,
    %all_reduce_population_count3A_491 = tpu.all_reduce %ne3A_479 {dim = 0 : i64, kind = #tpu.reduction_kind<sum>} : vector<16xi1> -> vector<16xi32>
    %add3A_492 = arith.addi %add3A_474, %all_reduce_population_count3A_491 : vector<16xi32>
    %dma_start3A_493 = arith.constant 96 : i32
    %dma_start3A_494 = tpu.memref_slice %arg6[%dma_start3A_493] : memref<512xi32, #tpu.memory_space<vmem>> -> memref<32xi32, #tpu.memory_space<vmem>>
    %dma_start3A_495 = arith.constant 0 : i32
    %dma_start3A_496 = arith.constant 0 : i32
    %dma_start3A_497 = tpu.memref_slice %arg3[%dma_start3A_495, %dma_start3A_496] : memref<16384x512xf32, #tpu.memory_space<hbm>> -> memref<16384x512xf32, #tpu.memory_space<hbm>>
    tpu.enqueue_indirect_dma source(%dma_start3A_497 : memref<16384x512xf32, #tpu.memory_space<hbm>>) target(%arg12 : memref<32x512xf32, #tpu.memory_space<vmem>>) offsets(%dma_start3A_494 : memref<32xi32, #tpu.memory_space<vmem>>) semaphore(%arg17 : memref<!tpu.dma_semaphore, #tpu.memory_space<semaphore_mem>>)
    %dma_wait3A = arith.constant 0 : i32
    %dma_wait3A_498 = tpu.memref_slice %arg6[%dma_wait3A] : memref<512xi32, #tpu.memory_space<vmem>> -> memref<32xi32, #tpu.memory_space<vmem>>
    %dma_wait3A_499 = arith.constant 0 : i32
    %dma_wait3A_500 = arith.constant 0 : i32
    %dma_wait3A_501 = tpu.memref_slice %arg3[%dma_wait3A_499, %dma_wait3A_500] : memref<16384x512xf32, #tpu.memory_space<hbm>> -> memref<16384x512xf32, #tpu.memory_space<hbm>>
    tpu.wait_indirect_dma semaphore(%arg14 : memref<!tpu.dma_semaphore, #tpu.memory_space<semaphore_mem>>) src(%dma_wait3A_501 : memref<16384x512xf32, #tpu.memory_space<hbm>>) dst(%arg9 : memref<32x512xf32, #tpu.memory_space<vmem>>)
    %add3A_502 = arith.constant 0 : i32
    %add3A_503 = arith.addi %mul3A_335, %add3A_502 : i32
    %dma_start3A_504 = arith.constant 0 : i32
    %dma_start3A_505 = tpu.memref_slice %arg4[%add3A_503, %dma_start3A_504] : memref<16384x512xf32, #tpu.memory_space<hbm>> -> memref<32x512xf32, #tpu.memory_space<hbm>>
    %dma_start3A_506 = arith.constant 0 : i32
    %dma_start3A_507 = tpu.memref_slice %arg4[%add3A_503, %dma_start3A_506] : memref<16384x512xf32, #tpu.memory_space<hbm>> -> memref<32x512xf32, #tpu.memory_space<hbm>>
    tpu.enqueue_dma source(%arg9 : memref<32x512xf32, #tpu.memory_space<vmem>>) target(%dma_start3A_507 : memref<32x512xf32, #tpu.memory_space<hbm>>) target_semaphore(%arg19 : memref<!tpu.dma_semaphore, #tpu.memory_space<semaphore_mem>>)
    %get3A_508 = arith.constant 128 : index
    %get3A_509 = tpu.vector_load %arg5[%get3A_508] {strides = array<i32>} : memref<512xi32, #tpu.memory_space<vmem>>, vector<16xi32>,
    %ne3A_510 = arith.constant 1 : i32
    %ne3A_511 = vector.broadcast %ne3A_510 : i32 to vector<16xi32>
    %ne3A_512 = arith.cmpi ne, %get3A_509, %ne3A_511 : vector<16xi32>
    %convert_element_type3A_513 = arith.extui %ne3A_512 : vector<16xi1> to vector<16xi32>
    %broadcast_in_dim3A_514 = arith.constant true
    %broadcast_in_dim3A_515 = vector.broadcast %broadcast_in_dim3A_514 : i1 to vector<16xi1>
    %masked_cumsum3A_516 = tpu.scan <sum>, %convert_element_type3A_513 masked %broadcast_in_dim3A_515 : vector<16xi32>, vector<16xi1> -> vector<16xi32>
    %add3A_517 = arith.addi %add3A_492, %masked_cumsum3A_516 : vector<16xi32>
    %mul3A_518 = arith.muli %add3A_517, %convert_element_type3A_513 : vector<16xi32>
    %add3A_519 = arith.constant 1 : i32
    %add3A_520 = vector.broadcast %add3A_519 : i32 to vector<16xi32>
    %add3A_521 = arith.addi %mul3A_518, %add3A_520 : vector<16xi32>
    %swap3A_522 = arith.constant 128 : index
    %swap3A_523 = tpu.vector_load %arg6[%swap3A_522] {strides = array<i32>} : memref<512xi32, #tpu.memory_space<vmem>>, vector<16xi32>,
    tpu.vector_store %arg6[%swap3A_522], %add3A_521 {strides = array<i32>} : memref<512xi32, #tpu.memory_space<vmem>>, vector<16xi32>,
    %all_reduce_population_count3A_524 = tpu.all_reduce %ne3A_512 {dim = 0 : i64, kind = #tpu.reduction_kind<sum>} : vector<16xi1> -> vector<16xi32>
    %add3A_525 = arith.addi %add3A_492, %all_reduce_population_count3A_524 : vector<16xi32>
    %get3A_526 = arith.constant 144 : index
    %get3A_527 = tpu.vector_load %arg5[%get3A_526] {strides = array<i32>} : memref<512xi32, #tpu.memory_space<vmem>>, vector<16xi32>,
    %ne3A_528 = arith.constant 1 : i32
    %ne3A_529 = vector.broadcast %ne3A_528 : i32 to vector<16xi32>
    %ne3A_530 = arith.cmpi ne, %get3A_527, %ne3A_529 : vector<16xi32>
    %convert_element_type3A_531 = arith.extui %ne3A_530 : vector<16xi1> to vector<16xi32>
    %broadcast_in_dim3A_532 = arith.constant true
    %broadcast_in_dim3A_533 = vector.broadcast %broadcast_in_dim3A_532 : i1 to vector<16xi1>
    %masked_cumsum3A_534 = tpu.scan <sum>, %convert_element_type3A_531 masked %broadcast_in_dim3A_533 : vector<16xi32>, vector<16xi1> -> vector<16xi32>
    %add3A_535 = arith.addi %add3A_525, %masked_cumsum3A_534 : vector<16xi32>
    %mul3A_536 = arith.muli %add3A_535, %convert_element_type3A_531 : vector<16xi32>
    %add3A_537 = arith.constant 1 : i32
    %add3A_538 = vector.broadcast %add3A_537 : i32 to vector<16xi32>
    %add3A_539 = arith.addi %mul3A_536, %add3A_538 : vector<16xi32>
    %swap3A_540 = arith.constant 144 : index
    %swap3A_541 = tpu.vector_load %arg6[%swap3A_540] {strides = array<i32>} : memref<512xi32, #tpu.memory_space<vmem>>, vector<16xi32>,
    tpu.vector_store %arg6[%swap3A_540], %add3A_539 {strides = array<i32>} : memref<512xi32, #tpu.memory_space<vmem>>, vector<16xi32>,
    %all_reduce_population_count3A_542 = tpu.all_reduce %ne3A_530 {dim = 0 : i64, kind = #tpu.reduction_kind<sum>} : vector<16xi1> -> vector<16xi32>
    %add3A_543 = arith.addi %add3A_525, %all_reduce_population_count3A_542 : vector<16xi32>
    %dma_start3A_544 = arith.constant 128 : i32
    %dma_start3A_545 = tpu.memref_slice %arg6[%dma_start3A_544] : memref<512xi32, #tpu.memory_space<vmem>> -> memref<32xi32, #tpu.memory_space<vmem>>
    %dma_start3A_546 = arith.constant 0 : i32
    %dma_start3A_547 = arith.constant 0 : i32
    %dma_start3A_548 = tpu.memref_slice %arg3[%dma_start3A_546, %dma_start3A_547] : memref<16384x512xf32, #tpu.memory_space<hbm>> -> memref<16384x512xf32, #tpu.memory_space<hbm>>
    tpu.enqueue_indirect_dma source(%dma_start3A_548 : memref<16384x512xf32, #tpu.memory_space<hbm>>) target(%arg13 : memref<32x512xf32, #tpu.memory_space<vmem>>) offsets(%dma_start3A_545 : memref<32xi32, #tpu.memory_space<vmem>>) semaphore(%arg18 : memref<!tpu.dma_semaphore, #tpu.memory_space<semaphore_mem>>)
    %dma_wait3A_549 = arith.constant 32 : i32
    %dma_wait3A_550 = tpu.memref_slice %arg6[%dma_wait3A_549] : memref<512xi32, #tpu.memory_space<vmem>> -> memref<32xi32, #tpu.memory_space<vmem>>
    %dma_wait3A_551 = arith.constant 0 : i32
    %dma_wait3A_552 = arith.constant 0 : i32
    %dma_wait3A_553 = tpu.memref_slice %arg3[%dma_wait3A_551, %dma_wait3A_552] : memref<16384x512xf32, #tpu.memory_space<hbm>> -> memref<16384x512xf32, #tpu.memory_space<hbm>>
    tpu.wait_indirect_dma semaphore(%arg15 : memref<!tpu.dma_semaphore, #tpu.memory_space<semaphore_mem>>) src(%dma_wait3A_553 : memref<16384x512xf32, #tpu.memory_space<hbm>>) dst(%arg10 : memref<32x512xf32, #tpu.memory_space<vmem>>)
    %add3A_554 = arith.constant 32 : i32
    %add3A_555 = arith.addi %mul3A_335, %add3A_554 : i32
    %dma_start3A_556 = arith.constant 0 : i32
    %dma_start3A_557 = tpu.memref_slice %arg4[%add3A_555, %dma_start3A_556] : memref<16384x512xf32, #tpu.memory_space<hbm>> -> memref<32x512xf32, #tpu.memory_space<hbm>>
    %dma_start3A_558 = arith.constant 0 : i32
    %dma_start3A_559 = tpu.memref_slice %arg4[%add3A_555, %dma_start3A_558] : memref<16384x512xf32, #tpu.memory_space<hbm>> -> memref<32x512xf32, #tpu.memory_space<hbm>>
    tpu.enqueue_dma source(%arg10 : memref<32x512xf32, #tpu.memory_space<vmem>>) target(%dma_start3A_559 : memref<32x512xf32, #tpu.memory_space<hbm>>) target_semaphore(%arg20 : memref<!tpu.dma_semaphore, #tpu.memory_space<semaphore_mem>>)
    %get3A_560 = arith.constant 160 : index
    %get3A_561 = tpu.vector_load %arg5[%get3A_560] {strides = array<i32>} : memref<512xi32, #tpu.memory_space<vmem>>, vector<16xi32>,
    %ne3A_562 = arith.constant 1 : i32
    %ne3A_563 = vector.broadcast %ne3A_562 : i32 to vector<16xi32>
    %ne3A_564 = arith.cmpi ne, %get3A_561, %ne3A_563 : vector<16xi32>
    %convert_element_type3A_565 = arith.extui %ne3A_564 : vector<16xi1> to vector<16xi32>
    %broadcast_in_dim3A_566 = arith.constant true
    %broadcast_in_dim3A_567 = vector.broadcast %broadcast_in_dim3A_566 : i1 to vector<16xi1>
    %masked_cumsum3A_568 = tpu.scan <sum>, %convert_element_type3A_565 masked %broadcast_in_dim3A_567 : vector<16xi32>, vector<16xi1> -> vector<16xi32>
    %add3A_569 = arith.addi %add3A_543, %masked_cumsum3A_568 : vector<16xi32>
    %mul3A_570 = arith.muli %add3A_569, %convert_element_type3A_565 : vector<16xi32>
    %add3A_571 = arith.constant 1 : i32
    %add3A_572 = vector.broadcast %add3A_571 : i32 to vector<16xi32>
    %add3A_573 = arith.addi %mul3A_570, %add3A_572 : vector<16xi32>
    %swap3A_574 = arith.constant 160 : index
    %swap3A_575 = tpu.vector_load %arg6[%swap3A_574] {strides = array<i32>} : memref<512xi32, #tpu.memory_space<vmem>>, vector<16xi32>,
    tpu.vector_store %arg6[%swap3A_574], %add3A_573 {strides = array<i32>} : memref<512xi32, #tpu.memory_space<vmem>>, vector<16xi32>,
    %all_reduce_population_count3A_576 = tpu.all_reduce %ne3A_564 {dim = 0 : i64, kind = #tpu.reduction_kind<sum>} : vector<16xi1> -> vector<16xi32>
    %add3A_577 = arith.addi %add3A_543, %all_reduce_population_count3A_576 : vector<16xi32>
    %get3A_578 = arith.constant 176 : index
    %get3A_579 = tpu.vector_load %arg5[%get3A_578] {strides = array<i32>} : memref<512xi32, #tpu.memory_space<vmem>>, vector<16xi32>,
    %ne3A_580 = arith.constant 1 : i32
    %ne3A_581 = vector.broadcast %ne3A_580 : i32 to vector<16xi32>
    %ne3A_582 = arith.cmpi ne, %get3A_579, %ne3A_581 : vector<16xi32>
    %convert_element_type3A_583 = arith.extui %ne3A_582 : vector<16xi1> to vector<16xi32>
    %broadcast_in_dim3A_584 = arith.constant true
    %broadcast_in_dim3A_585 = vector.broadcast %broadcast_in_dim3A_584 : i1 to vector<16xi1>
    %masked_cumsum3A_586 = tpu.scan <sum>, %convert_element_type3A_583 masked %broadcast_in_dim3A_585 : vector<16xi32>, vector<16xi1> -> vector<16xi32>
    %add3A_587 = arith.addi %add3A_577, %masked_cumsum3A_586 : vector<16xi32>
    %mul3A_588 = arith.muli %add3A_587, %convert_element_type3A_583 : vector<16xi32>
    %add3A_589 = arith.constant 1 : i32
    %add3A_590 = vector.broadcast %add3A_589 : i32 to vector<16xi32>
    %add3A_591 = arith.addi %mul3A_588, %add3A_590 : vector<16xi32>
    %swap3A_592 = arith.constant 176 : index
    %swap3A_593 = tpu.vector_load %arg6[%swap3A_592] {strides = array<i32>} : memref<512xi32, #tpu.memory_space<vmem>>, vector<16xi32>,
    tpu.vector_store %arg6[%swap3A_592], %add3A_591 {strides = array<i32>} : memref<512xi32, #tpu.memory_space<vmem>>, vector<16xi32>,
    %all_reduce_population_count3A_594 = tpu.all_reduce %ne3A_582 {dim = 0 : i64, kind = #tpu.reduction_kind<sum>} : vector<16xi1> -> vector<16xi32>
    %add3A_595 = arith.addi %add3A_577, %all_reduce_population_count3A_594 : vector<16xi32>
    %dma_wait3A_596 = arith.constant 0 : i32
    %dma_wait3A_597 = tpu.memref_slice %arg4[%add3A_503, %dma_wait3A_596] : memref<16384x512xf32, #tpu.memory_space<hbm>> -> memref<32x512xf32, #tpu.memory_space<hbm>>
    %dma_wait3A_598 = arith.constant 0 : i32
    %dma_wait3A_599 = tpu.memref_slice %arg4[%add3A_503, %dma_wait3A_598] : memref<16384x512xf32, #tpu.memory_space<hbm>> -> memref<32x512xf32, #tpu.memory_space<hbm>>
    tpu.wait_dma2 semaphore(%arg19 : memref<!tpu.dma_semaphore, #tpu.memory_space<semaphore_mem>>) src(%arg9 : memref<32x512xf32, #tpu.memory_space<vmem>>) dst(%dma_wait3A_599 : memref<32x512xf32, #tpu.memory_space<hbm>>)
    %dma_start3A_600 = arith.constant 160 : i32
    %dma_start3A_601 = tpu.memref_slice %arg6[%dma_start3A_600] : memref<512xi32, #tpu.memory_space<vmem>> -> memref<32xi32, #tpu.memory_space<vmem>>
    %dma_start3A_602 = arith.constant 0 : i32
    %dma_start3A_603 = arith.constant 0 : i32
    %dma_start3A_604 = tpu.memref_slice %arg3[%dma_start3A_602, %dma_start3A_603] : memref<16384x512xf32, #tpu.memory_space<hbm>> -> memref<16384x512xf32, #tpu.memory_space<hbm>>
    tpu.enqueue_indirect_dma source(%dma_start3A_604 : memref<16384x512xf32, #tpu.memory_space<hbm>>) target(%arg9 : memref<32x512xf32, #tpu.memory_space<vmem>>) offsets(%dma_start3A_601 : memref<32xi32, #tpu.memory_space<vmem>>) semaphore(%arg14 : memref<!tpu.dma_semaphore, #tpu.memory_space<semaphore_mem>>)
    %dma_wait3A_605 = arith.constant 64 : i32
    %dma_wait3A_606 = tpu.memref_slice %arg6[%dma_wait3A_605] : memref<512xi32, #tpu.memory_space<vmem>> -> memref<32xi32, #tpu.memory_space<vmem>>
    %dma_wait3A_607 = arith.constant 0 : i32
    %dma_wait3A_608 = arith.constant 0 : i32
    %dma_wait3A_609 = tpu.memref_slice %arg3[%dma_wait3A_607, %dma_wait3A_608] : memref<16384x512xf32, #tpu.memory_space<hbm>> -> memref<16384x512xf32, #tpu.memory_space<hbm>>
    tpu.wait_indirect_dma semaphore(%arg16 : memref<!tpu.dma_semaphore, #tpu.memory_space<semaphore_mem>>) src(%dma_wait3A_609 : memref<16384x512xf32, #tpu.memory_space<hbm>>) dst(%arg11 : memref<32x512xf32, #tpu.memory_space<vmem>>)
    %add3A_610 = arith.constant 64 : i32
    %add3A_611 = arith.addi %mul3A_335, %add3A_610 : i32
    %dma_start3A_612 = arith.constant 0 : i32
    %dma_start3A_613 = tpu.memref_slice %arg4[%add3A_611, %dma_start3A_612] : memref<16384x512xf32, #tpu.memory_space<hbm>> -> memref<32x512xf32, #tpu.memory_space<hbm>>
    %dma_start3A_614 = arith.constant 0 : i32
    %dma_start3A_615 = tpu.memref_slice %arg4[%add3A_611, %dma_start3A_614] : memref<16384x512xf32, #tpu.memory_space<hbm>> -> memref<32x512xf32, #tpu.memory_space<hbm>>
    tpu.enqueue_dma source(%arg11 : memref<32x512xf32, #tpu.memory_space<vmem>>) target(%dma_start3A_615 : memref<32x512xf32, #tpu.memory_space<hbm>>) target_semaphore(%arg21 : memref<!tpu.dma_semaphore, #tpu.memory_space<semaphore_mem>>)
    %get3A_616 = arith.constant 192 : index
    %get3A_617 = tpu.vector_load %arg5[%get3A_616] {strides = array<i32>} : memref<512xi32, #tpu.memory_space<vmem>>, vector<16xi32>,
    %ne3A_618 = arith.constant 1 : i32
    %ne3A_619 = vector.broadcast %ne3A_618 : i32 to vector<16xi32>
    %ne3A_620 = arith.cmpi ne, %get3A_617, %ne3A_619 : vector<16xi32>
    %convert_element_type3A_621 = arith.extui %ne3A_620 : vector<16xi1> to vector<16xi32>
    %broadcast_in_dim3A_622 = arith.constant true
    %broadcast_in_dim3A_623 = vector.broadcast %broadcast_in_dim3A_622 : i1 to vector<16xi1>
    %masked_cumsum3A_624 = tpu.scan <sum>, %convert_element_type3A_621 masked %broadcast_in_dim3A_623 : vector<16xi32>, vector<16xi1> -> vector<16xi32>
    %add3A_625 = arith.addi %add3A_595, %masked_cumsum3A_624 : vector<16xi32>
    %mul3A_626 = arith.muli %add3A_625, %convert_element_type3A_621 : vector<16xi32>
    %add3A_627 = arith.constant 1 : i32
    %add3A_628 = vector.broadcast %add3A_627 : i32 to vector<16xi32>
    %add3A_629 = arith.addi %mul3A_626, %add3A_628 : vector<16xi32>
    %swap3A_630 = arith.constant 192 : index
    %swap3A_631 = tpu.vector_load %arg6[%swap3A_630] {strides = array<i32>} : memref<512xi32, #tpu.memory_space<vmem>>, vector<16xi32>,
    tpu.vector_store %arg6[%swap3A_630], %add3A_629 {strides = array<i32>} : memref<512xi32, #tpu.memory_space<vmem>>, vector<16xi32>,
    %all_reduce_population_count3A_632 = tpu.all_reduce %ne3A_620 {dim = 0 : i64, kind = #tpu.reduction_kind<sum>} : vector<16xi1> -> vector<16xi32>
    %add3A_633 = arith.addi %add3A_595, %all_reduce_population_count3A_632 : vector<16xi32>
    %get3A_634 = arith.constant 208 : index
    %get3A_635 = tpu.vector_load %arg5[%get3A_634] {strides = array<i32>} : memref<512xi32, #tpu.memory_space<vmem>>, vector<16xi32>,
    %ne3A_636 = arith.constant 1 : i32
    %ne3A_637 = vector.broadcast %ne3A_636 : i32 to vector<16xi32>
    %ne3A_638 = arith.cmpi ne, %get3A_635, %ne3A_637 : vector<16xi32>
    %convert_element_type3A_639 = arith.extui %ne3A_638 : vector<16xi1> to vector<16xi32>
    %broadcast_in_dim3A_640 = arith.constant true
    %broadcast_in_dim3A_641 = vector.broadcast %broadcast_in_dim3A_640 : i1 to vector<16xi1>
    %masked_cumsum3A_642 = tpu.scan <sum>, %convert_element_type3A_639 masked %broadcast_in_dim3A_641 : vector<16xi32>, vector<16xi1> -> vector<16xi32>
    %add3A_643 = arith.addi %add3A_633, %masked_cumsum3A_642 : vector<16xi32>
    %mul3A_644 = arith.muli %add3A_643, %convert_element_type3A_639 : vector<16xi32>
    %add3A_645 = arith.constant 1 : i32
    %add3A_646 = vector.broadcast %add3A_645 : i32 to vector<16xi32>
    %add3A_647 = arith.addi %mul3A_644, %add3A_646 : vector<16xi32>
    %swap3A_648 = arith.constant 208 : index
    %swap3A_649 = tpu.vector_load %arg6[%swap3A_648] {strides = array<i32>} : memref<512xi32, #tpu.memory_space<vmem>>, vector<16xi32>,
    tpu.vector_store %arg6[%swap3A_648], %add3A_647 {strides = array<i32>} : memref<512xi32, #tpu.memory_space<vmem>>, vector<16xi32>,
    %all_reduce_population_count3A_650 = tpu.all_reduce %ne3A_638 {dim = 0 : i64, kind = #tpu.reduction_kind<sum>} : vector<16xi1> -> vector<16xi32>
    %add3A_651 = arith.addi %add3A_633, %all_reduce_population_count3A_650 : vector<16xi32>
    %dma_wait3A_652 = arith.constant 0 : i32
    %dma_wait3A_653 = tpu.memref_slice %arg4[%add3A_555, %dma_wait3A_652] : memref<16384x512xf32, #tpu.memory_space<hbm>> -> memref<32x512xf32, #tpu.memory_space<hbm>>
    %dma_wait3A_654 = arith.constant 0 : i32
    %dma_wait3A_655 = tpu.memref_slice %arg4[%add3A_555, %dma_wait3A_654] : memref<16384x512xf32, #tpu.memory_space<hbm>> -> memref<32x512xf32, #tpu.memory_space<hbm>>
    tpu.wait_dma2 semaphore(%arg20 : memref<!tpu.dma_semaphore, #tpu.memory_space<semaphore_mem>>) src(%arg10 : memref<32x512xf32, #tpu.memory_space<vmem>>) dst(%dma_wait3A_655 : memref<32x512xf32, #tpu.memory_space<hbm>>)
    %dma_start3A_656 = arith.constant 192 : i32
    %dma_start3A_657 = tpu.memref_slice %arg6[%dma_start3A_656] : memref<512xi32, #tpu.memory_space<vmem>> -> memref<32xi32, #tpu.memory_space<vmem>>
    %dma_start3A_658 = arith.constant 0 : i32
    %dma_start3A_659 = arith.constant 0 : i32
    %dma_start3A_660 = tpu.memref_slice %arg3[%dma_start3A_658, %dma_start3A_659] : memref<16384x512xf32, #tpu.memory_space<hbm>> -> memref<16384x512xf32, #tpu.memory_space<hbm>>
    tpu.enqueue_indirect_dma source(%dma_start3A_660 : memref<16384x512xf32, #tpu.memory_space<hbm>>) target(%arg10 : memref<32x512xf32, #tpu.memory_space<vmem>>) offsets(%dma_start3A_657 : memref<32xi32, #tpu.memory_space<vmem>>) semaphore(%arg15 : memref<!tpu.dma_semaphore, #tpu.memory_space<semaphore_mem>>)
    %dma_wait3A_661 = arith.constant 96 : i32
    %dma_wait3A_662 = tpu.memref_slice %arg6[%dma_wait3A_661] : memref<512xi32, #tpu.memory_space<vmem>> -> memref<32xi32, #tpu.memory_space<vmem>>
    %dma_wait3A_663 = arith.constant 0 : i32
    %dma_wait3A_664 = arith.constant 0 : i32
    %dma_wait3A_665 = tpu.memref_slice %arg3[%dma_wait3A_663, %dma_wait3A_664] : memref<16384x512xf32, #tpu.memory_space<hbm>> -> memref<16384x512xf32, #tpu.memory_space<hbm>>
    tpu.wait_indirect_dma semaphore(%arg17 : memref<!tpu.dma_semaphore, #tpu.memory_space<semaphore_mem>>) src(%dma_wait3A_665 : memref<16384x512xf32, #tpu.memory_space<hbm>>) dst(%arg12 : memref<32x512xf32, #tpu.memory_space<vmem>>)
    %add3A_666 = arith.constant 96 : i32
    %add3A_667 = arith.addi %mul3A_335, %add3A_666 : i32
    %dma_start3A_668 = arith.constant 0 : i32
    %dma_start3A_669 = tpu.memref_slice %arg4[%add3A_667, %dma_start3A_668] : memref<16384x512xf32, #tpu.memory_space<hbm>> -> memref<32x512xf32, #tpu.memory_space<hbm>>
    %dma_start3A_670 = arith.constant 0 : i32
    %dma_start3A_671 = tpu.memref_slice %arg4[%add3A_667, %dma_start3A_670] : memref<16384x512xf32, #tpu.memory_space<hbm>> -> memref<32x512xf32, #tpu.memory_space<hbm>>
    tpu.enqueue_dma source(%arg12 : memref<32x512xf32, #tpu.memory_space<vmem>>) target(%dma_start3A_671 : memref<32x512xf32, #tpu.memory_space<hbm>>) target_semaphore(%arg22 : memref<!tpu.dma_semaphore, #tpu.memory_space<semaphore_mem>>)
    %get3A_672 = arith.constant 224 : index
    %get3A_673 = tpu.vector_load %arg5[%get3A_672] {strides = array<i32>} : memref<512xi32, #tpu.memory_space<vmem>>, vector<16xi32>,
    %ne3A_674 = arith.constant 1 : i32
    %ne3A_675 = vector.broadcast %ne3A_674 : i32 to vector<16xi32>
    %ne3A_676 = arith.cmpi ne, %get3A_673, %ne3A_675 : vector<16xi32>
    %convert_element_type3A_677 = arith.extui %ne3A_676 : vector<16xi1> to vector<16xi32>
    %broadcast_in_dim3A_678 = arith.constant true
    %broadcast_in_dim3A_679 = vector.broadcast %broadcast_in_dim3A_678 : i1 to vector<16xi1>
    %masked_cumsum3A_680 = tpu.scan <sum>, %convert_element_type3A_677 masked %broadcast_in_dim3A_679 : vector<16xi32>, vector<16xi1> -> vector<16xi32>
    %add3A_681 = arith.addi %add3A_651, %masked_cumsum3A_680 : vector<16xi32>
    %mul3A_682 = arith.muli %add3A_681, %convert_element_type3A_677 : vector<16xi32>
    %add3A_683 = arith.constant 1 : i32
    %add3A_684 = vector.broadcast %add3A_683 : i32 to vector<16xi32>
    %add3A_685 = arith.addi %mul3A_682, %add3A_684 : vector<16xi32>
    %swap3A_686 = arith.constant 224 : index
    %swap3A_687 = tpu.vector_load %arg6[%swap3A_686] {strides = array<i32>} : memref<512xi32, #tpu.memory_space<vmem>>, vector<16xi32>,
    tpu.vector_store %arg6[%swap3A_686], %add3A_685 {strides = array<i32>} : memref<512xi32, #tpu.memory_space<vmem>>, vector<16xi32>,
    %all_reduce_population_count3A_688 = tpu.all_reduce %ne3A_676 {dim = 0 : i64, kind = #tpu.reduction_kind<sum>} : vector<16xi1> -> vector<16xi32>
    %add3A_689 = arith.addi %add3A_651, %all_reduce_population_count3A_688 : vector<16xi32>
    %get3A_690 = arith.constant 240 : index
    %get3A_691 = tpu.vector_load %arg5[%get3A_690] {strides = array<i32>} : memref<512xi32, #tpu.memory_space<vmem>>, vector<16xi32>,
    %ne3A_692 = arith.constant 1 : i32
    %ne3A_693 = vector.broadcast %ne3A_692 : i32 to vector<16xi32>
    %ne3A_694 = arith.cmpi ne, %get3A_691, %ne3A_693 : vector<16xi32>
    %convert_element_type3A_695 = arith.extui %ne3A_694 : vector<16xi1> to vector<16xi32>
    %broadcast_in_dim3A_696 = arith.constant true
    %broadcast_in_dim3A_697 = vector.broadcast %broadcast_in_dim3A_696 : i1 to vector<16xi1>
    %masked_cumsum3A_698 = tpu.scan <sum>, %convert_element_type3A_695 masked %broadcast_in_dim3A_697 : vector<16xi32>, vector<16xi1> -> vector<16xi32>
    %add3A_699 = arith.addi %add3A_689, %masked_cumsum3A_698 : vector<16xi32>
    %mul3A_700 = arith.muli %add3A_699, %convert_element_type3A_695 : vector<16xi32>
    %add3A_701 = arith.constant 1 : i32
    %add3A_702 = vector.broadcast %add3A_701 : i32 to vector<16xi32>
    %add3A_703 = arith.addi %mul3A_700, %add3A_702 : vector<16xi32>
    %swap3A_704 = arith.constant 240 : index
    %swap3A_705 = tpu.vector_load %arg6[%swap3A_704] {strides = array<i32>} : memref<512xi32, #tpu.memory_space<vmem>>, vector<16xi32>,
    tpu.vector_store %arg6[%swap3A_704], %add3A_703 {strides = array<i32>} : memref<512xi32, #tpu.memory_space<vmem>>, vector<16xi32>,
    %all_reduce_population_count3A_706 = tpu.all_reduce %ne3A_694 {dim = 0 : i64, kind = #tpu.reduction_kind<sum>} : vector<16xi1> -> vector<16xi32>
    %add3A_707 = arith.addi %add3A_689, %all_reduce_population_count3A_706 : vector<16xi32>
    %dma_wait3A_708 = arith.constant 0 : i32
    %dma_wait3A_709 = tpu.memref_slice %arg4[%add3A_611, %dma_wait3A_708] : memref<16384x512xf32, #tpu.memory_space<hbm>> -> memref<32x512xf32, #tpu.memory_space<hbm>>
    %dma_wait3A_710 = arith.constant 0 : i32
    %dma_wait3A_711 = tpu.memref_slice %arg4[%add3A_611, %dma_wait3A_710] : memref<16384x512xf32, #tpu.memory_space<hbm>> -> memref<32x512xf32, #tpu.memory_space<hbm>>
    tpu.wait_dma2 semaphore(%arg21 : memref<!tpu.dma_semaphore, #tpu.memory_space<semaphore_mem>>) src(%arg11 : memref<32x512xf32, #tpu.memory_space<vmem>>) dst(%dma_wait3A_711 : memref<32x512xf32, #tpu.memory_space<hbm>>)
    %dma_start3A_712 = arith.constant 224 : i32
    %dma_start3A_713 = tpu.memref_slice %arg6[%dma_start3A_712] : memref<512xi32, #tpu.memory_space<vmem>> -> memref<32xi32, #tpu.memory_space<vmem>>
    %dma_start3A_714 = arith.constant 0 : i32
    %dma_start3A_715 = arith.constant 0 : i32
    %dma_start3A_716 = tpu.memref_slice %arg3[%dma_start3A_714, %dma_start3A_715] : memref<16384x512xf32, #tpu.memory_space<hbm>> -> memref<16384x512xf32, #tpu.memory_space<hbm>>
    tpu.enqueue_indirect_dma source(%dma_start3A_716 : memref<16384x512xf32, #tpu.memory_space<hbm>>) target(%arg11 : memref<32x512xf32, #tpu.memory_space<vmem>>) offsets(%dma_start3A_713 : memref<32xi32, #tpu.memory_space<vmem>>) semaphore(%arg16 : memref<!tpu.dma_semaphore, #tpu.memory_space<semaphore_mem>>)
    %dma_wait3A_717 = arith.constant 128 : i32
    %dma_wait3A_718 = tpu.memref_slice %arg6[%dma_wait3A_717] : memref<512xi32, #tpu.memory_space<vmem>> -> memref<32xi32, #tpu.memory_space<vmem>>
    %dma_wait3A_719 = arith.constant 0 : i32
    %dma_wait3A_720 = arith.constant 0 : i32
    %dma_wait3A_721 = tpu.memref_slice %arg3[%dma_wait3A_719, %dma_wait3A_720] : memref<16384x512xf32, #tpu.memory_space<hbm>> -> memref<16384x512xf32, #tpu.memory_space<hbm>>
    tpu.wait_indirect_dma semaphore(%arg18 : memref<!tpu.dma_semaphore, #tpu.memory_space<semaphore_mem>>) src(%dma_wait3A_721 : memref<16384x512xf32, #tpu.memory_space<hbm>>) dst(%arg13 : memref<32x512xf32, #tpu.memory_space<vmem>>)
    %add3A_722 = arith.constant 128 : i32
    %add3A_723 = arith.addi %mul3A_335, %add3A_722 : i32
    %dma_start3A_724 = arith.constant 0 : i32
    %dma_start3A_725 = tpu.memref_slice %arg4[%add3A_723, %dma_start3A_724] : memref<16384x512xf32, #tpu.memory_space<hbm>> -> memref<32x512xf32, #tpu.memory_space<hbm>>
    %dma_start3A_726 = arith.constant 0 : i32
    %dma_start3A_727 = tpu.memref_slice %arg4[%add3A_723, %dma_start3A_726] : memref<16384x512xf32, #tpu.memory_space<hbm>> -> memref<32x512xf32, #tpu.memory_space<hbm>>
    tpu.enqueue_dma source(%arg13 : memref<32x512xf32, #tpu.memory_space<vmem>>) target(%dma_start3A_727 : memref<32x512xf32, #tpu.memory_space<hbm>>) target_semaphore(%arg23 : memref<!tpu.dma_semaphore, #tpu.memory_space<semaphore_mem>>)
    %get3A_728 = arith.constant 256 : index
    %get3A_729 = tpu.vector_load %arg5[%get3A_728] {strides = array<i32>} : memref<512xi32, #tpu.memory_space<vmem>>, vector<16xi32>,
    %ne3A_730 = arith.constant 1 : i32
    %ne3A_731 = vector.broadcast %ne3A_730 : i32 to vector<16xi32>
    %ne3A_732 = arith.cmpi ne, %get3A_729, %ne3A_731 : vector<16xi32>
    %convert_element_type3A_733 = arith.extui %ne3A_732 : vector<16xi1> to vector<16xi32>
    %broadcast_in_dim3A_734 = arith.constant true
    %broadcast_in_dim3A_735 = vector.broadcast %broadcast_in_dim3A_734 : i1 to vector<16xi1>
    %masked_cumsum3A_736 = tpu.scan <sum>, %convert_element_type3A_733 masked %broadcast_in_dim3A_735 : vector<16xi32>, vector<16xi1> -> vector<16xi32>
    %add3A_737 = arith.addi %add3A_707, %masked_cumsum3A_736 : vector<16xi32>
    %mul3A_738 = arith.muli %add3A_737, %convert_element_type3A_733 : vector<16xi32>
    %add3A_739 = arith.constant 1 : i32
    %add3A_740 = vector.broadcast %add3A_739 : i32 to vector<16xi32>
    %add3A_741 = arith.addi %mul3A_738, %add3A_740 : vector<16xi32>
    %swap3A_742 = arith.constant 256 : index
    %swap3A_743 = tpu.vector_load %arg6[%swap3A_742] {strides = array<i32>} : memref<512xi32, #tpu.memory_space<vmem>>, vector<16xi32>,
    tpu.vector_store %arg6[%swap3A_742], %add3A_741 {strides = array<i32>} : memref<512xi32, #tpu.memory_space<vmem>>, vector<16xi32>,
    %all_reduce_population_count3A_744 = tpu.all_reduce %ne3A_732 {dim = 0 : i64, kind = #tpu.reduction_kind<sum>} : vector<16xi1> -> vector<16xi32>
    %add3A_745 = arith.addi %add3A_707, %all_reduce_population_count3A_744 : vector<16xi32>
    %get3A_746 = arith.constant 272 : index
    %get3A_747 = tpu.vector_load %arg5[%get3A_746] {strides = array<i32>} : memref<512xi32, #tpu.memory_space<vmem>>, vector<16xi32>,
    %ne3A_748 = arith.constant 1 : i32
    %ne3A_749 = vector.broadcast %ne3A_748 : i32 to vector<16xi32>
    %ne3A_750 = arith.cmpi ne, %get3A_747, %ne3A_749 : vector<16xi32>
    %convert_element_type3A_751 = arith.extui %ne3A_750 : vector<16xi1> to vector<16xi32>
    %broadcast_in_dim3A_752 = arith.constant true
    %broadcast_in_dim3A_753 = vector.broadcast %broadcast_in_dim3A_752 : i1 to vector<16xi1>
    %masked_cumsum3A_754 = tpu.scan <sum>, %convert_element_type3A_751 masked %broadcast_in_dim3A_753 : vector<16xi32>, vector<16xi1> -> vector<16xi32>
    %add3A_755 = arith.addi %add3A_745, %masked_cumsum3A_754 : vector<16xi32>
    %mul3A_756 = arith.muli %add3A_755, %convert_element_type3A_751 : vector<16xi32>
    %add3A_757 = arith.constant 1 : i32
    %add3A_758 = vector.broadcast %add3A_757 : i32 to vector<16xi32>
    %add3A_759 = arith.addi %mul3A_756, %add3A_758 : vector<16xi32>
    %swap3A_760 = arith.constant 272 : index
    %swap3A_761 = tpu.vector_load %arg6[%swap3A_760] {strides = array<i32>} : memref<512xi32, #tpu.memory_space<vmem>>, vector<16xi32>,
    tpu.vector_store %arg6[%swap3A_760], %add3A_759 {strides = array<i32>} : memref<512xi32, #tpu.memory_space<vmem>>, vector<16xi32>,
    %all_reduce_population_count3A_762 = tpu.all_reduce %ne3A_750 {dim = 0 : i64, kind = #tpu.reduction_kind<sum>} : vector<16xi1> -> vector<16xi32>
    %add3A_763 = arith.addi %add3A_745, %all_reduce_population_count3A_762 : vector<16xi32>
    %dma_wait3A_764 = arith.constant 0 : i32
    %dma_wait3A_765 = tpu.memref_slice %arg4[%add3A_667, %dma_wait3A_764] : memref<16384x512xf32, #tpu.memory_space<hbm>> -> memref<32x512xf32, #tpu.memory_space<hbm>>
    %dma_wait3A_766 = arith.constant 0 : i32
    %dma_wait3A_767 = tpu.memref_slice %arg4[%add3A_667, %dma_wait3A_766] : memref<16384x512xf32, #tpu.memory_space<hbm>> -> memref<32x512xf32, #tpu.memory_space<hbm>>
    tpu.wait_dma2 semaphore(%arg22 : memref<!tpu.dma_semaphore, #tpu.memory_space<semaphore_mem>>) src(%arg12 : memref<32x512xf32, #tpu.memory_space<vmem>>) dst(%dma_wait3A_767 : memref<32x512xf32, #tpu.memory_space<hbm>>)
    %dma_start3A_768 = arith.constant 256 : i32
    %dma_start3A_769 = tpu.memref_slice %arg6[%dma_start3A_768] : memref<512xi32, #tpu.memory_space<vmem>> -> memref<32xi32, #tpu.memory_space<vmem>>
    %dma_start3A_770 = arith.constant 0 : i32
    %dma_start3A_771 = arith.constant 0 : i32
    %dma_start3A_772 = tpu.memref_slice %arg3[%dma_start3A_770, %dma_start3A_771] : memref<16384x512xf32, #tpu.memory_space<hbm>> -> memref<16384x512xf32, #tpu.memory_space<hbm>>
    tpu.enqueue_indirect_dma source(%dma_start3A_772 : memref<16384x512xf32, #tpu.memory_space<hbm>>) target(%arg12 : memref<32x512xf32, #tpu.memory_space<vmem>>) offsets(%dma_start3A_769 : memref<32xi32, #tpu.memory_space<vmem>>) semaphore(%arg17 : memref<!tpu.dma_semaphore, #tpu.memory_space<semaphore_mem>>)
    %dma_wait3A_773 = arith.constant 160 : i32
    %dma_wait3A_774 = tpu.memref_slice %arg6[%dma_wait3A_773] : memref<512xi32, #tpu.memory_space<vmem>> -> memref<32xi32, #tpu.memory_space<vmem>>
    %dma_wait3A_775 = arith.constant 0 : i32
    %dma_wait3A_776 = arith.constant 0 : i32
    %dma_wait3A_777 = tpu.memref_slice %arg3[%dma_wait3A_775, %dma_wait3A_776] : memref<16384x512xf32, #tpu.memory_space<hbm>> -> memref<16384x512xf32, #tpu.memory_space<hbm>>
    tpu.wait_indirect_dma semaphore(%arg14 : memref<!tpu.dma_semaphore, #tpu.memory_space<semaphore_mem>>) src(%dma_wait3A_777 : memref<16384x512xf32, #tpu.memory_space<hbm>>) dst(%arg9 : memref<32x512xf32, #tpu.memory_space<vmem>>)
    %add3A_778 = arith.constant 160 : i32
    %add3A_779 = arith.addi %mul3A_335, %add3A_778 : i32
    %dma_start3A_780 = arith.constant 0 : i32
    %dma_start3A_781 = tpu.memref_slice %arg4[%add3A_779, %dma_start3A_780] : memref<16384x512xf32, #tpu.memory_space<hbm>> -> memref<32x512xf32, #tpu.memory_space<hbm>>
    %dma_start3A_782 = arith.constant 0 : i32
    %dma_start3A_783 = tpu.memref_slice %arg4[%add3A_779, %dma_start3A_782] : memref<16384x512xf32, #tpu.memory_space<hbm>> -> memref<32x512xf32, #tpu.memory_space<hbm>>
    tpu.enqueue_dma source(%arg9 : memref<32x512xf32, #tpu.memory_space<vmem>>) target(%dma_start3A_783 : memref<32x512xf32, #tpu.memory_space<hbm>>) target_semaphore(%arg19 : memref<!tpu.dma_semaphore, #tpu.memory_space<semaphore_mem>>)
    %get3A_784 = arith.constant 288 : index
    %get3A_785 = tpu.vector_load %arg5[%get3A_784] {strides = array<i32>} : memref<512xi32, #tpu.memory_space<vmem>>, vector<16xi32>,
    %ne3A_786 = arith.constant 1 : i32
    %ne3A_787 = vector.broadcast %ne3A_786 : i32 to vector<16xi32>
    %ne3A_788 = arith.cmpi ne, %get3A_785, %ne3A_787 : vector<16xi32>
    %convert_element_type3A_789 = arith.extui %ne3A_788 : vector<16xi1> to vector<16xi32>
    %broadcast_in_dim3A_790 = arith.constant true
    %broadcast_in_dim3A_791 = vector.broadcast %broadcast_in_dim3A_790 : i1 to vector<16xi1>
    %masked_cumsum3A_792 = tpu.scan <sum>, %convert_element_type3A_789 masked %broadcast_in_dim3A_791 : vector<16xi32>, vector<16xi1> -> vector<16xi32>
    %add3A_793 = arith.addi %add3A_763, %masked_cumsum3A_792 : vector<16xi32>
    %mul3A_794 = arith.muli %add3A_793, %convert_element_type3A_789 : vector<16xi32>
    %add3A_795 = arith.constant 1 : i32
    %add3A_796 = vector.broadcast %add3A_795 : i32 to vector<16xi32>
    %add3A_797 = arith.addi %mul3A_794, %add3A_796 : vector<16xi32>
    %swap3A_798 = arith.constant 288 : index
    %swap3A_799 = tpu.vector_load %arg6[%swap3A_798] {strides = array<i32>} : memref<512xi32, #tpu.memory_space<vmem>>, vector<16xi32>,
    tpu.vector_store %arg6[%swap3A_798], %add3A_797 {strides = array<i32>} : memref<512xi32, #tpu.memory_space<vmem>>, vector<16xi32>,
    %all_reduce_population_count3A_800 = tpu.all_reduce %ne3A_788 {dim = 0 : i64, kind = #tpu.reduction_kind<sum>} : vector<16xi1> -> vector<16xi32>
    %add3A_801 = arith.addi %add3A_763, %all_reduce_population_count3A_800 : vector<16xi32>
    %get3A_802 = arith.constant 304 : index
    %get3A_803 = tpu.vector_load %arg5[%get3A_802] {strides = array<i32>} : memref<512xi32, #tpu.memory_space<vmem>>, vector<16xi32>,
    %ne3A_804 = arith.constant 1 : i32
    %ne3A_805 = vector.broadcast %ne3A_804 : i32 to vector<16xi32>
    %ne3A_806 = arith.cmpi ne, %get3A_803, %ne3A_805 : vector<16xi32>
    %convert_element_type3A_807 = arith.extui %ne3A_806 : vector<16xi1> to vector<16xi32>
    %broadcast_in_dim3A_808 = arith.constant true
    %broadcast_in_dim3A_809 = vector.broadcast %broadcast_in_dim3A_808 : i1 to vector<16xi1>
    %masked_cumsum3A_810 = tpu.scan <sum>, %convert_element_type3A_807 masked %broadcast_in_dim3A_809 : vector<16xi32>, vector<16xi1> -> vector<16xi32>
    %add3A_811 = arith.addi %add3A_801, %masked_cumsum3A_810 : vector<16xi32>
    %mul3A_812 = arith.muli %add3A_811, %convert_element_type3A_807 : vector<16xi32>
    %add3A_813 = arith.constant 1 : i32
    %add3A_814 = vector.broadcast %add3A_813 : i32 to vector<16xi32>
    %add3A_815 = arith.addi %mul3A_812, %add3A_814 : vector<16xi32>
    %swap3A_816 = arith.constant 304 : index
    %swap3A_817 = tpu.vector_load %arg6[%swap3A_816] {strides = array<i32>} : memref<512xi32, #tpu.memory_space<vmem>>, vector<16xi32>,
    tpu.vector_store %arg6[%swap3A_816], %add3A_815 {strides = array<i32>} : memref<512xi32, #tpu.memory_space<vmem>>, vector<16xi32>,
    %all_reduce_population_count3A_818 = tpu.all_reduce %ne3A_806 {dim = 0 : i64, kind = #tpu.reduction_kind<sum>} : vector<16xi1> -> vector<16xi32>
    %add3A_819 = arith.addi %add3A_801, %all_reduce_population_count3A_818 : vector<16xi32>
    %dma_wait3A_820 = arith.constant 0 : i32
    %dma_wait3A_821 = tpu.memref_slice %arg4[%add3A_723, %dma_wait3A_820] : memref<16384x512xf32, #tpu.memory_space<hbm>> -> memref<32x512xf32, #tpu.memory_space<hbm>>
    %dma_wait3A_822 = arith.constant 0 : i32
    %dma_wait3A_823 = tpu.memref_slice %arg4[%add3A_723, %dma_wait3A_822] : memref<16384x512xf32, #tpu.memory_space<hbm>> -> memref<32x512xf32, #tpu.memory_space<hbm>>
    tpu.wait_dma2 semaphore(%arg23 : memref<!tpu.dma_semaphore, #tpu.memory_space<semaphore_mem>>) src(%arg13 : memref<32x512xf32, #tpu.memory_space<vmem>>) dst(%dma_wait3A_823 : memref<32x512xf32, #tpu.memory_space<hbm>>)
    %dma_start3A_824 = arith.constant 288 : i32
    %dma_start3A_825 = tpu.memref_slice %arg6[%dma_start3A_824] : memref<512xi32, #tpu.memory_space<vmem>> -> memref<32xi32, #tpu.memory_space<vmem>>
    %dma_start3A_826 = arith.constant 0 : i32
    %dma_start3A_827 = arith.constant 0 : i32
    %dma_start3A_828 = tpu.memref_slice %arg3[%dma_start3A_826, %dma_start3A_827] : memref<16384x512xf32, #tpu.memory_space<hbm>> -> memref<16384x512xf32, #tpu.memory_space<hbm>>
    tpu.enqueue_indirect_dma source(%dma_start3A_828 : memref<16384x512xf32, #tpu.memory_space<hbm>>) target(%arg13 : memref<32x512xf32, #tpu.memory_space<vmem>>) offsets(%dma_start3A_825 : memref<32xi32, #tpu.memory_space<vmem>>) semaphore(%arg18 : memref<!tpu.dma_semaphore, #tpu.memory_space<semaphore_mem>>)
    %dma_wait3A_829 = arith.constant 192 : i32
    %dma_wait3A_830 = tpu.memref_slice %arg6[%dma_wait3A_829] : memref<512xi32, #tpu.memory_space<vmem>> -> memref<32xi32, #tpu.memory_space<vmem>>
    %dma_wait3A_831 = arith.constant 0 : i32
    %dma_wait3A_832 = arith.constant 0 : i32
    %dma_wait3A_833 = tpu.memref_slice %arg3[%dma_wait3A_831, %dma_wait3A_832] : memref<16384x512xf32, #tpu.memory_space<hbm>> -> memref<16384x512xf32, #tpu.memory_space<hbm>>
    tpu.wait_indirect_dma semaphore(%arg15 : memref<!tpu.dma_semaphore, #tpu.memory_space<semaphore_mem>>) src(%dma_wait3A_833 : memref<16384x512xf32, #tpu.memory_space<hbm>>) dst(%arg10 : memref<32x512xf32, #tpu.memory_space<vmem>>)
    %add3A_834 = arith.constant 192 : i32
    %add3A_835 = arith.addi %mul3A_335, %add3A_834 : i32
    %dma_start3A_836 = arith.constant 0 : i32
    %dma_start3A_837 = tpu.memref_slice %arg4[%add3A_835, %dma_start3A_836] : memref<16384x512xf32, #tpu.memory_space<hbm>> -> memref<32x512xf32, #tpu.memory_space<hbm>>
    %dma_start3A_838 = arith.constant 0 : i32
    %dma_start3A_839 = tpu.memref_slice %arg4[%add3A_835, %dma_start3A_838] : memref<16384x512xf32, #tpu.memory_space<hbm>> -> memref<32x512xf32, #tpu.memory_space<hbm>>
    tpu.enqueue_dma source(%arg10 : memref<32x512xf32, #tpu.memory_space<vmem>>) target(%dma_start3A_839 : memref<32x512xf32, #tpu.memory_space<hbm>>) target_semaphore(%arg20 : memref<!tpu.dma_semaphore, #tpu.memory_space<semaphore_mem>>)
    %get3A_840 = arith.constant 320 : index
    %get3A_841 = tpu.vector_load %arg5[%get3A_840] {strides = array<i32>} : memref<512xi32, #tpu.memory_space<vmem>>, vector<16xi32>,
    %ne3A_842 = arith.constant 1 : i32
    %ne3A_843 = vector.broadcast %ne3A_842 : i32 to vector<16xi32>
    %ne3A_844 = arith.cmpi ne, %get3A_841, %ne3A_843 : vector<16xi32>
    %convert_element_type3A_845 = arith.extui %ne3A_844 : vector<16xi1> to vector<16xi32>
    %broadcast_in_dim3A_846 = arith.constant true
    %broadcast_in_dim3A_847 = vector.broadcast %broadcast_in_dim3A_846 : i1 to vector<16xi1>
    %masked_cumsum3A_848 = tpu.scan <sum>, %convert_element_type3A_845 masked %broadcast_in_dim3A_847 : vector<16xi32>, vector<16xi1> -> vector<16xi32>
    %add3A_849 = arith.addi %add3A_819, %masked_cumsum3A_848 : vector<16xi32>
    %mul3A_850 = arith.muli %add3A_849, %convert_element_type3A_845 : vector<16xi32>
    %add3A_851 = arith.constant 1 : i32
    %add3A_852 = vector.broadcast %add3A_851 : i32 to vector<16xi32>
    %add3A_853 = arith.addi %mul3A_850, %add3A_852 : vector<16xi32>
    %swap3A_854 = arith.constant 320 : index
    %swap3A_855 = tpu.vector_load %arg6[%swap3A_854] {strides = array<i32>} : memref<512xi32, #tpu.memory_space<vmem>>, vector<16xi32>,
    tpu.vector_store %arg6[%swap3A_854], %add3A_853 {strides = array<i32>} : memref<512xi32, #tpu.memory_space<vmem>>, vector<16xi32>,
    %all_reduce_population_count3A_856 = tpu.all_reduce %ne3A_844 {dim = 0 : i64, kind = #tpu.reduction_kind<sum>} : vector<16xi1> -> vector<16xi32>
    %add3A_857 = arith.addi %add3A_819, %all_reduce_population_count3A_856 : vector<16xi32>
    %get3A_858 = arith.constant 336 : index
    %get3A_859 = tpu.vector_load %arg5[%get3A_858] {strides = array<i32>} : memref<512xi32, #tpu.memory_space<vmem>>, vector<16xi32>,
    %ne3A_860 = arith.constant 1 : i32
    %ne3A_861 = vector.broadcast %ne3A_860 : i32 to vector<16xi32>
    %ne3A_862 = arith.cmpi ne, %get3A_859, %ne3A_861 : vector<16xi32>
    %convert_element_type3A_863 = arith.extui %ne3A_862 : vector<16xi1> to vector<16xi32>
    %broadcast_in_dim3A_864 = arith.constant true
    %broadcast_in_dim3A_865 = vector.broadcast %broadcast_in_dim3A_864 : i1 to vector<16xi1>
    %masked_cumsum3A_866 = tpu.scan <sum>, %convert_element_type3A_863 masked %broadcast_in_dim3A_865 : vector<16xi32>, vector<16xi1> -> vector<16xi32>
    %add3A_867 = arith.addi %add3A_857, %masked_cumsum3A_866 : vector<16xi32>
    %mul3A_868 = arith.muli %add3A_867, %convert_element_type3A_863 : vector<16xi32>
    %add3A_869 = arith.constant 1 : i32
    %add3A_870 = vector.broadcast %add3A_869 : i32 to vector<16xi32>
    %add3A_871 = arith.addi %mul3A_868, %add3A_870 : vector<16xi32>
    %swap3A_872 = arith.constant 336 : index
    %swap3A_873 = tpu.vector_load %arg6[%swap3A_872] {strides = array<i32>} : memref<512xi32, #tpu.memory_space<vmem>>, vector<16xi32>,
    tpu.vector_store %arg6[%swap3A_872], %add3A_871 {strides = array<i32>} : memref<512xi32, #tpu.memory_space<vmem>>, vector<16xi32>,
    %all_reduce_population_count3A_874 = tpu.all_reduce %ne3A_862 {dim = 0 : i64, kind = #tpu.reduction_kind<sum>} : vector<16xi1> -> vector<16xi32>
    %add3A_875 = arith.addi %add3A_857, %all_reduce_population_count3A_874 : vector<16xi32>
    %dma_wait3A_876 = arith.constant 0 : i32
    %dma_wait3A_877 = tpu.memref_slice %arg4[%add3A_779, %dma_wait3A_876] : memref<16384x512xf32, #tpu.memory_space<hbm>> -> memref<32x512xf32, #tpu.memory_space<hbm>>
    %dma_wait3A_878 = arith.constant 0 : i32
    %dma_wait3A_879 = tpu.memref_slice %arg4[%add3A_779, %dma_wait3A_878] : memref<16384x512xf32, #tpu.memory_space<hbm>> -> memref<32x512xf32, #tpu.memory_space<hbm>>
    tpu.wait_dma2 semaphore(%arg19 : memref<!tpu.dma_semaphore, #tpu.memory_space<semaphore_mem>>) src(%arg9 : memref<32x512xf32, #tpu.memory_space<vmem>>) dst(%dma_wait3A_879 : memref<32x512xf32, #tpu.memory_space<hbm>>)
    %dma_start3A_880 = arith.constant 320 : i32
    %dma_start3A_881 = tpu.memref_slice %arg6[%dma_start3A_880] : memref<512xi32, #tpu.memory_space<vmem>> -> memref<32xi32, #tpu.memory_space<vmem>>
    %dma_start3A_882 = arith.constant 0 : i32
    %dma_start3A_883 = arith.constant 0 : i32
    %dma_start3A_884 = tpu.memref_slice %arg3[%dma_start3A_882, %dma_start3A_883] : memref<16384x512xf32, #tpu.memory_space<hbm>> -> memref<16384x512xf32, #tpu.memory_space<hbm>>
    tpu.enqueue_indirect_dma source(%dma_start3A_884 : memref<16384x512xf32, #tpu.memory_space<hbm>>) target(%arg9 : memref<32x512xf32, #tpu.memory_space<vmem>>) offsets(%dma_start3A_881 : memref<32xi32, #tpu.memory_space<vmem>>) semaphore(%arg14 : memref<!tpu.dma_semaphore, #tpu.memory_space<semaphore_mem>>)
    %dma_wait3A_885 = arith.constant 224 : i32
    %dma_wait3A_886 = tpu.memref_slice %arg6[%dma_wait3A_885] : memref<512xi32, #tpu.memory_space<vmem>> -> memref<32xi32, #tpu.memory_space<vmem>>
    %dma_wait3A_887 = arith.constant 0 : i32
    %dma_wait3A_888 = arith.constant 0 : i32
    %dma_wait3A_889 = tpu.memref_slice %arg3[%dma_wait3A_887, %dma_wait3A_888] : memref<16384x512xf32, #tpu.memory_space<hbm>> -> memref<16384x512xf32, #tpu.memory_space<hbm>>
    tpu.wait_indirect_dma semaphore(%arg16 : memref<!tpu.dma_semaphore, #tpu.memory_space<semaphore_mem>>) src(%dma_wait3A_889 : memref<16384x512xf32, #tpu.memory_space<hbm>>) dst(%arg11 : memref<32x512xf32, #tpu.memory_space<vmem>>)
    %add3A_890 = arith.constant 224 : i32
    %add3A_891 = arith.addi %mul3A_335, %add3A_890 : i32
    %dma_start3A_892 = arith.constant 0 : i32
    %dma_start3A_893 = tpu.memref_slice %arg4[%add3A_891, %dma_start3A_892] : memref<16384x512xf32, #tpu.memory_space<hbm>> -> memref<32x512xf32, #tpu.memory_space<hbm>>
    %dma_start3A_894 = arith.constant 0 : i32
    %dma_start3A_895 = tpu.memref_slice %arg4[%add3A_891, %dma_start3A_894] : memref<16384x512xf32, #tpu.memory_space<hbm>> -> memref<32x512xf32, #tpu.memory_space<hbm>>
    tpu.enqueue_dma source(%arg11 : memref<32x512xf32, #tpu.memory_space<vmem>>) target(%dma_start3A_895 : memref<32x512xf32, #tpu.memory_space<hbm>>) target_semaphore(%arg21 : memref<!tpu.dma_semaphore, #tpu.memory_space<semaphore_mem>>)
    %get3A_896 = arith.constant 352 : index
    %get3A_897 = tpu.vector_load %arg5[%get3A_896] {strides = array<i32>} : memref<512xi32, #tpu.memory_space<vmem>>, vector<16xi32>,
    %ne3A_898 = arith.constant 1 : i32
    %ne3A_899 = vector.broadcast %ne3A_898 : i32 to vector<16xi32>
    %ne3A_900 = arith.cmpi ne, %get3A_897, %ne3A_899 : vector<16xi32>
    %convert_element_type3A_901 = arith.extui %ne3A_900 : vector<16xi1> to vector<16xi32>
    %broadcast_in_dim3A_902 = arith.constant true
    %broadcast_in_dim3A_903 = vector.broadcast %broadcast_in_dim3A_902 : i1 to vector<16xi1>
    %masked_cumsum3A_904 = tpu.scan <sum>, %convert_element_type3A_901 masked %broadcast_in_dim3A_903 : vector<16xi32>, vector<16xi1> -> vector<16xi32>
    %add3A_905 = arith.addi %add3A_875, %masked_cumsum3A_904 : vector<16xi32>
    %mul3A_906 = arith.muli %add3A_905, %convert_element_type3A_901 : vector<16xi32>
    %add3A_907 = arith.constant 1 : i32
    %add3A_908 = vector.broadcast %add3A_907 : i32 to vector<16xi32>
    %add3A_909 = arith.addi %mul3A_906, %add3A_908 : vector<16xi32>
    %swap3A_910 = arith.constant 352 : index
    %swap3A_911 = tpu.vector_load %arg6[%swap3A_910] {strides = array<i32>} : memref<512xi32, #tpu.memory_space<vmem>>, vector<16xi32>,
    tpu.vector_store %arg6[%swap3A_910], %add3A_909 {strides = array<i32>} : memref<512xi32, #tpu.memory_space<vmem>>, vector<16xi32>,
    %all_reduce_population_count3A_912 = tpu.all_reduce %ne3A_900 {dim = 0 : i64, kind = #tpu.reduction_kind<sum>} : vector<16xi1> -> vector<16xi32>
    %add3A_913 = arith.addi %add3A_875, %all_reduce_population_count3A_912 : vector<16xi32>
    %get3A_914 = arith.constant 368 : index
    %get3A_915 = tpu.vector_load %arg5[%get3A_914] {strides = array<i32>} : memref<512xi32, #tpu.memory_space<vmem>>, vector<16xi32>,
    %ne3A_916 = arith.constant 1 : i32
    %ne3A_917 = vector.broadcast %ne3A_916 : i32 to vector<16xi32>
    %ne3A_918 = arith.cmpi ne, %get3A_915, %ne3A_917 : vector<16xi32>
    %convert_element_type3A_919 = arith.extui %ne3A_918 : vector<16xi1> to vector<16xi32>
    %broadcast_in_dim3A_920 = arith.constant true
    %broadcast_in_dim3A_921 = vector.broadcast %broadcast_in_dim3A_920 : i1 to vector<16xi1>
    %masked_cumsum3A_922 = tpu.scan <sum>, %convert_element_type3A_919 masked %broadcast_in_dim3A_921 : vector<16xi32>, vector<16xi1> -> vector<16xi32>
    %add3A_923 = arith.addi %add3A_913, %masked_cumsum3A_922 : vector<16xi32>
    %mul3A_924 = arith.muli %add3A_923, %convert_element_type3A_919 : vector<16xi32>
    %add3A_925 = arith.constant 1 : i32
    %add3A_926 = vector.broadcast %add3A_925 : i32 to vector<16xi32>
    %add3A_927 = arith.addi %mul3A_924, %add3A_926 : vector<16xi32>
    %swap3A_928 = arith.constant 368 : index
    %swap3A_929 = tpu.vector_load %arg6[%swap3A_928] {strides = array<i32>} : memref<512xi32, #tpu.memory_space<vmem>>, vector<16xi32>,
    tpu.vector_store %arg6[%swap3A_928], %add3A_927 {strides = array<i32>} : memref<512xi32, #tpu.memory_space<vmem>>, vector<16xi32>,
    %all_reduce_population_count3A_930 = tpu.all_reduce %ne3A_918 {dim = 0 : i64, kind = #tpu.reduction_kind<sum>} : vector<16xi1> -> vector<16xi32>
    %add3A_931 = arith.addi %add3A_913, %all_reduce_population_count3A_930 : vector<16xi32>
    %dma_wait3A_932 = arith.constant 0 : i32
    %dma_wait3A_933 = tpu.memref_slice %arg4[%add3A_835, %dma_wait3A_932] : memref<16384x512xf32, #tpu.memory_space<hbm>> -> memref<32x512xf32, #tpu.memory_space<hbm>>
    %dma_wait3A_934 = arith.constant 0 : i32
    %dma_wait3A_935 = tpu.memref_slice %arg4[%add3A_835, %dma_wait3A_934] : memref<16384x512xf32, #tpu.memory_space<hbm>> -> memref<32x512xf32, #tpu.memory_space<hbm>>
    tpu.wait_dma2 semaphore(%arg20 : memref<!tpu.dma_semaphore, #tpu.memory_space<semaphore_mem>>) src(%arg10 : memref<32x512xf32, #tpu.memory_space<vmem>>) dst(%dma_wait3A_935 : memref<32x512xf32, #tpu.memory_space<hbm>>)
    %dma_start3A_936 = arith.constant 352 : i32
    %dma_start3A_937 = tpu.memref_slice %arg6[%dma_start3A_936] : memref<512xi32, #tpu.memory_space<vmem>> -> memref<32xi32, #tpu.memory_space<vmem>>
    %dma_start3A_938 = arith.constant 0 : i32
    %dma_start3A_939 = arith.constant 0 : i32
    %dma_start3A_940 = tpu.memref_slice %arg3[%dma_start3A_938, %dma_start3A_939] : memref<16384x512xf32, #tpu.memory_space<hbm>> -> memref<16384x512xf32, #tpu.memory_space<hbm>>
    tpu.enqueue_indirect_dma source(%dma_start3A_940 : memref<16384x512xf32, #tpu.memory_space<hbm>>) target(%arg10 : memref<32x512xf32, #tpu.memory_space<vmem>>) offsets(%dma_start3A_937 : memref<32xi32, #tpu.memory_space<vmem>>) semaphore(%arg15 : memref<!tpu.dma_semaphore, #tpu.memory_space<semaphore_mem>>)
    %dma_wait3A_941 = arith.constant 256 : i32
    %dma_wait3A_942 = tpu.memref_slice %arg6[%dma_wait3A_941] : memref<512xi32, #tpu.memory_space<vmem>> -> memref<32xi32, #tpu.memory_space<vmem>>
    %dma_wait3A_943 = arith.constant 0 : i32
    %dma_wait3A_944 = arith.constant 0 : i32
    %dma_wait3A_945 = tpu.memref_slice %arg3[%dma_wait3A_943, %dma_wait3A_944] : memref<16384x512xf32, #tpu.memory_space<hbm>> -> memref<16384x512xf32, #tpu.memory_space<hbm>>
    tpu.wait_indirect_dma semaphore(%arg17 : memref<!tpu.dma_semaphore, #tpu.memory_space<semaphore_mem>>) src(%dma_wait3A_945 : memref<16384x512xf32, #tpu.memory_space<hbm>>) dst(%arg12 : memref<32x512xf32, #tpu.memory_space<vmem>>)
    %add3A_946 = arith.constant 256 : i32
    %add3A_947 = arith.addi %mul3A_335, %add3A_946 : i32
    %dma_start3A_948 = arith.constant 0 : i32
    %dma_start3A_949 = tpu.memref_slice %arg4[%add3A_947, %dma_start3A_948] : memref<16384x512xf32, #tpu.memory_space<hbm>> -> memref<32x512xf32, #tpu.memory_space<hbm>>
    %dma_start3A_950 = arith.constant 0 : i32
    %dma_start3A_951 = tpu.memref_slice %arg4[%add3A_947, %dma_start3A_950] : memref<16384x512xf32, #tpu.memory_space<hbm>> -> memref<32x512xf32, #tpu.memory_space<hbm>>
    tpu.enqueue_dma source(%arg12 : memref<32x512xf32, #tpu.memory_space<vmem>>) target(%dma_start3A_951 : memref<32x512xf32, #tpu.memory_space<hbm>>) target_semaphore(%arg22 : memref<!tpu.dma_semaphore, #tpu.memory_space<semaphore_mem>>)
    %get3A_952 = arith.constant 384 : index
    %get3A_953 = tpu.vector_load %arg5[%get3A_952] {strides = array<i32>} : memref<512xi32, #tpu.memory_space<vmem>>, vector<16xi32>,
    %ne3A_954 = arith.constant 1 : i32
    %ne3A_955 = vector.broadcast %ne3A_954 : i32 to vector<16xi32>
    %ne3A_956 = arith.cmpi ne, %get3A_953, %ne3A_955 : vector<16xi32>
    %convert_element_type3A_957 = arith.extui %ne3A_956 : vector<16xi1> to vector<16xi32>
    %broadcast_in_dim3A_958 = arith.constant true
    %broadcast_in_dim3A_959 = vector.broadcast %broadcast_in_dim3A_958 : i1 to vector<16xi1>
    %masked_cumsum3A_960 = tpu.scan <sum>, %convert_element_type3A_957 masked %broadcast_in_dim3A_959 : vector<16xi32>, vector<16xi1> -> vector<16xi32>
    %add3A_961 = arith.addi %add3A_931, %masked_cumsum3A_960 : vector<16xi32>
    %mul3A_962 = arith.muli %add3A_961, %convert_element_type3A_957 : vector<16xi32>
    %add3A_963 = arith.constant 1 : i32
    %add3A_964 = vector.broadcast %add3A_963 : i32 to vector<16xi32>
    %add3A_965 = arith.addi %mul3A_962, %add3A_964 : vector<16xi32>
    %swap3A_966 = arith.constant 384 : index
    %swap3A_967 = tpu.vector_load %arg6[%swap3A_966] {strides = array<i32>} : memref<512xi32, #tpu.memory_space<vmem>>, vector<16xi32>,
    tpu.vector_store %arg6[%swap3A_966], %add3A_965 {strides = array<i32>} : memref<512xi32, #tpu.memory_space<vmem>>, vector<16xi32>,
    %all_reduce_population_count3A_968 = tpu.all_reduce %ne3A_956 {dim = 0 : i64, kind = #tpu.reduction_kind<sum>} : vector<16xi1> -> vector<16xi32>
    %add3A_969 = arith.addi %add3A_931, %all_reduce_population_count3A_968 : vector<16xi32>
    %get3A_970 = arith.constant 400 : index
    %get3A_971 = tpu.vector_load %arg5[%get3A_970] {strides = array<i32>} : memref<512xi32, #tpu.memory_space<vmem>>, vector<16xi32>,
    %ne3A_972 = arith.constant 1 : i32
    %ne3A_973 = vector.broadcast %ne3A_972 : i32 to vector<16xi32>
    %ne3A_974 = arith.cmpi ne, %get3A_971, %ne3A_973 : vector<16xi32>
    %convert_element_type3A_975 = arith.extui %ne3A_974 : vector<16xi1> to vector<16xi32>
    %broadcast_in_dim3A_976 = arith.constant true
    %broadcast_in_dim3A_977 = vector.broadcast %broadcast_in_dim3A_976 : i1 to vector<16xi1>
    %masked_cumsum3A_978 = tpu.scan <sum>, %convert_element_type3A_975 masked %broadcast_in_dim3A_977 : vector<16xi32>, vector<16xi1> -> vector<16xi32>
    %add3A_979 = arith.addi %add3A_969, %masked_cumsum3A_978 : vector<16xi32>
    %mul3A_980 = arith.muli %add3A_979, %convert_element_type3A_975 : vector<16xi32>
    %add3A_981 = arith.constant 1 : i32
    %add3A_982 = vector.broadcast %add3A_981 : i32 to vector<16xi32>
    %add3A_983 = arith.addi %mul3A_980, %add3A_982 : vector<16xi32>
    %swap3A_984 = arith.constant 400 : index
    %swap3A_985 = tpu.vector_load %arg6[%swap3A_984] {strides = array<i32>} : memref<512xi32, #tpu.memory_space<vmem>>, vector<16xi32>,
    tpu.vector_store %arg6[%swap3A_984], %add3A_983 {strides = array<i32>} : memref<512xi32, #tpu.memory_space<vmem>>, vector<16xi32>,
    %all_reduce_population_count3A_986 = tpu.all_reduce %ne3A_974 {dim = 0 : i64, kind = #tpu.reduction_kind<sum>} : vector<16xi1> -> vector<16xi32>
    %add3A_987 = arith.addi %add3A_969, %all_reduce_population_count3A_986 : vector<16xi32>
    %dma_wait3A_988 = arith.constant 0 : i32
    %dma_wait3A_989 = tpu.memref_slice %arg4[%add3A_891, %dma_wait3A_988] : memref<16384x512xf32, #tpu.memory_space<hbm>> -> memref<32x512xf32, #tpu.memory_space<hbm>>
    %dma_wait3A_990 = arith.constant 0 : i32
    %dma_wait3A_991 = tpu.memref_slice %arg4[%add3A_891, %dma_wait3A_990] : memref<16384x512xf32, #tpu.memory_space<hbm>> -> memref<32x512xf32, #tpu.memory_space<hbm>>
    tpu.wait_dma2 semaphore(%arg21 : memref<!tpu.dma_semaphore, #tpu.memory_space<semaphore_mem>>) src(%arg11 : memref<32x512xf32, #tpu.memory_space<vmem>>) dst(%dma_wait3A_991 : memref<32x512xf32, #tpu.memory_space<hbm>>)
    %dma_start3A_992 = arith.constant 384 : i32
    %dma_start3A_993 = tpu.memref_slice %arg6[%dma_start3A_992] : memref<512xi32, #tpu.memory_space<vmem>> -> memref<32xi32, #tpu.memory_space<vmem>>
    %dma_start3A_994 = arith.constant 0 : i32
    %dma_start3A_995 = arith.constant 0 : i32
    %dma_start3A_996 = tpu.memref_slice %arg3[%dma_start3A_994, %dma_start3A_995] : memref<16384x512xf32, #tpu.memory_space<hbm>> -> memref<16384x512xf32, #tpu.memory_space<hbm>>
    tpu.enqueue_indirect_dma source(%dma_start3A_996 : memref<16384x512xf32, #tpu.memory_space<hbm>>) target(%arg11 : memref<32x512xf32, #tpu.memory_space<vmem>>) offsets(%dma_start3A_993 : memref<32xi32, #tpu.memory_space<vmem>>) semaphore(%arg16 : memref<!tpu.dma_semaphore, #tpu.memory_space<semaphore_mem>>)
    %dma_wait3A_997 = arith.constant 288 : i32
    %dma_wait3A_998 = tpu.memref_slice %arg6[%dma_wait3A_997] : memref<512xi32, #tpu.memory_space<vmem>> -> memref<32xi32, #tpu.memory_space<vmem>>
    %dma_wait3A_999 = arith.constant 0 : i32
    %dma_wait3A_1000 = arith.constant 0 : i32
    %dma_wait3A_1001 = tpu.memref_slice %arg3[%dma_wait3A_999, %dma_wait3A_1000] : memref<16384x512xf32, #tpu.memory_space<hbm>> -> memref<16384x512xf32, #tpu.memory_space<hbm>>
    tpu.wait_indirect_dma semaphore(%arg18 : memref<!tpu.dma_semaphore, #tpu.memory_space<semaphore_mem>>) src(%dma_wait3A_1001 : memref<16384x512xf32, #tpu.memory_space<hbm>>) dst(%arg13 : memref<32x512xf32, #tpu.memory_space<vmem>>)
    %add3A_1002 = arith.constant 288 : i32
    %add3A_1003 = arith.addi %mul3A_335, %add3A_1002 : i32
    %dma_start3A_1004 = arith.constant 0 : i32
    %dma_start3A_1005 = tpu.memref_slice %arg4[%add3A_1003, %dma_start3A_1004] : memref<16384x512xf32, #tpu.memory_space<hbm>> -> memref<32x512xf32, #tpu.memory_space<hbm>>
    %dma_start3A_1006 = arith.constant 0 : i32
    %dma_start3A_1007 = tpu.memref_slice %arg4[%add3A_1003, %dma_start3A_1006] : memref<16384x512xf32, #tpu.memory_space<hbm>> -> memref<32x512xf32, #tpu.memory_space<hbm>>
    tpu.enqueue_dma source(%arg13 : memref<32x512xf32, #tpu.memory_space<vmem>>) target(%dma_start3A_1007 : memref<32x512xf32, #tpu.memory_space<hbm>>) target_semaphore(%arg23 : memref<!tpu.dma_semaphore, #tpu.memory_space<semaphore_mem>>)
    %get3A_1008 = arith.constant 416 : index
    %get3A_1009 = tpu.vector_load %arg5[%get3A_1008] {strides = array<i32>} : memref<512xi32, #tpu.memory_space<vmem>>, vector<16xi32>,
    %ne3A_1010 = arith.constant 1 : i32
    %ne3A_1011 = vector.broadcast %ne3A_1010 : i32 to vector<16xi32>
    %ne3A_1012 = arith.cmpi ne, %get3A_1009, %ne3A_1011 : vector<16xi32>
    %convert_element_type3A_1013 = arith.extui %ne3A_1012 : vector<16xi1> to vector<16xi32>
    %broadcast_in_dim3A_1014 = arith.constant true
    %broadcast_in_dim3A_1015 = vector.broadcast %broadcast_in_dim3A_1014 : i1 to vector<16xi1>
    %masked_cumsum3A_1016 = tpu.scan <sum>, %convert_element_type3A_1013 masked %broadcast_in_dim3A_1015 : vector<16xi32>, vector<16xi1> -> vector<16xi32>
    %add3A_1017 = arith.addi %add3A_987, %masked_cumsum3A_1016 : vector<16xi32>
    %mul3A_1018 = arith.muli %add3A_1017, %convert_element_type3A_1013 : vector<16xi32>
    %add3A_1019 = arith.constant 1 : i32
    %add3A_1020 = vector.broadcast %add3A_1019 : i32 to vector<16xi32>
    %add3A_1021 = arith.addi %mul3A_1018, %add3A_1020 : vector<16xi32>
    %swap3A_1022 = arith.constant 416 : index
    %swap3A_1023 = tpu.vector_load %arg6[%swap3A_1022] {strides = array<i32>} : memref<512xi32, #tpu.memory_space<vmem>>, vector<16xi32>,
    tpu.vector_store %arg6[%swap3A_1022], %add3A_1021 {strides = array<i32>} : memref<512xi32, #tpu.memory_space<vmem>>, vector<16xi32>,
    %all_reduce_population_count3A_1024 = tpu.all_reduce %ne3A_1012 {dim = 0 : i64, kind = #tpu.reduction_kind<sum>} : vector<16xi1> -> vector<16xi32>
    %add3A_1025 = arith.addi %add3A_987, %all_reduce_population_count3A_1024 : vector<16xi32>
    %get3A_1026 = arith.constant 432 : index
    %get3A_1027 = tpu.vector_load %arg5[%get3A_1026] {strides = array<i32>} : memref<512xi32, #tpu.memory_space<vmem>>, vector<16xi32>,
    %ne3A_1028 = arith.constant 1 : i32
    %ne3A_1029 = vector.broadcast %ne3A_1028 : i32 to vector<16xi32>
    %ne3A_1030 = arith.cmpi ne, %get3A_1027, %ne3A_1029 : vector<16xi32>
    %convert_element_type3A_1031 = arith.extui %ne3A_1030 : vector<16xi1> to vector<16xi32>
    %broadcast_in_dim3A_1032 = arith.constant true
    %broadcast_in_dim3A_1033 = vector.broadcast %broadcast_in_dim3A_1032 : i1 to vector<16xi1>
    %masked_cumsum3A_1034 = tpu.scan <sum>, %convert_element_type3A_1031 masked %broadcast_in_dim3A_1033 : vector<16xi32>, vector<16xi1> -> vector<16xi32>
    %add3A_1035 = arith.addi %add3A_1025, %masked_cumsum3A_1034 : vector<16xi32>
    %mul3A_1036 = arith.muli %add3A_1035, %convert_element_type3A_1031 : vector<16xi32>
    %add3A_1037 = arith.constant 1 : i32
    %add3A_1038 = vector.broadcast %add3A_1037 : i32 to vector<16xi32>
    %add3A_1039 = arith.addi %mul3A_1036, %add3A_1038 : vector<16xi32>
    %swap3A_1040 = arith.constant 432 : index
    %swap3A_1041 = tpu.vector_load %arg6[%swap3A_1040] {strides = array<i32>} : memref<512xi32, #tpu.memory_space<vmem>>, vector<16xi32>,
    tpu.vector_store %arg6[%swap3A_1040], %add3A_1039 {strides = array<i32>} : memref<512xi32, #tpu.memory_space<vmem>>, vector<16xi32>,
    %all_reduce_population_count3A_1042 = tpu.all_reduce %ne3A_1030 {dim = 0 : i64, kind = #tpu.reduction_kind<sum>} : vector<16xi1> -> vector<16xi32>
    %add3A_1043 = arith.addi %add3A_1025, %all_reduce_population_count3A_1042 : vector<16xi32>
    %dma_wait3A_1044 = arith.constant 0 : i32
    %dma_wait3A_1045 = tpu.memref_slice %arg4[%add3A_947, %dma_wait3A_1044] : memref<16384x512xf32, #tpu.memory_space<hbm>> -> memref<32x512xf32, #tpu.memory_space<hbm>>
    %dma_wait3A_1046 = arith.constant 0 : i32
    %dma_wait3A_1047 = tpu.memref_slice %arg4[%add3A_947, %dma_wait3A_1046] : memref<16384x512xf32, #tpu.memory_space<hbm>> -> memref<32x512xf32, #tpu.memory_space<hbm>>
    tpu.wait_dma2 semaphore(%arg22 : memref<!tpu.dma_semaphore, #tpu.memory_space<semaphore_mem>>) src(%arg12 : memref<32x512xf32, #tpu.memory_space<vmem>>) dst(%dma_wait3A_1047 : memref<32x512xf32, #tpu.memory_space<hbm>>)
    %dma_start3A_1048 = arith.constant 416 : i32
    %dma_start3A_1049 = tpu.memref_slice %arg6[%dma_start3A_1048] : memref<512xi32, #tpu.memory_space<vmem>> -> memref<32xi32, #tpu.memory_space<vmem>>
    %dma_start3A_1050 = arith.constant 0 : i32
    %dma_start3A_1051 = arith.constant 0 : i32
    %dma_start3A_1052 = tpu.memref_slice %arg3[%dma_start3A_1050, %dma_start3A_1051] : memref<16384x512xf32, #tpu.memory_space<hbm>> -> memref<16384x512xf32, #tpu.memory_space<hbm>>
    tpu.enqueue_indirect_dma source(%dma_start3A_1052 : memref<16384x512xf32, #tpu.memory_space<hbm>>) target(%arg12 : memref<32x512xf32, #tpu.memory_space<vmem>>) offsets(%dma_start3A_1049 : memref<32xi32, #tpu.memory_space<vmem>>) semaphore(%arg17 : memref<!tpu.dma_semaphore, #tpu.memory_space<semaphore_mem>>)
    %dma_wait3A_1053 = arith.constant 320 : i32
    %dma_wait3A_1054 = tpu.memref_slice %arg6[%dma_wait3A_1053] : memref<512xi32, #tpu.memory_space<vmem>> -> memref<32xi32, #tpu.memory_space<vmem>>
    %dma_wait3A_1055 = arith.constant 0 : i32
    %dma_wait3A_1056 = arith.constant 0 : i32
    %dma_wait3A_1057 = tpu.memref_slice %arg3[%dma_wait3A_1055, %dma_wait3A_1056] : memref<16384x512xf32, #tpu.memory_space<hbm>> -> memref<16384x512xf32, #tpu.memory_space<hbm>>
    tpu.wait_indirect_dma semaphore(%arg14 : memref<!tpu.dma_semaphore, #tpu.memory_space<semaphore_mem>>) src(%dma_wait3A_1057 : memref<16384x512xf32, #tpu.memory_space<hbm>>) dst(%arg9 : memref<32x512xf32, #tpu.memory_space<vmem>>)
    %add3A_1058 = arith.constant 320 : i32
    %add3A_1059 = arith.addi %mul3A_335, %add3A_1058 : i32
    %dma_start3A_1060 = arith.constant 0 : i32
    %dma_start3A_1061 = tpu.memref_slice %arg4[%add3A_1059, %dma_start3A_1060] : memref<16384x512xf32, #tpu.memory_space<hbm>> -> memref<32x512xf32, #tpu.memory_space<hbm>>
    %dma_start3A_1062 = arith.constant 0 : i32
    %dma_start3A_1063 = tpu.memref_slice %arg4[%add3A_1059, %dma_start3A_1062] : memref<16384x512xf32, #tpu.memory_space<hbm>> -> memref<32x512xf32, #tpu.memory_space<hbm>>
    tpu.enqueue_dma source(%arg9 : memref<32x512xf32, #tpu.memory_space<vmem>>) target(%dma_start3A_1063 : memref<32x512xf32, #tpu.memory_space<hbm>>) target_semaphore(%arg19 : memref<!tpu.dma_semaphore, #tpu.memory_space<semaphore_mem>>)
    %get3A_1064 = arith.constant 448 : index
    %get3A_1065 = tpu.vector_load %arg5[%get3A_1064] {strides = array<i32>} : memref<512xi32, #tpu.memory_space<vmem>>, vector<16xi32>,
    %ne3A_1066 = arith.constant 1 : i32
    %ne3A_1067 = vector.broadcast %ne3A_1066 : i32 to vector<16xi32>
    %ne3A_1068 = arith.cmpi ne, %get3A_1065, %ne3A_1067 : vector<16xi32>
    %convert_element_type3A_1069 = arith.extui %ne3A_1068 : vector<16xi1> to vector<16xi32>
    %broadcast_in_dim3A_1070 = arith.constant true
    %broadcast_in_dim3A_1071 = vector.broadcast %broadcast_in_dim3A_1070 : i1 to vector<16xi1>
    %masked_cumsum3A_1072 = tpu.scan <sum>, %convert_element_type3A_1069 masked %broadcast_in_dim3A_1071 : vector<16xi32>, vector<16xi1> -> vector<16xi32>
    %add3A_1073 = arith.addi %add3A_1043, %masked_cumsum3A_1072 : vector<16xi32>
    %mul3A_1074 = arith.muli %add3A_1073, %convert_element_type3A_1069 : vector<16xi32>
    %add3A_1075 = arith.constant 1 : i32
    %add3A_1076 = vector.broadcast %add3A_1075 : i32 to vector<16xi32>
    %add3A_1077 = arith.addi %mul3A_1074, %add3A_1076 : vector<16xi32>
    %swap3A_1078 = arith.constant 448 : index
    %swap3A_1079 = tpu.vector_load %arg6[%swap3A_1078] {strides = array<i32>} : memref<512xi32, #tpu.memory_space<vmem>>, vector<16xi32>,
    tpu.vector_store %arg6[%swap3A_1078], %add3A_1077 {strides = array<i32>} : memref<512xi32, #tpu.memory_space<vmem>>, vector<16xi32>,
    %all_reduce_population_count3A_1080 = tpu.all_reduce %ne3A_1068 {dim = 0 : i64, kind = #tpu.reduction_kind<sum>} : vector<16xi1> -> vector<16xi32>
    %add3A_1081 = arith.addi %add3A_1043, %all_reduce_population_count3A_1080 : vector<16xi32>
    %get3A_1082 = arith.constant 464 : index
    %get3A_1083 = tpu.vector_load %arg5[%get3A_1082] {strides = array<i32>} : memref<512xi32, #tpu.memory_space<vmem>>, vector<16xi32>,
    %ne3A_1084 = arith.constant 1 : i32
    %ne3A_1085 = vector.broadcast %ne3A_1084 : i32 to vector<16xi32>
    %ne3A_1086 = arith.cmpi ne, %get3A_1083, %ne3A_1085 : vector<16xi32>
    %convert_element_type3A_1087 = arith.extui %ne3A_1086 : vector<16xi1> to vector<16xi32>
    %broadcast_in_dim3A_1088 = arith.constant true
    %broadcast_in_dim3A_1089 = vector.broadcast %broadcast_in_dim3A_1088 : i1 to vector<16xi1>
    %masked_cumsum3A_1090 = tpu.scan <sum>, %convert_element_type3A_1087 masked %broadcast_in_dim3A_1089 : vector<16xi32>, vector<16xi1> -> vector<16xi32>
    %add3A_1091 = arith.addi %add3A_1081, %masked_cumsum3A_1090 : vector<16xi32>
    %mul3A_1092 = arith.muli %add3A_1091, %convert_element_type3A_1087 : vector<16xi32>
    %add3A_1093 = arith.constant 1 : i32
    %add3A_1094 = vector.broadcast %add3A_1093 : i32 to vector<16xi32>
    %add3A_1095 = arith.addi %mul3A_1092, %add3A_1094 : vector<16xi32>
    %swap3A_1096 = arith.constant 464 : index
    %swap3A_1097 = tpu.vector_load %arg6[%swap3A_1096] {strides = array<i32>} : memref<512xi32, #tpu.memory_space<vmem>>, vector<16xi32>,
    tpu.vector_store %arg6[%swap3A_1096], %add3A_1095 {strides = array<i32>} : memref<512xi32, #tpu.memory_space<vmem>>, vector<16xi32>,
    %all_reduce_population_count3A_1098 = tpu.all_reduce %ne3A_1086 {dim = 0 : i64, kind = #tpu.reduction_kind<sum>} : vector<16xi1> -> vector<16xi32>
    %add3A_1099 = arith.addi %add3A_1081, %all_reduce_population_count3A_1098 : vector<16xi32>
    %dma_wait3A_1100 = arith.constant 0 : i32
    %dma_wait3A_1101 = tpu.memref_slice %arg4[%add3A_1003, %dma_wait3A_1100] : memref<16384x512xf32, #tpu.memory_space<hbm>> -> memref<32x512xf32, #tpu.memory_space<hbm>>
    %dma_wait3A_1102 = arith.constant 0 : i32
    %dma_wait3A_1103 = tpu.memref_slice %arg4[%add3A_1003, %dma_wait3A_1102] : memref<16384x512xf32, #tpu.memory_space<hbm>> -> memref<32x512xf32, #tpu.memory_space<hbm>>
    tpu.wait_dma2 semaphore(%arg23 : memref<!tpu.dma_semaphore, #tpu.memory_space<semaphore_mem>>) src(%arg13 : memref<32x512xf32, #tpu.memory_space<vmem>>) dst(%dma_wait3A_1103 : memref<32x512xf32, #tpu.memory_space<hbm>>)
    %dma_start3A_1104 = arith.constant 448 : i32
    %dma_start3A_1105 = tpu.memref_slice %arg6[%dma_start3A_1104] : memref<512xi32, #tpu.memory_space<vmem>> -> memref<32xi32, #tpu.memory_space<vmem>>
    %dma_start3A_1106 = arith.constant 0 : i32
    %dma_start3A_1107 = arith.constant 0 : i32
    %dma_start3A_1108 = tpu.memref_slice %arg3[%dma_start3A_1106, %dma_start3A_1107] : memref<16384x512xf32, #tpu.memory_space<hbm>> -> memref<16384x512xf32, #tpu.memory_space<hbm>>
    tpu.enqueue_indirect_dma source(%dma_start3A_1108 : memref<16384x512xf32, #tpu.memory_space<hbm>>) target(%arg13 : memref<32x512xf32, #tpu.memory_space<vmem>>) offsets(%dma_start3A_1105 : memref<32xi32, #tpu.memory_space<vmem>>) semaphore(%arg18 : memref<!tpu.dma_semaphore, #tpu.memory_space<semaphore_mem>>)
    %dma_wait3A_1109 = arith.constant 352 : i32
    %dma_wait3A_1110 = tpu.memref_slice %arg6[%dma_wait3A_1109] : memref<512xi32, #tpu.memory_space<vmem>> -> memref<32xi32, #tpu.memory_space<vmem>>
    %dma_wait3A_1111 = arith.constant 0 : i32
    %dma_wait3A_1112 = arith.constant 0 : i32
    %dma_wait3A_1113 = tpu.memref_slice %arg3[%dma_wait3A_1111, %dma_wait3A_1112] : memref<16384x512xf32, #tpu.memory_space<hbm>> -> memref<16384x512xf32, #tpu.memory_space<hbm>>
    tpu.wait_indirect_dma semaphore(%arg15 : memref<!tpu.dma_semaphore, #tpu.memory_space<semaphore_mem>>) src(%dma_wait3A_1113 : memref<16384x512xf32, #tpu.memory_space<hbm>>) dst(%arg10 : memref<32x512xf32, #tpu.memory_space<vmem>>)
    %add3A_1114 = arith.constant 352 : i32
    %add3A_1115 = arith.addi %mul3A_335, %add3A_1114 : i32
    %dma_start3A_1116 = arith.constant 0 : i32
    %dma_start3A_1117 = tpu.memref_slice %arg4[%add3A_1115, %dma_start3A_1116] : memref<16384x512xf32, #tpu.memory_space<hbm>> -> memref<32x512xf32, #tpu.memory_space<hbm>>
    %dma_start3A_1118 = arith.constant 0 : i32
    %dma_start3A_1119 = tpu.memref_slice %arg4[%add3A_1115, %dma_start3A_1118] : memref<16384x512xf32, #tpu.memory_space<hbm>> -> memref<32x512xf32, #tpu.memory_space<hbm>>
    tpu.enqueue_dma source(%arg10 : memref<32x512xf32, #tpu.memory_space<vmem>>) target(%dma_start3A_1119 : memref<32x512xf32, #tpu.memory_space<hbm>>) target_semaphore(%arg20 : memref<!tpu.dma_semaphore, #tpu.memory_space<semaphore_mem>>)
    %get3A_1120 = arith.constant 480 : index
    %get3A_1121 = tpu.vector_load %arg5[%get3A_1120] {strides = array<i32>} : memref<512xi32, #tpu.memory_space<vmem>>, vector<16xi32>,
    %ne3A_1122 = arith.constant 1 : i32
    %ne3A_1123 = vector.broadcast %ne3A_1122 : i32 to vector<16xi32>
    %ne3A_1124 = arith.cmpi ne, %get3A_1121, %ne3A_1123 : vector<16xi32>
    %convert_element_type3A_1125 = arith.extui %ne3A_1124 : vector<16xi1> to vector<16xi32>
    %broadcast_in_dim3A_1126 = arith.constant true
    %broadcast_in_dim3A_1127 = vector.broadcast %broadcast_in_dim3A_1126 : i1 to vector<16xi1>
    %masked_cumsum3A_1128 = tpu.scan <sum>, %convert_element_type3A_1125 masked %broadcast_in_dim3A_1127 : vector<16xi32>, vector<16xi1> -> vector<16xi32>
    %add3A_1129 = arith.addi %add3A_1099, %masked_cumsum3A_1128 : vector<16xi32>
    %mul3A_1130 = arith.muli %add3A_1129, %convert_element_type3A_1125 : vector<16xi32>
    %add3A_1131 = arith.constant 1 : i32
    %add3A_1132 = vector.broadcast %add3A_1131 : i32 to vector<16xi32>
    %add3A_1133 = arith.addi %mul3A_1130, %add3A_1132 : vector<16xi32>
    %swap3A_1134 = arith.constant 480 : index
    %swap3A_1135 = tpu.vector_load %arg6[%swap3A_1134] {strides = array<i32>} : memref<512xi32, #tpu.memory_space<vmem>>, vector<16xi32>,
    tpu.vector_store %arg6[%swap3A_1134], %add3A_1133 {strides = array<i32>} : memref<512xi32, #tpu.memory_space<vmem>>, vector<16xi32>,
    %all_reduce_population_count3A_1136 = tpu.all_reduce %ne3A_1124 {dim = 0 : i64, kind = #tpu.reduction_kind<sum>} : vector<16xi1> -> vector<16xi32>
    %add3A_1137 = arith.addi %add3A_1099, %all_reduce_population_count3A_1136 : vector<16xi32>
    %get3A_1138 = arith.constant 496 : index
    %get3A_1139 = tpu.vector_load %arg5[%get3A_1138] {strides = array<i32>} : memref<512xi32, #tpu.memory_space<vmem>>, vector<16xi32>,
    %ne3A_1140 = arith.constant 1 : i32
    %ne3A_1141 = vector.broadcast %ne3A_1140 : i32 to vector<16xi32>
    %ne3A_1142 = arith.cmpi ne, %get3A_1139, %ne3A_1141 : vector<16xi32>
    %convert_element_type3A_1143 = arith.extui %ne3A_1142 : vector<16xi1> to vector<16xi32>
    %broadcast_in_dim3A_1144 = arith.constant true
    %broadcast_in_dim3A_1145 = vector.broadcast %broadcast_in_dim3A_1144 : i1 to vector<16xi1>
    %masked_cumsum3A_1146 = tpu.scan <sum>, %convert_element_type3A_1143 masked %broadcast_in_dim3A_1145 : vector<16xi32>, vector<16xi1> -> vector<16xi32>
    %add3A_1147 = arith.addi %add3A_1137, %masked_cumsum3A_1146 : vector<16xi32>
    %mul3A_1148 = arith.muli %add3A_1147, %convert_element_type3A_1143 : vector<16xi32>
    %add3A_1149 = arith.constant 1 : i32
    %add3A_1150 = vector.broadcast %add3A_1149 : i32 to vector<16xi32>
    %add3A_1151 = arith.addi %mul3A_1148, %add3A_1150 : vector<16xi32>
    %swap3A_1152 = arith.constant 496 : index
    %swap3A_1153 = tpu.vector_load %arg6[%swap3A_1152] {strides = array<i32>} : memref<512xi32, #tpu.memory_space<vmem>>, vector<16xi32>,
    tpu.vector_store %arg6[%swap3A_1152], %add3A_1151 {strides = array<i32>} : memref<512xi32, #tpu.memory_space<vmem>>, vector<16xi32>,
    %all_reduce_population_count3A_1154 = tpu.all_reduce %ne3A_1142 {dim = 0 : i64, kind = #tpu.reduction_kind<sum>} : vector<16xi1> -> vector<16xi32>
    %add3A_1155 = arith.addi %add3A_1137, %all_reduce_population_count3A_1154 : vector<16xi32>
    %dma_wait3A_1156 = arith.constant 0 : i32
    %dma_wait3A_1157 = tpu.memref_slice %arg4[%add3A_1059, %dma_wait3A_1156] : memref<16384x512xf32, #tpu.memory_space<hbm>> -> memref<32x512xf32, #tpu.memory_space<hbm>>
    %dma_wait3A_1158 = arith.constant 0 : i32
    %dma_wait3A_1159 = tpu.memref_slice %arg4[%add3A_1059, %dma_wait3A_1158] : memref<16384x512xf32, #tpu.memory_space<hbm>> -> memref<32x512xf32, #tpu.memory_space<hbm>>
    tpu.wait_dma2 semaphore(%arg19 : memref<!tpu.dma_semaphore, #tpu.memory_space<semaphore_mem>>) src(%arg9 : memref<32x512xf32, #tpu.memory_space<vmem>>) dst(%dma_wait3A_1159 : memref<32x512xf32, #tpu.memory_space<hbm>>)
    %dma_start3A_1160 = arith.constant 480 : i32
    %dma_start3A_1161 = tpu.memref_slice %arg6[%dma_start3A_1160] : memref<512xi32, #tpu.memory_space<vmem>> -> memref<32xi32, #tpu.memory_space<vmem>>
    %dma_start3A_1162 = arith.constant 0 : i32
    %dma_start3A_1163 = arith.constant 0 : i32
    %dma_start3A_1164 = tpu.memref_slice %arg3[%dma_start3A_1162, %dma_start3A_1163] : memref<16384x512xf32, #tpu.memory_space<hbm>> -> memref<16384x512xf32, #tpu.memory_space<hbm>>
    tpu.enqueue_indirect_dma source(%dma_start3A_1164 : memref<16384x512xf32, #tpu.memory_space<hbm>>) target(%arg9 : memref<32x512xf32, #tpu.memory_space<vmem>>) offsets(%dma_start3A_1161 : memref<32xi32, #tpu.memory_space<vmem>>) semaphore(%arg14 : memref<!tpu.dma_semaphore, #tpu.memory_space<semaphore_mem>>)
    %dma_wait3A_1165 = arith.constant 384 : i32
    %dma_wait3A_1166 = tpu.memref_slice %arg6[%dma_wait3A_1165] : memref<512xi32, #tpu.memory_space<vmem>> -> memref<32xi32, #tpu.memory_space<vmem>>
    %dma_wait3A_1167 = arith.constant 0 : i32
    %dma_wait3A_1168 = arith.constant 0 : i32
    %dma_wait3A_1169 = tpu.memref_slice %arg3[%dma_wait3A_1167, %dma_wait3A_1168] : memref<16384x512xf32, #tpu.memory_space<hbm>> -> memref<16384x512xf32, #tpu.memory_space<hbm>>
    tpu.wait_indirect_dma semaphore(%arg16 : memref<!tpu.dma_semaphore, #tpu.memory_space<semaphore_mem>>) src(%dma_wait3A_1169 : memref<16384x512xf32, #tpu.memory_space<hbm>>) dst(%arg11 : memref<32x512xf32, #tpu.memory_space<vmem>>)
    %add3A_1170 = arith.constant 384 : i32
    %add3A_1171 = arith.addi %mul3A_335, %add3A_1170 : i32
    %dma_start3A_1172 = arith.constant 0 : i32
    %dma_start3A_1173 = tpu.memref_slice %arg4[%add3A_1171, %dma_start3A_1172] : memref<16384x512xf32, #tpu.memory_space<hbm>> -> memref<32x512xf32, #tpu.memory_space<hbm>>
    %dma_start3A_1174 = arith.constant 0 : i32
    %dma_start3A_1175 = tpu.memref_slice %arg4[%add3A_1171, %dma_start3A_1174] : memref<16384x512xf32, #tpu.memory_space<hbm>> -> memref<32x512xf32, #tpu.memory_space<hbm>>
    tpu.enqueue_dma source(%arg11 : memref<32x512xf32, #tpu.memory_space<vmem>>) target(%dma_start3A_1175 : memref<32x512xf32, #tpu.memory_space<hbm>>) target_semaphore(%arg21 : memref<!tpu.dma_semaphore, #tpu.memory_space<semaphore_mem>>)
    %dma_wait3A_1176 = arith.constant 416 : i32
    %dma_wait3A_1177 = tpu.memref_slice %arg6[%dma_wait3A_1176] : memref<512xi32, #tpu.memory_space<vmem>> -> memref<32xi32, #tpu.memory_space<vmem>>
    %dma_wait3A_1178 = arith.constant 0 : i32
    %dma_wait3A_1179 = arith.constant 0 : i32
    %dma_wait3A_1180 = tpu.memref_slice %arg3[%dma_wait3A_1178, %dma_wait3A_1179] : memref<16384x512xf32, #tpu.memory_space<hbm>> -> memref<16384x512xf32, #tpu.memory_space<hbm>>
    tpu.wait_indirect_dma semaphore(%arg17 : memref<!tpu.dma_semaphore, #tpu.memory_space<semaphore_mem>>) src(%dma_wait3A_1180 : memref<16384x512xf32, #tpu.memory_space<hbm>>) dst(%arg12 : memref<32x512xf32, #tpu.memory_space<vmem>>)
    %add3A_1181 = arith.constant 416 : i32
    %add3A_1182 = arith.addi %mul3A_335, %add3A_1181 : i32
    %dma_start3A_1183 = arith.constant 0 : i32
    %dma_start3A_1184 = tpu.memref_slice %arg4[%add3A_1182, %dma_start3A_1183] : memref<16384x512xf32, #tpu.memory_space<hbm>> -> memref<32x512xf32, #tpu.memory_space<hbm>>
    %dma_start3A_1185 = arith.constant 0 : i32
    %dma_start3A_1186 = tpu.memref_slice %arg4[%add3A_1182, %dma_start3A_1185] : memref<16384x512xf32, #tpu.memory_space<hbm>> -> memref<32x512xf32, #tpu.memory_space<hbm>>
    tpu.enqueue_dma source(%arg12 : memref<32x512xf32, #tpu.memory_space<vmem>>) target(%dma_start3A_1186 : memref<32x512xf32, #tpu.memory_space<hbm>>) target_semaphore(%arg22 : memref<!tpu.dma_semaphore, #tpu.memory_space<semaphore_mem>>)
    %dma_wait3A_1187 = arith.constant 448 : i32
    %dma_wait3A_1188 = tpu.memref_slice %arg6[%dma_wait3A_1187] : memref<512xi32, #tpu.memory_space<vmem>> -> memref<32xi32, #tpu.memory_space<vmem>>
    %dma_wait3A_1189 = arith.constant 0 : i32
    %dma_wait3A_1190 = arith.constant 0 : i32
    %dma_wait3A_1191 = tpu.memref_slice %arg3[%dma_wait3A_1189, %dma_wait3A_1190] : memref<16384x512xf32, #tpu.memory_space<hbm>> -> memref<16384x512xf32, #tpu.memory_space<hbm>>
    tpu.wait_indirect_dma semaphore(%arg18 : memref<!tpu.dma_semaphore, #tpu.memory_space<semaphore_mem>>) src(%dma_wait3A_1191 : memref<16384x512xf32, #tpu.memory_space<hbm>>) dst(%arg13 : memref<32x512xf32, #tpu.memory_space<vmem>>)
    %add3A_1192 = arith.constant 448 : i32
    %add3A_1193 = arith.addi %mul3A_335, %add3A_1192 : i32
    %dma_start3A_1194 = arith.constant 0 : i32
    %dma_start3A_1195 = tpu.memref_slice %arg4[%add3A_1193, %dma_start3A_1194] : memref<16384x512xf32, #tpu.memory_space<hbm>> -> memref<32x512xf32, #tpu.memory_space<hbm>>
    %dma_start3A_1196 = arith.constant 0 : i32
    %dma_start3A_1197 = tpu.memref_slice %arg4[%add3A_1193, %dma_start3A_1196] : memref<16384x512xf32, #tpu.memory_space<hbm>> -> memref<32x512xf32, #tpu.memory_space<hbm>>
    tpu.enqueue_dma source(%arg13 : memref<32x512xf32, #tpu.memory_space<vmem>>) target(%dma_start3A_1197 : memref<32x512xf32, #tpu.memory_space<hbm>>) target_semaphore(%arg23 : memref<!tpu.dma_semaphore, #tpu.memory_space<semaphore_mem>>)
    %dma_wait3A_1198 = arith.constant 480 : i32
    %dma_wait3A_1199 = tpu.memref_slice %arg6[%dma_wait3A_1198] : memref<512xi32, #tpu.memory_space<vmem>> -> memref<32xi32, #tpu.memory_space<vmem>>
    %dma_wait3A_1200 = arith.constant 0 : i32
    %dma_wait3A_1201 = arith.constant 0 : i32
    %dma_wait3A_1202 = tpu.memref_slice %arg3[%dma_wait3A_1200, %dma_wait3A_1201] : memref<16384x512xf32, #tpu.memory_space<hbm>> -> memref<16384x512xf32, #tpu.memory_space<hbm>>
    tpu.wait_indirect_dma semaphore(%arg14 : memref<!tpu.dma_semaphore, #tpu.memory_space<semaphore_mem>>) src(%dma_wait3A_1202 : memref<16384x512xf32, #tpu.memory_space<hbm>>) dst(%arg9 : memref<32x512xf32, #tpu.memory_space<vmem>>)
    %add3A_1203 = arith.constant 480 : i32
    %add3A_1204 = arith.addi %mul3A_335, %add3A_1203 : i32
    %dma_start3A_1205 = arith.constant 0 : i32
    %dma_start3A_1206 = tpu.memref_slice %arg4[%add3A_1204, %dma_start3A_1205] : memref<16384x512xf32, #tpu.memory_space<hbm>> -> memref<32x512xf32, #tpu.memory_space<hbm>>
    %dma_start3A_1207 = arith.constant 0 : i32
    %dma_start3A_1208 = tpu.memref_slice %arg4[%add3A_1204, %dma_start3A_1207] : memref<16384x512xf32, #tpu.memory_space<hbm>> -> memref<32x512xf32, #tpu.memory_space<hbm>>
    tpu.enqueue_dma source(%arg9 : memref<32x512xf32, #tpu.memory_space<vmem>>) target(%dma_start3A_1208 : memref<32x512xf32, #tpu.memory_space<hbm>>) target_semaphore(%arg19 : memref<!tpu.dma_semaphore, #tpu.memory_space<semaphore_mem>>)
    %dma_wait3A_1209 = arith.constant 0 : i32
    %dma_wait3A_1210 = tpu.memref_slice %arg4[%add3A_1115, %dma_wait3A_1209] : memref<16384x512xf32, #tpu.memory_space<hbm>> -> memref<32x512xf32, #tpu.memory_space<hbm>>
    %dma_wait3A_1211 = arith.constant 0 : i32
    %dma_wait3A_1212 = tpu.memref_slice %arg4[%add3A_1115, %dma_wait3A_1211] : memref<16384x512xf32, #tpu.memory_space<hbm>> -> memref<32x512xf32, #tpu.memory_space<hbm>>
    tpu.wait_dma2 semaphore(%arg20 : memref<!tpu.dma_semaphore, #tpu.memory_space<semaphore_mem>>) src(%arg10 : memref<32x512xf32, #tpu.memory_space<vmem>>) dst(%dma_wait3A_1212 : memref<32x512xf32, #tpu.memory_space<hbm>>)
    %dma_wait3A_1213 = arith.constant 0 : i32
    %dma_wait3A_1214 = tpu.memref_slice %arg4[%add3A_1171, %dma_wait3A_1213] : memref<16384x512xf32, #tpu.memory_space<hbm>> -> memref<32x512xf32, #tpu.memory_space<hbm>>
    %dma_wait3A_1215 = arith.constant 0 : i32
    %dma_wait3A_1216 = tpu.memref_slice %arg4[%add3A_1171, %dma_wait3A_1215] : memref<16384x512xf32, #tpu.memory_space<hbm>> -> memref<32x512xf32, #tpu.memory_space<hbm>>
    tpu.wait_dma2 semaphore(%arg21 : memref<!tpu.dma_semaphore, #tpu.memory_space<semaphore_mem>>) src(%arg11 : memref<32x512xf32, #tpu.memory_space<vmem>>) dst(%dma_wait3A_1216 : memref<32x512xf32, #tpu.memory_space<hbm>>)
    %dma_wait3A_1217 = arith.constant 0 : i32
    %dma_wait3A_1218 = tpu.memref_slice %arg4[%add3A_1182, %dma_wait3A_1217] : memref<16384x512xf32, #tpu.memory_space<hbm>> -> memref<32x512xf32, #tpu.memory_space<hbm>>
    %dma_wait3A_1219 = arith.constant 0 : i32
    %dma_wait3A_1220 = tpu.memref_slice %arg4[%add3A_1182, %dma_wait3A_1219] : memref<16384x512xf32, #tpu.memory_space<hbm>> -> memref<32x512xf32, #tpu.memory_space<hbm>>
    tpu.wait_dma2 semaphore(%arg22 : memref<!tpu.dma_semaphore, #tpu.memory_space<semaphore_mem>>) src(%arg12 : memref<32x512xf32, #tpu.memory_space<vmem>>) dst(%dma_wait3A_1220 : memref<32x512xf32, #tpu.memory_space<hbm>>)
    %dma_wait3A_1221 = arith.constant 0 : i32
    %dma_wait3A_1222 = tpu.memref_slice %arg4[%add3A_1193, %dma_wait3A_1221] : memref<16384x512xf32, #tpu.memory_space<hbm>> -> memref<32x512xf32, #tpu.memory_space<hbm>>
    %dma_wait3A_1223 = arith.constant 0 : i32
    %dma_wait3A_1224 = tpu.memref_slice %arg4[%add3A_1193, %dma_wait3A_1223] : memref<16384x512xf32, #tpu.memory_space<hbm>> -> memref<32x512xf32, #tpu.memory_space<hbm>>
    tpu.wait_dma2 semaphore(%arg23 : memref<!tpu.dma_semaphore, #tpu.memory_space<semaphore_mem>>) src(%arg13 : memref<32x512xf32, #tpu.memory_space<vmem>>) dst(%dma_wait3A_1224 : memref<32x512xf32, #tpu.memory_space<hbm>>)
    %dma_wait3A_1225 = arith.constant 0 : i32
    %dma_wait3A_1226 = tpu.memref_slice %arg4[%add3A_1204, %dma_wait3A_1225] : memref<16384x512xf32, #tpu.memory_space<hbm>> -> memref<32x512xf32, #tpu.memory_space<hbm>>
    %dma_wait3A_1227 = arith.constant 0 : i32
    %dma_wait3A_1228 = tpu.memref_slice %arg4[%add3A_1204, %dma_wait3A_1227] : memref<16384x512xf32, #tpu.memory_space<hbm>> -> memref<32x512xf32, #tpu.memory_space<hbm>>
    tpu.wait_dma2 semaphore(%arg19 : memref<!tpu.dma_semaphore, #tpu.memory_space<semaphore_mem>>) src(%arg9 : memref<32x512xf32, #tpu.memory_space<vmem>>) dst(%dma_wait3A_1228 : memref<32x512xf32, #tpu.memory_space<hbm>>)
    return
  }
}

</mosaic_0001>

<sc_bundles>
// kernel: kernel.3.cloned.1.call-start
scs
__scs_entry_jumppad:
0x0: {  	(pc) =	sbr.rel $0x88, $3  }
0x1: {  	(tag) =	ssettag $0x0;
	lr =	simm.s32 $0x1  }
0x2: {  	[smem:$0x3F9F] =	sst lr;
	_ =	strace $0xD0000000  }
0x3: {  	_ = 	snop  }
0x4: {  	_ = 	snop  }
0x5: {  	_ = 	snop  }
0x6: {  	_ = 	snop  }
0x7: {  	_ = 	snop  }
__scs_overlays_trampoline_lowered:
0x8: {  	[smem:$0x3FAE] =	sst s0  }
0x9: {  	[smem:$0x3FAF] =	sst s1  }
0xa: {  	[smem:$0x3FB0] =	sst s2  }
0xb: {  	[smem:$0x3FB1] =	sst s3  }
0xc: {  	[smem:$0x3FB2] =	sst s4  }
0xd: {  	[smem:$0x3FB3] =	sst s5  }
0xe: {  	[smem:$0x3FB4] =	sst s6  }
0xf: {  	[smem:$0x3FB5] =	sst s7  }
0x10: {  	[smem:$0x3FB6] =	sst s8  }
0x11: {  	[smem:$0x3FB7] =	sst s9;
	s0 =	simm.s32 @!p0 $0x0  }
0x12: {  	s1 =	sld [smem:$0x3F9D];
	s0 =	simm.s32 @p0 $0x1  }
0x13: {  	[smem:$0x3FB8] =	sst s0;
	s0 =	simm.s32 @!p1 $0x0  }
0x14: {  	s2 =	sld [smem:$0x3F9C];
	s0 =	simm.s32 @p1 $0x1  }
0x15: {  	[smem:$0x3FB9] =	sst s0;
	s0 =	simm.s32 @!p2 $0x0  }
0x16: {  	s3 =	sld [smem:$0x3FDB];
	s0 =	simm.s32 @p2 $0x1  }
0x17: {  	s4 =	simm.s32 $0x1BF5;
	[smem:$0x3FBB] =	sst s0  }
0x18: {  	s0 =	sld [smem:$0x3F9E];
	_ =	swait.ge [sflag:s4], $0x0  }
0x19: {  	s7 =	sld [smem:$0x3F9F]  }
0x1a: {  	s8 =	sadd.s32 $0xFFFFE003, lr  }
0x1b: {  	s9 =	sadd.s32 $0xFFFFFEF7, lr;
	s5 =	simm.s32 $0xFFFFFFFF;
	p2 =	slt.u32 s8, $0xFFFFF086  }
0x1c: {  	p1 =	slt.u32 s9, $0xF7A;
	s5 =	simm.s32 @!p2 $0x0  }
0x1d: {  	s5 =	simm.s32 @p1 $0x1;
	p0 =	seq.s32 s7, s2  }
0x1e: {  	s7 =	smul.u32 @!p0 $0xF7A, s2;
	p2 =	seq.s32 @!p0 s5, $0x0  }
0x1f: {  	s9 =	smul.u32 $0xF7A, s1;
	s8 =	simm.s32 @!p0 $0x1BF5;
	p2 =	por !p2, p0  }
0x20: {  	[sflag:s8] =	ssyncset.s32 @!p0 $0xFFFFF086;
	s6 =	sadd.s32 @!p0 s3, s7;
	s7 =	simm.s32 @!p0 $0x108  }
0x21: {  	s3 =	sadd.s32 s3, s9;
	s6 =	sadd.s32 @!p0 $0x88, s6;
	s7 =	simm.s32 @p2 $0x1082  }
0x22: {  	[simem:s7], [sflag:s8] =	dma.local @!p0 [hbm:s6], $0xF7A  }
0x23: {  	s9 =	sor.u32 $0xD0000000, s2;
	s6 =	simm.s32 $0x108;
	_ =	swait.ge @!p0 [sflag:s8], $0x0  }
0x24: {  	s3 =	sadd.s32 $0x88, s3;
	s6 =	simm.s32 @!p1 $0x1082;
	[sflag:s4] =	ssyncset.s32 $0xFFFFF086  }
0x25: {  	[simem:s6], [sflag:s4] =	dma.local [hbm:s3], $0xF7A  }
0x26: {  	[smem:$0x3F9F] =	sst s1;
	(tag) =	ssettag s2;
	_ =	strace s9  }
0x27: {  	s1 =	sld [smem:$0x3FAF]  }
0x28: {  	s2 =	sld [smem:$0x3FB0]  }
0x29: {  	s4 =	sld [smem:$0x3FB2]  }
0x2a: {  	p0 =	seq.s32 s5, $0x0;
	s5 =	sld [smem:$0x3FB3]  }
0x2b: {  	s6 =	sld [smem:$0x3FB4]  }
0x2c: {  	s7 =	sld [smem:$0x3FB5]  }
0x2d: {  	s3 =	simm.s32 $0x108;
	s8 =	sld [smem:$0x3FB6]  }
0x2e: {  	s3 =	simm.s32 @!p0 $0x1082;
	s9 =	sld [smem:$0x3FB7]  }
0x2f: {  	lr =	sadd.s32 s0, s3;
	s0 =	sld [smem:$0x3FAE]  }
0x30: {  	s3 =	sld [smem:$0x3FB1]  }
0x31: {  	[smem:$0x3FBA] =	sst s10  }
0x32: {  	s10 =	sld [smem:$0x3FB8];
	_ =	sdelay $0x3  }
0x33: {  	p0 =	seq.s32 s10, $0x1;
	s10 =	sld [smem:$0x3FBA];
	_ =	sdelay $0x3  }
0x34: {  	[smem:$0x3FBA] =	sst s10  }
0x35: {  	s10 =	sld [smem:$0x3FB9];
	_ =	sdelay $0x3  }
0x36: {  	p1 =	seq.s32 s10, $0x1;
	s10 =	sld [smem:$0x3FBA];
	_ =	sdelay $0x3  }
0x37: {  	[smem:$0x3FBA] =	sst s10  }
0x38: {  	s10 =	sld [smem:$0x3FBB]  }
0x39: {  	_ = 	snop;
	(pc) =	sbr.ind lr, $3  }
0x3a: {  	_ = 	snop  }
0x3b: {  	_ = 	snop  }
0x3c: {  	p2 =	seq.s32 s10, $0x1;
	s10 =	sld [smem:$0x3FBA]  }
0x3d: {  	_ =	shalt  }
0x3e: {  	_ =	shalt  }
0x3f: {  	_ =	shalt  }
0x40: {  	_ =	shalt  }
0x41: {  	_ =	shalt  }
0x42: {  	_ =	shalt  }
0x43: {  	_ =	shalt  }
0x44: {  	_ =	shalt  }
0x45: {  	_ =	shalt  }
0x46: {  	_ =	shalt  }
0x47: {  	_ =	shalt  }
0x48: {  	_ =	shalt  }
0x49: {  	_ =	shalt  }
0x4a: {  	_ =	shalt  }
0x4b: {  	_ =	shalt  }
0x4c: {  	_ =	shalt  }
0x4d: {  	_ =	shalt  }
0x4e: {  	_ =	shalt  }
0x4f: {  	_ =	shalt  }
0x50: {  	_ =	shalt  }
0x51: {  	_ =	shalt  }
0x52: {  	_ =	shalt  }
0x53: {  	_ =	shalt  }
0x54: {  	_ =	shalt  }
0x55: {  	_ =	shalt  }
0x56: {  	_ =	shalt  }
0x57: {  	_ =	shalt  }
0x58: {  	_ =	shalt  }
0x59: {  	_ =	shalt  }
0x5a: {  	_ =	shalt  }
0x5b: {  	_ =	shalt  }
0x5c: {  	_ =	shalt  }
0x5d: {  	_ =	shalt  }
0x5e: {  	_ =	shalt  }
0x5f: {  	_ =	shalt  }
0x60: {  	_ =	shalt  }
0x61: {  	_ =	shalt  }
0x62: {  	_ =	shalt  }
0x63: {  	_ =	shalt  }
0x64: {  	_ =	shalt  }
0x65: {  	_ =	shalt  }
0x66: {  	_ =	shalt  }
0x67: {  	_ =	shalt  }
0x68: {  	_ =	shalt  }
0x69: {  	_ =	shalt  }
0x6a: {  	_ =	shalt  }
0x6b: {  	_ =	shalt  }
0x6c: {  	_ =	shalt  }
0x6d: {  	_ =	shalt  }
0x6e: {  	_ =	shalt  }
0x6f: {  	_ =	shalt  }
0x70: {  	_ =	shalt  }
0x71: {  	_ =	shalt  }
0x72: {  	_ =	shalt  }
0x73: {  	_ =	shalt  }
0x74: {  	_ =	shalt  }
0x75: {  	_ =	shalt  }
0x76: {  	_ =	shalt  }
0x77: {  	_ =	shalt  }
0x78: {  	_ =	shalt  }
0x79: {  	_ =	shalt  }
0x7a: {  	_ =	shalt  }
0x7b: {  	_ =	shalt  }
0x7c: {  	_ =	shalt  }
0x7d: {  	_ =	shalt  }
0x7e: {  	_ =	shalt  }
0x7f: {  	_ =	shalt  }
0x80: {  	_ =	shalt  }
0x81: {  	_ =	shalt  }
0x82: {  	_ =	shalt  }
0x83: {  	_ =	shalt  }
0x84: {  	_ =	shalt  }
0x85: {  	_ =	shalt  }
0x86: {  	_ =	shalt  }
0x87: {  	_ =	shalt  }
.Lfunc_end0:
.L_simem_size_0:
called_computation_lowered:
.L_overlay_start_0:
0x88: {  	s2 =	sld [smem:$0x3FD9]  }
0x89: {  	s3 =	sld [smem:$0x3FFE];
	_ =	sdelay $0x1  }
0x8a: {  	s1 =	srdreg.scid  }
0x8b: {  	s0 =	sand.u32 $0x1, s1  }
0x8c: {  	s17 =	sshll.u32 s0, $0xA;
	s2 =	sadd.s32 s3, s2  }
0x8d: {  	s2 =	sadd.s32 s2, s17  }
0x8e: {  	[smem:$0x3FC6] =	sst s2  }
0x8f: {  	_ = 	snop  }
0x90: {  	s2 =	sld [smem:$0x3FC8]  }
0x91: {  	s18 =	sld [smem:$0x3FD0];
	(tm) =	ssettm $0x1  }
0x92: {  	s4 =	sld [smem:$0x3FFB];
	_ =	sdelay $0x3  }
0x93: {  	_ =	strace s4  }
0x94: {  	s4 =	sld [smem:$0x3FFC];
	_ =	sdelay $0x3  }
0x95: {  	_ =	strace s4  }
0x96: {  	s4 =	sld [smem:$0x3FFD];
	_ =	sdelay $0x3  }
0x97: {  	_ =	strace s4  }
0x98: {  	_ =	strace $0x8FFFFFFF  }
0x99: {  	s19 =	sld [smem:$0x3FDB];
	_ =	sdelay $0x1  }
0x9a: {  	s5 =	simm.s32 $_scs_section_size  }
0x9b: {  	s6 =	simm.s32 $_size__tile_overlayer_lowered;
	s7 =	simm.s32 $_tile_overlayer_lowered  }
0x9c: {  	s22 =	simm.s32 $0x1BFF;
	s21 =	sshll.u32 s7, $0x1;
	s4 =	sadd.s32 s5, s19  }
0x9d: {  	s8 =	simm.s32 $0x0;
	s20 =	sshll.u32 s6, $0x1;
	s6 =	sadd.s32 s21, s4  }
0x9e: {  	[timem:s8], [sflag:s22] =	dma.local [hbm:s6], s20  }
0x9f: {  	_ =	swait.ge [sflag:s22], s20  }
0xa0: {  	s5 =	ssub.s32 $0x0, s20;
	[sflag:s22] =	ssyncset.done $0x0  }
0xa1: {  	[sflag:s22] =	ssyncadd.s32 s5;
	_ =	sdelay $0x1  }
0xa2: {  	s23 =	simm.s32 $0x1B8B  }
0xa3: {  	_ =	swait.ge [sflag:s23], $0x1  }
0xa4: {  	[sflag:s23] =	ssyncset.done $0x0  }
0xa5: {  	s25 =	simm.s32 $0x1B8E;
	s24 =	sld [smem:$0x3FFE];
	[sflag:s23] =	ssyncadd.s32 $0xFFFFFFFF  }
0xa6: {  	s26 =	simm.s32 $execute0_lowered;
	[smem:$0x3FD2] =	sst s25  }
0xa7: {  	s6 =	sshll.u32 s26, $0x1;
	_ =	strace $0x80000046;
	[dreg:$0x1] =	wrdreg $0xFFFFFFFF  }
0xa8: {  	s28 =	simm.s32 $_size_execute0_lowered;
	s4 =	sadd.s32 s4, s6;
	[dreg:$0x0] =	wrdreg $0x0  }
0xa9: {  	s6 =	sshll.u32 s28, $0x1;
	[dreg:$0x2] =	wrdreg s4  }
0xaa: {  	[dreg:$0x3] =	wrdreg s6  }
0xab: {  	[dreg:$0x4] =	wrdreg $0xC0  }
0xac: {  	_ =	task [dreg:s8], $0x5FFFF  }
0xad: {  	[dreg:$0x1] =	wrdreg $0xFFFFFFFF  }
0xae: {  	[dreg:$0x0] =	wrdreg $0x60  }
0xaf: {  	[dreg:$0x2] =	wrdreg s24  }
0xb0: {  	[dreg:$0x3] =	wrdreg s2  }
0xb1: {  	[dreg:$0x4] =	wrdreg s18  }
0xb2: {  	[dreg:$0x5] =	wrdreg $0x145800  }
0xb3: {  	[dreg:$0x6] =	wrdreg $0x9  }
0xb4: {  	_ =	task.clear_ibuf [dreg:s8], $0x7FFFF;
	_ =	strace $0x90000046  }
0xb5: {  	s29 =	simm.s32 $0x9;
	_ =	strace $0x80000048  }
0xb6: {  	_ =	swait.ge [sflag:s29], $0x1  }
0xb7: {  	[sflag:s29] =	ssyncadd.s32 $0xFFFFFFFF  }
0xb8: {  	_ =	strace $0x90000048  }
0xb9: {  	_ =	sfence  }
0xba: {  	s30 =	sld [smem:$0x0];
	_ =	sdelay $0x2  }
0xbb: {  	s31 =	sshll.u32 s1, $0xD;
	s1 =	sshrl.u32 s1, $0x2  }
0xbc: {  	s3 =	sand.u32 $0x4000, s31;
	s1 =	sadd.s32 s1, s30  }
0xbd: {  	s0 =	sor.u32 s3, s0;
	s1 =	sshll.u32 s1, $0x11  }
0xbe: {  	s0 =	sor.u32 s1, s0  }
0xbf: {  	s0 =	sadd.s32 $0x8F2B, s0  }
0xc0: {  	[sflag:s0] =	ssyncadd.remote.s32 $0x1  }
0xc1: {  	_ =	sfence.sel $0xFFFF  }
0xc2: {  	[dreg:$0x0] =	wrdreg $0xFFFFFFFF;
	(pc) =	sbr.abs _section_cstart, $3  }
0xc3: {  	[dreg:$0x1] =	wrdreg $0xFFFFFFFF  }
0xc4: {  	_ =	task.clear_ibuf [dreg:s8], $0x2FFFF;
	_ =	strace $0x9FFFFFFF  }
0xc5: {  	(tm) =	ssettm $0x7FFFFFFF  }
tec
execute0_lowered:
.L_overlay_start_1:
0x0: {  	(tag) =	ssettag $0x1  }
0x1: {  	s0 =	rddreg [dreg:$0x0]  }
0x2: {  	s1 =	rddreg [dreg:$0x1]  }
0x3: {  	s2 =	srdreg.scid;
	s3 =	rddreg [dreg:$0x2]  }
0x4: {  	s8 =	stileid.u32;
	s9 =	rddreg [dreg:$0x3];
	s4 =	simm.s32 $0x0  }
0x5: {  	s29 =	simm.s32 $0x4;
	s31 =	simm.s32 $0x8;
	s2 =	sand.u32 $0x1, s2  }
0x6: {  	s6 =	sshll.u32 s8, $0x9;
	[smem:$0x7FF] =	sst s4;
	s5 =	sshll.u32 s2, $0xD  }
0x7: {  	s21 =	sshll.u32 s8, $0x4;
	_ =	strace $0x80000047;
	s7 =	sor.u32 s6, s5  }
0x8: {  	s23 =	sadd.s32 s21, s9;
	s5 =	sshrl.u32 s7, $0x3;
	s7 =	sshll.u32 s7, $0x6  }
0x9: {  	[dreg:$0x6] =	wrdreg s23;
	s0 =	sadd.s32 s5, s0;
	s11 =	sadd.s32 s3, s7  }
0xa: {  	s28 =	simm.s32 $0x4580;
	s0 =	sadd.s32 $0x400, s0;
	[dreg:$0x18] =	wrdreg s11  }
0xb: {  	s30 =	simm.s32 $0x6D80;
	s7 =	sadd.s32 $0x800, s11;
	[dreg:$0x5] =	wrdreg s0  }
0xc: {  	s8 =	sand.u32 $0x7, s8;
	s24 =	sadd.s32 $0x1000, s11;
	[dreg:$0x7] =	wrdreg s7  }
0xd: {  	s2 =	ssub.s32 $0x2, s2;
	s25 =	sadd.s32 $0x1800, s11;
	[dreg:$0x8] =	wrdreg s24  }
0xe: {  	p0 =	sne.s32 s8, $0x0;
	s10 =	sadd.s32 $0x2000, s11;
	[dreg:$0x9] =	wrdreg s25  }
0xf: {  	s22 =	sshrl.u32 s2, $0x1;
	s26 =	sadd.s32 $0x2800, s11;
	[dreg:$0xa] =	wrdreg s10  }
0x10: {  	s6 =	simm.s32 $0x1;
	s12 =	sadd.s32 $0x3000, s11;
	[dreg:$0xb] =	wrdreg s26  }
0x11: {  	s23 =	simm.s32 $0x1;
	s13 =	sadd.s32 $0x3800, s11;
	[dreg:$0xc] =	wrdreg s12  }
0x12: {  	s9 =	ssub.s32 s2, s22;
	s14 =	sadd.s32 $0x4000, s11;
	[dreg:$0xd] =	wrdreg s13  }
0x13: {  	s2 =	simm.s32 $0x1;
	s15 =	sadd.s32 $0x4800, s11;
	[dreg:$0xe] =	wrdreg s14  }
0x14: {  	s5 =	sand.u32 $0x80, s21;
	s16 =	sadd.s32 $0x5000, s11;
	[dreg:$0xf] =	wrdreg s15  }
0x15: {  	s3 =	simm.s32 $0x1;
	s17 =	sadd.s32 $0x5800, s11;
	[dreg:$0x10] =	wrdreg s16  }
0x16: {  	s21 =	simm.s32 $0x1;
	s18 =	sadd.s32 $0x6000, s11;
	[dreg:$0x11] =	wrdreg s17  }
0x17: {  	s9 =	smax.u32 s9, $0x1;
	s19 =	sadd.s32 $0x6800, s11;
	[dreg:$0x12] =	wrdreg s18  }
0x18: {  	s20 =	sadd.s32 $0x7000, s11;
	s22 =	sadd.s32 $0x7800, s11;
	[dreg:$0x13] =	wrdreg s19  }
0x19: {  	s0 =	simm.s32 $0x1;
	s7 =	simm.s32 $0x1;
	[dreg:$0x14] =	wrdreg s20  }
0x1a: {  	s24 =	simm.s32 $0x1;
	[dreg:$0x15] =	wrdreg s22;
	s25 =	simm.s32 $0x400  }
0x1b: {  	s26 =	simm.s32 $0x480;
	s17 =	simm.s32 $0xB;
	s10 =	simm.s32 $0x580  }
0x1c: {  	s22 =	simm.s32 $0x5580;
	s14 =	simm.s32 $0x8580;
	s15 =	simm.s32 $0xC580  }
0x1d: {  	s16 =	simm.s32 $0x10580;
	s0 =	simm.s32 @!p0 $0x0;
	p0 =	sgt.u32 s8, $0x1  }
0x1e: {  	[dreg:$0x16] =	wrdreg s25;
	s2 =	simm.s32 @!p0 $0x0;
	p0 =	sgt.u32 s8, $0x2  }
0x1f: {  	[dreg:$0x17] =	wrdreg s26;
	s3 =	simm.s32 @!p0 $0x0;
	p0 =	sgt.u32 s8, $0x3  }
0x20: {  	v10 =	vlaneseq.u32;
	v7 =	vimm.s32 $0x0;
	s25 =	simm.s32 $0x3;
	s7 =	simm.s32 @!p0 $0x0;
	p0 =	sgt.u32 s8, $0x4  }
0x21: {  	vm0 =	vmmov $0xffff;
	v9 =	vshrl.u32 v10, $0x3;
	v8 =	vand.u32 $0x7, v10;
	s26 =	simm.s32 $0x7;
	s21 =	simm.s32 @!p0 $0x0;
	p0 =	sgt.u32 s8, $0x5  }
0x22: {  	v10 =	vor.u32 $0x8, v10;
	v9 =	vmul.u32 $0x8, v9;
	v0 =	vmov s0;
	s0 =	simm.s32 $0x9;
	s23 =	simm.s32 @!p0 $0x0;
	p0 =	seq.s32 s8, $0x7  }
0x23: {  	v1 =	vmov s2;
	s2 =	simm.s32 $0x5;
	v2 =	vmov s3;
	s3 =	simm.s32 $0xA;
	v3 =	vmov s7;
	s24 =	simm.s32 @!p0 $0x0  }
0x24: {  	s8 =	sadd.s32 $0x100, s1;
	v4 =	vmov s21;
	v5 =	vmov s23;
	s23 =	simm.s32 $0x2;
	v6 =	vmov s24;
	s24 =	simm.s32 $0x6  }
.LBB2_1:
0x25: {  	s7 =	rddreg [dreg:$0x5]  }
0x26: {  	[tilespmem:s4], [sflag:$0xB] =	stream.linear.gather [hbm4b:s7+s4], $0x200, $0x38;
	[tilespmem:$0x14590] =	vst v63  }
0x27: {  	_ =	swait.ge [sflag:s17], $0x200  }
0x28: {  	[sflag:s17] =	ssyncset.done $0x0  }
0x29: {  	[sflag:s17] =	ssyncadd.s32 $0xFFFFFE00  }
0x2a: {  	v11 =	vld [tilespmem:$0x0]  }
0x2b: {  	v12 =	vld [tilespmem:$0x10]  }
0x2c: {  	v13 =	vld [tilespmem:$0x20]  }
0x2d: {  	v14 =	vld [tilespmem:$0x30]  }
0x2e: {  	v15 =	vld [tilespmem:$0x40]  }
0x2f: {  	v16 =	vld [tilespmem:$0x50]  }
0x30: {  	vm1 =	vne.s32 v11, $0x1;
	vm2 =	vne.s32 v12, $0x1;
	v11 =	vld [tilespmem:$0x60]  }
0x31: {  	v49 =	vld [tilespmem:$0x70];
	v48 =	vmpcnt.ones.xlane vm1;
	v17 =	vmpcnt.ones.xlane vm2;
	vm1 =	vne.s32 v13, $0x1  }
0x32: {  	v50 =	vld [tilespmem:$0x80];
	v18 =	vmpcnt.ones.xlane vm1;
	vm1 =	vne.s32 v14, $0x1  }
0x33: {  	v52 =	vld [tilespmem:$0x90];
	v12 =	vadd.s32 v48, v17;
	v51 =	vmpcnt.ones.xlane vm1;
	vm1 =	vne.s32 v15, $0x1  }
0x34: {  	v54 =	vld [tilespmem:$0xA0];
	v12 =	vadd.s32 v18, v12;
	v53 =	vmpcnt.ones.xlane vm1;
	vm1 =	vne.s32 v16, $0x1  }
0x35: {  	v12 =	vadd.s32 v51, v12;
	v55 =	vmpcnt.ones.xlane vm1;
	vm1 =	vne.s32 v11, $0x1;
	v11 =	vld [tilespmem:$0xB0]  }
0x36: {  	v57 =	vld [tilespmem:$0xC0];
	v12 =	vadd.s32 v53, v12;
	v56 =	vmpcnt.ones.xlane vm1;
	vm1 =	vne.s32 v49, $0x1  }
0x37: {  	v59 =	vld [tilespmem:$0xD0];
	v12 =	vadd.s32 v55, v12;
	v58 =	vmpcnt.ones.xlane vm1;
	vm1 =	vne.s32 v50, $0x1  }
0x38: {  	v61 =	vld [tilespmem:$0xE0];
	v12 =	vadd.s32 v56, v12;
	v60 =	vmpcnt.ones.xlane vm1;
	vm1 =	vne.s32 v52, $0x1  }
0x39: {  	v63 =	vld [tilespmem:$0xF0];
	v12 =	vadd.s32 v58, v12;
	v62 =	vmpcnt.ones.xlane vm1;
	vm1 =	vne.s32 v54, $0x1  }
0x3a: {  	v12 =	vadd.s32 v60, v12;
	v21 =	vmpcnt.ones.xlane vm1;
	vm1 =	vne.s32 v11, $0x1;
	v11 =	vld [tilespmem:$0x100]  }
0x3b: {  	v23 =	vld [tilespmem:$0x110];
	v12 =	vadd.s32 v62, v12;
	v22 =	vmpcnt.ones.xlane vm1;
	vm1 =	vne.s32 v57, $0x1  }
0x3c: {  	v25 =	vld [tilespmem:$0x120];
	v12 =	vadd.s32 v21, v12;
	v24 =	vmpcnt.ones.xlane vm1;
	vm1 =	vne.s32 v59, $0x1  }
0x3d: {  	v27 =	vld [tilespmem:$0x130];
	v12 =	vadd.s32 v22, v12;
	v26 =	vmpcnt.ones.xlane vm1;
	vm1 =	vne.s32 v61, $0x1  }
0x3e: {  	v29 =	vld [tilespmem:$0x140];
	v12 =	vadd.s32 v24, v12;
	v28 =	vmpcnt.ones.xlane vm1;
	vm1 =	vne.s32 v63, $0x1  }
0x3f: {  	v12 =	vadd.s32 v26, v12;
	v30 =	vmpcnt.ones.xlane vm1;
	vm1 =	vne.s32 v11, $0x1;
	v11 =	vld [tilespmem:$0x150]  }
0x40: {  	v32 =	vld [tilespmem:$0x160];
	v12 =	vadd.s32 v28, v12;
	v31 =	vmpcnt.ones.xlane vm1;
	vm1 =	vne.s32 v23, $0x1  }
0x41: {  	v34 =	vld [tilespmem:$0x170];
	v12 =	vadd.s32 v30, v12;
	v33 =	vmpcnt.ones.xlane vm1;
	vm1 =	vne.s32 v25, $0x1  }
0x42: {  	v36 =	vld [tilespmem:$0x180];
	v12 =	vadd.s32 v31, v12;
	v35 =	vmpcnt.ones.xlane vm1;
	vm1 =	vne.s32 v27, $0x1  }
0x43: {  	v38 =	vld [tilespmem:$0x190];
	v12 =	vadd.s32 v33, v12;
	v37 =	vmpcnt.ones.xlane vm1;
	vm1 =	vne.s32 v29, $0x1  }
0x44: {  	v12 =	vadd.s32 v35, v12;
	v39 =	vmpcnt.ones.xlane vm1;
	vm1 =	vne.s32 v11, $0x1;
	v11 =	vld [tilespmem:$0x1A0]  }
0x45: {  	v41 =	vld [tilespmem:$0x1B0];
	v12 =	vadd.s32 v37, v12;
	v40 =	vmpcnt.ones.xlane vm1;
	vm1 =	vne.s32 v32, $0x1  }
0x46: {  	v43 =	vld [tilespmem:$0x1C0];
	v12 =	vadd.s32 v39, v12;
	v42 =	vmpcnt.ones.xlane vm1;
	vm1 =	vne.s32 v34, $0x1  }
0x47: {  	v45 =	vld [tilespmem:$0x1D0];
	v12 =	vadd.s32 v40, v12;
	v44 =	vmpcnt.ones.xlane vm1;
	vm1 =	vne.s32 v36, $0x1  }
0x48: {  	v47 =	vld [tilespmem:$0x1E0];
	v12 =	vadd.s32 v42, v12;
	v46 =	vmpcnt.ones.xlane vm1;
	vm1 =	vne.s32 v38, $0x1  }
0x49: {  	v12 =	vadd.s32 v44, v12;
	v48 =	vmpcnt.ones.xlane vm1;
	vm1 =	vne.s32 v11, $0x1;
	v11 =	vld [tilespmem:$0x1F0]  }
0x4a: {  	v12 =	vadd.s32 v46, v12;
	v49 =	vmpcnt.ones.xlane vm1;
	vm1 =	vne.s32 v41, $0x1  }
0x4b: {  	v12 =	vadd.s32 v48, v12;
	v13 =	vmpcnt.ones.xlane vm1;
	vm1 =	vne.s32 v43, $0x1  }
0x4c: {  	v12 =	vadd.s32 v49, v12;
	v14 =	vmpcnt.ones.xlane vm1;
	vm1 =	vne.s32 v45, $0x1  }
0x4d: {  	v12 =	vadd.s32 v13, v12;
	v50 =	vmpcnt.ones.xlane vm1;
	vm1 =	vne.s32 v47, $0x1  }
0x4e: {  	v12 =	vadd.s32 v14, v12;
	v51 =	vmpcnt.ones.xlane vm1;
	vm1 =	vne.s32 v11, $0x1  }
0x4f: {  	v11 =	vadd.s32 v50, v12;
	v52 =	vmpcnt.ones.xlane vm1  }
0x50: {  	v11 =	vadd.s32 v51, v11  }
0x51: {  	s18 =	rddreg [dreg:$0x6];
	v11 =	vadd.s32 v52, v11  }
0x52: {  	s21 =	rddreg [dreg:$0x16];
	[tilespmem:$0x400] =	vst v11  }
0x53: {  	[spmem:s18] =	stream.linear.scatter [tilespmem:s21], [sflag:$0xB], $0x10, $0x38;
	[tilespmem:$0x14590] =	vst v63  }
0x54: {  	_ =	swait.ge [sflag:s17], $0x10  }
0x55: {  	[sflag:s17] =	ssyncset.done $0x0  }
0x56: {  	[sflag:s17] =	ssyncadd.s32 $0xFFFFFFF0  }
0x57: {  	[bflag:$0x0] =	sbarrier.arrive $0xFFFF  }
0x58: {  	s19 =	rddreg [dreg:$0x17]  }
0x59: {  	s20 =	rddreg [dreg:$0x3]  }
0x5a: {  	[tilespmem:s19], [sflag:$0xB] =	stream.linear.gather [spmem:s20], $0x100, $0x38;
	[tilespmem:$0x14590] =	vst v63  }
0x5b: {  	_ =	swait.ge [sflag:s17], $0x100  }
0x5c: {  	[sflag:s17] =	ssyncset.done $0x0  }
0x5d: {  	[sflag:s17] =	ssyncadd.s32 $0xFFFFFF00  }
0x5e: {  	v11 =	vld [tilespmem:s5+$0x480]  }
0x5f: {  	v53 =	vld [tilespmem:s5+$0x490]  }
0x60: {  	v54 =	vld [tilespmem:$0x0]  }
0x61: {  	v55 =	vld [tilespmem:s5+$0x4A0]  }
0x62: {  	v56 =	vld [tilespmem:s5+$0x4B0]  }
0x63: {  	v57 =	vld [tilespmem:s5+$0x4C0]  }
0x64: {  	v58 =	vld [tilespmem:s5+$0x4D0]  }
0x65: {  	v59 =	vld [tilespmem:s5+$0x4E0];
	v11 =	vmul.u32 v0, v11;
	v12 =	vmul.u32 v1, v53;
	vm2 =	vne.s32 v54, $0x1  }
0x66: {  	v60 =	vmul.u32 v2, v55;
	v61 =	vsel vm2, $0x1, v7  }
0x67: {  	v62 =	vmul.u32 v3, v56;
	v11 =	vadd.s32 v11, v12;
	(xrf0) =	vadd.scan.msk.s32 $0xffff, v61  }
0x68: {  	v63 =	vmul.u32 v4, v57;
	v11 =	vadd.s32 v60, v11  }
0x69: {  	v17 =	vld [tilespmem:$0x10];
	v16 =	vmul.u32 v5, v58;
	v11 =	vadd.s32 v62, v11  }
0x6a: {  	v18 =	vmul.u32 v6, v59;
	v11 =	vadd.s32 v63, v11  }
0x6b: {  	v11 =	vadd.s32 v16, v11  }
0x6c: {  	v11 =	vadd.s32 v18, v11  }
0x6d: {  	v19, _, _ =	vpop (xrf0);
	v11 =	vadd.s32 $0x1, v11  }
0x6e: {  	vm1 =	vne.s32 v17, $0x1;
	v12 =	vadd.s32 v19, v11  }
0x6f: {  	v20 =	vsel vm1, $0x1, v7;
	v12 =	vnsel vm2, $0x1, v12  }
0x70: {  	(xrf0) =	vadd.scan.msk.s32 $0xffff, v20;
	v21 =	vshll.u32 v12, $0x2  }
0x71: {  	v22 =	vand.u32 $0x7, v12;
	v13 =	vand.u32 $0xFFFFFFE0, v21  }
0x72: {  	v13 =	vor.u32 v22, v13  }
0x73: {  	v14 =	vperm.xlane v13, v8  }
0x74: {  	v23 =	vmpcnt.ones.xlane vm2  }
0x75: {  	v14 =	vadd.s32 v9, v14  }
0x76: {  	v11 =	vadd.s32 v23, v11;
	v24, _, _ =	vpop (xrf0)  }
0x77: {  	v13 =	vperm.xlane v13, v10;
	v15 =	vadd.s32 v24, v11  }
0x78: {  	[tilespmem:$0x200] =	vst v12;
	v25 =	vnsel vm1, $0x1, v15  }
0x79: {  	v26 =	vadd.s32 v9, v13;
	[tilespmem:$0x210] =	vst v25  }
0x7a: {  	[tilespmem:s10], [sflag:$0x1] =	stream.indirect_vreg.gather [hbm4b:s1+s4], $0x80, v14, vm0, $0xb8;
	[tilespmem:$0x14590] =	vst v63  }
0x7b: {  	s21 =	simm.s32 $0xD80  }
0x7c: {  	[tilespmem:s21], [sflag:$0x1] =	stream.indirect_vreg.gather [hbm4b:s8+s4], $0x80, v14, vm0, $0xb8;
	[tilespmem:$0x14590] =	vst v63  }
0x7d: {  	s11 =	simm.s32 $0x1580  }
0x7e: {  	[tilespmem:s11], [sflag:$0x1] =	stream.indirect_vreg.gather [hbm4b:s1+s4], $0x80, v26, vm0, $0xb8;
	[tilespmem:$0x14590] =	vst v63  }
0x7f: {  	s12 =	simm.s32 $0x1D80  }
0x80: {  	[tilespmem:s12], [sflag:$0x1] =	stream.indirect_vreg.gather [hbm4b:s8+s4], $0x80, v26, vm0, $0xb8;
	[tilespmem:$0x14590] =	vst v63  }
0x81: {  	v12 =	vld [tilespmem:$0x210];
	_ =	sdelay $0x4  }
0x82: {  	v27 =	vshll.u32 v12, $0x2  }
0x83: {  	v12 =	vand.u32 $0x7, v12;
	v13 =	vand.u32 $0xFFFFFFE0, v27  }
0x84: {  	v12 =	vor.u32 v12, v13  }
0x85: {  	v13 =	vperm.xlane v12, v8;
	_ =	sdelay $0x1  }
0x86: {  	v13 =	vadd.s32 v9, v13;
	_ =	sdelay $0x1  }
0x87: {  	v12 =	vperm.xlane v12, v10;
	_ =	sdelay $0x1  }
0x88: {  	s13 =	simm.s32 $0x2580;
	v12 =	vadd.s32 v9, v12  }
0x89: {  	[tilespmem:s13], [sflag:$0x1] =	stream.indirect_vreg.gather [hbm4b:s1+s4], $0x80, v13, vm0, $0xb8;
	[tilespmem:$0x14590] =	vst v63  }
0x8a: {  	s18 =	simm.s32 $0x2D80  }
0x8b: {  	[tilespmem:s18], [sflag:$0x1] =	stream.indirect_vreg.gather [hbm4b:s8+s4], $0x80, v13, vm0, $0xb8;
	[tilespmem:$0x14590] =	vst v63  }
0x8c: {  	s19 =	simm.s32 $0x3580  }
0x8d: {  	[tilespmem:s19], [sflag:$0x1] =	stream.indirect_vreg.gather [hbm4b:s1+s4], $0x80, v12, vm0, $0xb8;
	[tilespmem:$0x14590] =	vst v63  }
0x8e: {  	s12 =	simm.s32 $0x3D80  }
0x8f: {  	[tilespmem:s12], [sflag:$0x1] =	stream.indirect_vreg.gather [hbm4b:s8+s4], $0x80, v12, vm0, $0xb8;
	[tilespmem:$0x14590] =	vst v63  }
0x90: {  	v12 =	vld [tilespmem:$0x20];
	_ =	sdelay $0x4  }
0x91: {  	vm2 =	vne.s32 v12, $0x1  }
0x92: {  	v12 =	vsel vm2, $0x1, v7  }
0x93: {  	(xrf0) =	vadd.scan.msk.s32 $0xffff, v12;
	_ =	sdelay $0x1  }
0x94: {  	v28 =	vld [tilespmem:$0x30];
	_ =	sdelay $0x1  }
0x95: {  	v29 =	vmpcnt.ones.xlane vm1;
	_ =	sdelay $0x1  }
0x96: {  	v11 =	vadd.s32 v29, v11;
	v30, _, _ =	vpop (xrf0)  }
0x97: {  	vm1 =	vne.s32 v28, $0x1;
	v13 =	vadd.s32 v30, v11  }
0x98: {  	v32 =	vsel vm1, $0x1, v7;
	v31 =	vnsel vm2, $0x1, v13  }
0x99: {  	(xrf0) =	vadd.scan.msk.s32 $0xffff, v32;
	v33 =	vshll.u32 v31, $0x2  }
0x9a: {  	v34 =	vand.u32 $0x7, v31;
	v13 =	vand.u32 $0xFFFFFFE0, v33  }
0x9b: {  	v13 =	vor.u32 v34, v13  }
0x9c: {  	v14 =	vperm.xlane v13, v8  }
0x9d: {  	v35 =	vmpcnt.ones.xlane vm2  }
0x9e: {  	v14 =	vadd.s32 v9, v14  }
0x9f: {  	v11 =	vadd.s32 v35, v11;
	v36, _, _ =	vpop (xrf0)  }
0xa0: {  	v13 =	vperm.xlane v13, v10;
	v15 =	vadd.s32 v36, v11  }
0xa1: {  	[tilespmem:$0x220] =	vst v31;
	v37 =	vnsel vm1, $0x1, v15  }
0xa2: {  	v38 =	vadd.s32 v9, v13;
	[tilespmem:$0x230] =	vst v37  }
0xa3: {  	[tilespmem:s28], [sflag:$0x2] =	stream.indirect_vreg.gather [hbm4b:s1+s4], $0x80, v14, vm0, $0xb8;
	[tilespmem:$0x14590] =	vst v63  }
0xa4: {  	s7 =	simm.s32 $0x4D80  }
0xa5: {  	[tilespmem:s7], [sflag:$0x2] =	stream.indirect_vreg.gather [hbm4b:s8+s4], $0x80, v14, vm0, $0xb8;
	[tilespmem:$0x14590] =	vst v63  }
0xa6: {  	_ = 	snop  }
0xa7: {  	[tilespmem:s22], [sflag:$0x2] =	stream.indirect_vreg.gather [hbm4b:s1+s4], $0x80, v38, vm0, $0xb8;
	[tilespmem:$0x14590] =	vst v63  }
0xa8: {  	s7 =	simm.s32 $0x5D80  }
0xa9: {  	[tilespmem:s7], [sflag:$0x2] =	stream.indirect_vreg.gather [hbm4b:s8+s4], $0x80, v38, vm0, $0xb8;
	[tilespmem:$0x14590] =	vst v63  }
0xaa: {  	v12 =	vld [tilespmem:$0x230];
	_ =	sdelay $0x4  }
0xab: {  	v39 =	vshll.u32 v12, $0x2  }
0xac: {  	v12 =	vand.u32 $0x7, v12;
	v13 =	vand.u32 $0xFFFFFFE0, v39  }
0xad: {  	v12 =	vor.u32 v12, v13  }
0xae: {  	v13 =	vperm.xlane v12, v8;
	_ =	sdelay $0x1  }
0xaf: {  	v13 =	vadd.s32 v9, v13;
	_ =	sdelay $0x1  }
0xb0: {  	v12 =	vperm.xlane v12, v10;
	_ =	sdelay $0x1  }
0xb1: {  	s7 =	simm.s32 $0x6580;
	v12 =	vadd.s32 v9, v12  }
0xb2: {  	[tilespmem:s7], [sflag:$0x2] =	stream.indirect_vreg.gather [hbm4b:s1+s4], $0x80, v13, vm0, $0xb8;
	[tilespmem:$0x14590] =	vst v63  }
0xb3: {  	_ = 	snop  }
0xb4: {  	[tilespmem:s30], [sflag:$0x2] =	stream.indirect_vreg.gather [hbm4b:s8+s4], $0x80, v13, vm0, $0xb8;
	[tilespmem:$0x14590] =	vst v63  }
0xb5: {  	s7 =	simm.s32 $0x7580  }
0xb6: {  	[tilespmem:s7], [sflag:$0x2] =	stream.indirect_vreg.gather [hbm4b:s1+s4], $0x80, v12, vm0, $0xb8;
	[tilespmem:$0x14590] =	vst v63  }
0xb7: {  	s7 =	simm.s32 $0x7D80  }
0xb8: {  	[tilespmem:s7], [sflag:$0x2] =	stream.indirect_vreg.gather [hbm4b:s8+s4], $0x80, v12, vm0, $0xb8;
	[tilespmem:$0x14590] =	vst v63  }
0xb9: {  	v12 =	vld [tilespmem:$0x40];
	_ =	sdelay $0x4  }
0xba: {  	vm2 =	vne.s32 v12, $0x1  }
0xbb: {  	v12 =	vsel vm2, $0x1, v7  }
0xbc: {  	(xrf0) =	vadd.scan.msk.s32 $0xffff, v12;
	_ =	sdelay $0x1  }
0xbd: {  	v40 =	vld [tilespmem:$0x50];
	_ =	sdelay $0x1  }
0xbe: {  	v41 =	vmpcnt.ones.xlane vm1;
	_ =	sdelay $0x1  }
0xbf: {  	v11 =	vadd.s32 v41, v11;
	v42, _, _ =	vpop (xrf0)  }
0xc0: {  	vm1 =	vne.s32 v40, $0x1;
	v13 =	vadd.s32 v42, v11  }
0xc1: {  	v44 =	vsel vm1, $0x1, v7;
	v43 =	vnsel vm2, $0x1, v13  }
0xc2: {  	(xrf0) =	vadd.scan.msk.s32 $0xffff, v44;
	v45 =	vshll.u32 v43, $0x2  }
0xc3: {  	v46 =	vand.u32 $0x7, v43;
	v13 =	vand.u32 $0xFFFFFFE0, v45  }
0xc4: {  	v13 =	vor.u32 v46, v13  }
0xc5: {  	v14 =	vperm.xlane v13, v8  }
0xc6: {  	v47 =	vmpcnt.ones.xlane vm2  }
0xc7: {  	v14 =	vadd.s32 v9, v14  }
0xc8: {  	v11 =	vadd.s32 v47, v11;
	v48, _, _ =	vpop (xrf0)  }
0xc9: {  	v13 =	vperm.xlane v13, v10;
	v15 =	vadd.s32 v48, v11  }
0xca: {  	[tilespmem:$0x240] =	vst v43;
	v49 =	vnsel vm1, $0x1, v15  }
0xcb: {  	v50 =	vadd.s32 v9, v13;
	[tilespmem:$0x250] =	vst v49  }
0xcc: {  	[tilespmem:s14], [sflag:$0x3] =	stream.indirect_vreg.gather [hbm4b:s1+s4], $0x80, v14, vm0, $0xb8;
	[tilespmem:$0x14590] =	vst v63  }
0xcd: {  	s7 =	simm.s32 $0x8D80  }
0xce: {  	[tilespmem:s7], [sflag:$0x3] =	stream.indirect_vreg.gather [hbm4b:s8+s4], $0x80, v14, vm0, $0xb8;
	[tilespmem:$0x14590] =	vst v63  }
0xcf: {  	s7 =	simm.s32 $0x9580  }
0xd0: {  	[tilespmem:s7], [sflag:$0x3] =	stream.indirect_vreg.gather [hbm4b:s1+s4], $0x80, v50, vm0, $0xb8;
	[tilespmem:$0x14590] =	vst v63  }
0xd1: {  	s7 =	simm.s32 $0x9D80  }
0xd2: {  	[tilespmem:s7], [sflag:$0x3] =	stream.indirect_vreg.gather [hbm4b:s8+s4], $0x80, v50, vm0, $0xb8;
	[tilespmem:$0x14590] =	vst v63  }
0xd3: {  	v12 =	vld [tilespmem:$0x250];
	_ =	sdelay $0x4  }
0xd4: {  	v51 =	vshll.u32 v12, $0x2  }
0xd5: {  	v12 =	vand.u32 $0x7, v12;
	v13 =	vand.u32 $0xFFFFFFE0, v51  }
0xd6: {  	v12 =	vor.u32 v12, v13  }
0xd7: {  	v13 =	vperm.xlane v12, v8;
	_ =	sdelay $0x1  }
0xd8: {  	v13 =	vadd.s32 v9, v13;
	_ =	sdelay $0x1  }
0xd9: {  	v12 =	vperm.xlane v12, v10;
	_ =	sdelay $0x1  }
0xda: {  	s7 =	simm.s32 $0xA580;
	v12 =	vadd.s32 v9, v12  }
0xdb: {  	[tilespmem:s7], [sflag:$0x3] =	stream.indirect_vreg.gather [hbm4b:s1+s4], $0x80, v13, vm0, $0xb8;
	[tilespmem:$0x14590] =	vst v63  }
0xdc: {  	s7 =	simm.s32 $0xAD80  }
0xdd: {  	[tilespmem:s7], [sflag:$0x3] =	stream.indirect_vreg.gather [hbm4b:s8+s4], $0x80, v13, vm0, $0xb8;
	[tilespmem:$0x14590] =	vst v63  }
0xde: {  	s7 =	simm.s32 $0xB580  }
0xdf: {  	[tilespmem:s7], [sflag:$0x3] =	stream.indirect_vreg.gather [hbm4b:s1+s4], $0x80, v12, vm0, $0xb8;
	[tilespmem:$0x14590] =	vst v63  }
0xe0: {  	s7 =	simm.s32 $0xBD80  }
0xe1: {  	[tilespmem:s7], [sflag:$0x3] =	stream.indirect_vreg.gather [hbm4b:s8+s4], $0x80, v12, vm0, $0xb8;
	[tilespmem:$0x14590] =	vst v63  }
0xe2: {  	v12 =	vld [tilespmem:$0x60];
	_ =	sdelay $0x4  }
0xe3: {  	vm2 =	vne.s32 v12, $0x1  }
0xe4: {  	v12 =	vsel vm2, $0x1, v7  }
0xe5: {  	(xrf0) =	vadd.scan.msk.s32 $0xffff, v12;
	_ =	sdelay $0x1  }
0xe6: {  	v52 =	vld [tilespmem:$0x70];
	_ =	sdelay $0x1  }
0xe7: {  	v53 =	vmpcnt.ones.xlane vm1;
	_ =	sdelay $0x1  }
0xe8: {  	v11 =	vadd.s32 v53, v11;
	v54, _, _ =	vpop (xrf0)  }
0xe9: {  	vm1 =	vne.s32 v52, $0x1;
	v13 =	vadd.s32 v54, v11  }
0xea: {  	v56 =	vsel vm1, $0x1, v7;
	v55 =	vnsel vm2, $0x1, v13  }
0xeb: {  	(xrf0) =	vadd.scan.msk.s32 $0xffff, v56;
	v57 =	vshll.u32 v55, $0x2  }
0xec: {  	v58 =	vand.u32 $0x7, v55;
	v13 =	vand.u32 $0xFFFFFFE0, v57  }
0xed: {  	v13 =	vor.u32 v58, v13  }
0xee: {  	v14 =	vperm.xlane v13, v8  }
0xef: {  	v59 =	vmpcnt.ones.xlane vm2  }
0xf0: {  	v14 =	vadd.s32 v9, v14  }
0xf1: {  	v11 =	vadd.s32 v59, v11;
	v60, _, _ =	vpop (xrf0)  }
0xf2: {  	v13 =	vperm.xlane v13, v10;
	v15 =	vadd.s32 v60, v11  }
0xf3: {  	[tilespmem:$0x260] =	vst v55;
	v61 =	vnsel vm1, $0x1, v15  }
0xf4: {  	v62 =	vadd.s32 v9, v13;
	[tilespmem:$0x270] =	vst v61  }
0xf5: {  	[tilespmem:s15], [sflag:$0x4] =	stream.indirect_vreg.gather [hbm4b:s1+s4], $0x80, v14, vm0, $0xb8;
	[tilespmem:$0x14590] =	vst v63  }
0xf6: {  	s7 =	simm.s32 $0xCD80  }
0xf7: {  	[tilespmem:s7], [sflag:$0x4] =	stream.indirect_vreg.gather [hbm4b:s8+s4], $0x80, v14, vm0, $0xb8;
	[tilespmem:$0x14590] =	vst v63  }
0xf8: {  	s7 =	simm.s32 $0xD580  }
0xf9: {  	[tilespmem:s7], [sflag:$0x4] =	stream.indirect_vreg.gather [hbm4b:s1+s4], $0x80, v62, vm0, $0xb8;
	[tilespmem:$0x14590] =	vst v63  }
0xfa: {  	s7 =	simm.s32 $0xDD80  }
0xfb: {  	[tilespmem:s7], [sflag:$0x4] =	stream.indirect_vreg.gather [hbm4b:s8+s4], $0x80, v62, vm0, $0xb8;
	[tilespmem:$0x14590] =	vst v63  }
0xfc: {  	v12 =	vld [tilespmem:$0x270];
	_ =	sdelay $0x4  }
0xfd: {  	v63 =	vshll.u32 v12, $0x2  }
0xfe: {  	v12 =	vand.u32 $0x7, v12;
	v13 =	vand.u32 $0xFFFFFFE0, v63  }
0xff: {  	v12 =	vor.u32 v12, v13  }
0x100: {  	v13 =	vperm.xlane v12, v8;
	_ =	sdelay $0x1  }
0x101: {  	v13 =	vadd.s32 v9, v13;
	_ =	sdelay $0x1  }
0x102: {  	v12 =	vperm.xlane v12, v10;
	_ =	sdelay $0x1  }
0x103: {  	s7 =	simm.s32 $0xE580;
	v12 =	vadd.s32 v9, v12  }
0x104: {  	[tilespmem:s7], [sflag:$0x4] =	stream.indirect_vreg.gather [hbm4b:s1+s4], $0x80, v13, vm0, $0xb8;
	[tilespmem:$0x14590] =	vst v63  }
0x105: {  	s7 =	simm.s32 $0xED80  }
0x106: {  	[tilespmem:s7], [sflag:$0x4] =	stream.indirect_vreg.gather [hbm4b:s8+s4], $0x80, v13, vm0, $0xb8;
	[tilespmem:$0x14590] =	vst v63  }
0x107: {  	s7 =	simm.s32 $0xF580  }
0x108: {  	[tilespmem:s7], [sflag:$0x4] =	stream.indirect_vreg.gather [hbm4b:s1+s4], $0x80, v12, vm0, $0xb8;
	[tilespmem:$0x14590] =	vst v63  }
0x109: {  	s7 =	simm.s32 $0xFD80  }
0x10a: {  	[tilespmem:s7], [sflag:$0x4] =	stream.indirect_vreg.gather [hbm4b:s8+s4], $0x80, v12, vm0, $0xb8;
	[tilespmem:$0x14590] =	vst v63  }
0x10b: {  	_ =	swait.ge [sflag:s6], $0x4000  }
0x10c: {  	[sflag:s6] =	ssyncset.done $0x0  }
0x10d: {  	s7 =	rddreg [dreg:$0x18];
	[sflag:s6] =	ssyncadd.s32 $0xFFFFC000  }
0x10e: {  	[hbm4b:s7+s4] =	stream.linear.scatter [tilespmem:s10], [sflag:$0x6], $0x4000, $0x38;
	[tilespmem:$0x14590] =	vst v63  }
0x10f: {  	v16 =	vld [tilespmem:$0x80];
	_ =	sdelay $0x4  }
0x110: {  	vm2 =	vne.s32 v16, $0x1  }
0x111: {  	v12 =	vsel vm2, $0x1, v7  }
0x112: {  	(xrf0) =	vadd.scan.msk.s32 $0xffff, v12;
	_ =	sdelay $0x1  }
0x113: {  	v17 =	vld [tilespmem:$0x90];
	_ =	sdelay $0x1  }
0x114: {  	v18 =	vmpcnt.ones.xlane vm1;
	_ =	sdelay $0x1  }
0x115: {  	v11 =	vadd.s32 v18, v11;
	v19, _, _ =	vpop (xrf0)  }
0x116: {  	vm1 =	vne.s32 v17, $0x1;
	v13 =	vadd.s32 v19, v11  }
0x117: {  	v21 =	vsel vm1, $0x1, v7;
	v20 =	vnsel vm2, $0x1, v13  }
0x118: {  	(xrf0) =	vadd.scan.msk.s32 $0xffff, v21;
	v22 =	vshll.u32 v20, $0x2  }
0x119: {  	v23 =	vand.u32 $0x7, v20;
	v13 =	vand.u32 $0xFFFFFFE0, v22  }
0x11a: {  	v13 =	vor.u32 v23, v13  }
0x11b: {  	v14 =	vperm.xlane v13, v8  }
0x11c: {  	v24 =	vmpcnt.ones.xlane vm2  }
0x11d: {  	v14 =	vadd.s32 v9, v14  }
0x11e: {  	v11 =	vadd.s32 v24, v11;
	v25, _, _ =	vpop (xrf0)  }
0x11f: {  	v13 =	vperm.xlane v13, v10;
	v15 =	vadd.s32 v25, v11  }
0x120: {  	[tilespmem:$0x280] =	vst v20;
	v26 =	vnsel vm1, $0x1, v15  }
0x121: {  	v27 =	vadd.s32 v9, v13;
	[tilespmem:$0x290] =	vst v26  }
0x122: {  	[tilespmem:s16], [sflag:$0x5] =	stream.indirect_vreg.gather [hbm4b:s1+s4], $0x80, v14, vm0, $0xb8;
	[tilespmem:$0x14590] =	vst v63  }
0x123: {  	s7 =	simm.s32 $0x10D80  }
0x124: {  	[tilespmem:s7], [sflag:$0x5] =	stream.indirect_vreg.gather [hbm4b:s8+s4], $0x80, v14, vm0, $0xb8;
	[tilespmem:$0x14590] =	vst v63  }
0x125: {  	s7 =	simm.s32 $0x11580  }
0x126: {  	[tilespmem:s7], [sflag:$0x5] =	stream.indirect_vreg.gather [hbm4b:s1+s4], $0x80, v27, vm0, $0xb8;
	[tilespmem:$0x14590] =	vst v63  }
0x127: {  	s7 =	simm.s32 $0x11D80  }
0x128: {  	[tilespmem:s7], [sflag:$0x5] =	stream.indirect_vreg.gather [hbm4b:s8+s4], $0x80, v27, vm0, $0xb8;
	[tilespmem:$0x14590] =	vst v63  }
0x129: {  	v12 =	vld [tilespmem:$0x290];
	_ =	sdelay $0x4  }
0x12a: {  	v28 =	vshll.u32 v12, $0x2  }
0x12b: {  	v12 =	vand.u32 $0x7, v12;
	v13 =	vand.u32 $0xFFFFFFE0, v28  }
0x12c: {  	v12 =	vor.u32 v12, v13  }
0x12d: {  	v13 =	vperm.xlane v12, v8;
	_ =	sdelay $0x1  }
0x12e: {  	v13 =	vadd.s32 v9, v13;
	_ =	sdelay $0x1  }
0x12f: {  	v12 =	vperm.xlane v12, v10;
	_ =	sdelay $0x1  }
0x130: {  	s7 =	simm.s32 $0x12580;
	v12 =	vadd.s32 v9, v12  }
0x131: {  	[tilespmem:s7], [sflag:$0x5] =	stream.indirect_vreg.gather [hbm4b:s1+s4], $0x80, v13, vm0, $0xb8;
	[tilespmem:$0x14590] =	vst v63  }
0x132: {  	s7 =	simm.s32 $0x12D80  }
0x133: {  	[tilespmem:s7], [sflag:$0x5] =	stream.indirect_vreg.gather [hbm4b:s8+s4], $0x80, v13, vm0, $0xb8;
	[tilespmem:$0x14590] =	vst v63  }
0x134: {  	s7 =	simm.s32 $0x13580  }
0x135: {  	[tilespmem:s7], [sflag:$0x5] =	stream.indirect_vreg.gather [hbm4b:s1+s4], $0x80, v12, vm0, $0xb8;
	[tilespmem:$0x14590] =	vst v63  }
0x136: {  	s7 =	simm.s32 $0x13D80  }
0x137: {  	[tilespmem:s7], [sflag:$0x5] =	stream.indirect_vreg.gather [hbm4b:s8+s4], $0x80, v12, vm0, $0xb8;
	[tilespmem:$0x14590] =	vst v63  }
0x138: {  	_ =	swait.ge [sflag:s23], $0x4000  }
0x139: {  	[sflag:s23] =	ssyncset.done $0x0  }
0x13a: {  	s7 =	rddreg [dreg:$0x7];
	[sflag:s23] =	ssyncadd.s32 $0xFFFFC000  }
0x13b: {  	[hbm4b:s7+s4] =	stream.linear.scatter [tilespmem:s28], [sflag:$0x7], $0x4000, $0x38;
	[tilespmem:$0x14590] =	vst v63  }
0x13c: {  	v29 =	vld [tilespmem:$0xA0];
	_ =	sdelay $0x4  }
0x13d: {  	vm2 =	vne.s32 v29, $0x1  }
0x13e: {  	v30 =	vld [tilespmem:$0xB0];
	v12 =	vsel vm2, $0x1, v7  }
0x13f: {  	(xrf0) =	vadd.scan.msk.s32 $0xffff, v12;
	_ =	sdelay $0x3  }
0x140: {  	v31 =	vmpcnt.ones.xlane vm1;
	vm1 =	vne.s32 v30, $0x1  }
0x141: {  	v13 =	vsel vm1, $0x1, v7  }
0x142: {  	v11 =	vadd.s32 v31, v11;
	v32, _, _ =	vpop (xrf0);
	(xrf0) =	vadd.scan.msk.s32 $0xffff, v13  }
0x143: {  	v12 =	vadd.s32 v32, v11  }
0x144: {  	v12 =	vnsel vm2, $0x1, v12  }
0x145: {  	v33 =	vshll.u32 v12, $0x2  }
0x146: {  	v34 =	vmpcnt.ones.xlane vm2;
	v35 =	vand.u32 $0x7, v12;
	v13 =	vand.u32 $0xFFFFFFE0, v33  }
0x147: {  	v13 =	vor.u32 v35, v13  }
0x148: {  	v11 =	vadd.s32 v34, v11;
	v36, _, _ =	vpop (xrf0);
	v37 =	vperm.xlane v13, v8  }
0x149: {  	v15 =	vadd.s32 v36, v11  }
0x14a: {  	[tilespmem:$0x2A0] =	vst v12;
	v38 =	vnsel vm1, $0x1, v15;
	v14 =	vadd.s32 v9, v37  }
0x14b: {  	[tilespmem:$0x2B0] =	vst v38  }
0x14c: {  	v39 =	vperm.xlane v13, v10;
	_ =	swait.ge [sflag:s24], $0x4000  }
0x14d: {  	[sflag:s24] =	ssyncset.done $0x0  }
0x14e: {  	v12 =	vadd.s32 v9, v39;
	[sflag:s24] =	ssyncadd.s32 $0xFFFFC000  }
0x14f: {  	[tilespmem:s10], [sflag:$0x1] =	stream.indirect_vreg.gather [hbm4b:s1+s4], $0x80, v14, vm0, $0xb8;
	[tilespmem:$0x14590] =	vst v63  }
0x150: {  	s20 =	simm.s32 $0xD80  }
0x151: {  	[tilespmem:s20], [sflag:$0x1] =	stream.indirect_vreg.gather [hbm4b:s8+s4], $0x80, v14, vm0, $0xb8;
	[tilespmem:$0x14590] =	vst v63  }
0x152: {  	s21 =	simm.s32 $0x1580  }
0x153: {  	[tilespmem:s21], [sflag:$0x1] =	stream.indirect_vreg.gather [hbm4b:s1+s4], $0x80, v12, vm0, $0xb8;
	[tilespmem:$0x14590] =	vst v63  }
0x154: {  	s11 =	simm.s32 $0x1D80  }
0x155: {  	[tilespmem:s11], [sflag:$0x1] =	stream.indirect_vreg.gather [hbm4b:s8+s4], $0x80, v12, vm0, $0xb8;
	[tilespmem:$0x14590] =	vst v63  }
0x156: {  	v12 =	vld [tilespmem:$0x2B0];
	_ =	sdelay $0x4  }
0x157: {  	v40 =	vshll.u32 v12, $0x2  }
0x158: {  	v12 =	vand.u32 $0x7, v12;
	v13 =	vand.u32 $0xFFFFFFE0, v40  }
0x159: {  	v12 =	vor.u32 v12, v13  }
0x15a: {  	v13 =	vperm.xlane v12, v8;
	_ =	sdelay $0x1  }
0x15b: {  	v13 =	vadd.s32 v9, v13;
	_ =	sdelay $0x1  }
0x15c: {  	v12 =	vperm.xlane v12, v10;
	_ =	sdelay $0x1  }
0x15d: {  	s13 =	simm.s32 $0x2580;
	v12 =	vadd.s32 v9, v12  }
0x15e: {  	[tilespmem:s13], [sflag:$0x1] =	stream.indirect_vreg.gather [hbm4b:s1+s4], $0x80, v13, vm0, $0xb8;
	[tilespmem:$0x14590] =	vst v63  }
0x15f: {  	s18 =	simm.s32 $0x2D80  }
0x160: {  	[tilespmem:s18], [sflag:$0x1] =	stream.indirect_vreg.gather [hbm4b:s8+s4], $0x80, v13, vm0, $0xb8;
	[tilespmem:$0x14590] =	vst v63  }
0x161: {  	s19 =	simm.s32 $0x3580  }
0x162: {  	[tilespmem:s19], [sflag:$0x1] =	stream.indirect_vreg.gather [hbm4b:s1+s4], $0x80, v12, vm0, $0xb8;
	[tilespmem:$0x14590] =	vst v63  }
0x163: {  	s12 =	simm.s32 $0x3D80  }
0x164: {  	[tilespmem:s12], [sflag:$0x1] =	stream.indirect_vreg.gather [hbm4b:s8+s4], $0x80, v12, vm0, $0xb8;
	[tilespmem:$0x14590] =	vst v63  }
0x165: {  	_ =	swait.ge [sflag:s25], $0x4000  }
0x166: {  	[sflag:s25] =	ssyncset.done $0x0  }
0x167: {  	s13 =	rddreg [dreg:$0x8];
	[sflag:s25] =	ssyncadd.s32 $0xFFFFC000  }
0x168: {  	[hbm4b:s13+s4] =	stream.linear.scatter [tilespmem:s14], [sflag:$0x8], $0x4000, $0x38;
	[tilespmem:$0x14590] =	vst v63  }
0x169: {  	v41 =	vld [tilespmem:$0xC0];
	_ =	sdelay $0x4  }
0x16a: {  	vm2 =	vne.s32 v41, $0x1  }
0x16b: {  	v42 =	vld [tilespmem:$0xD0];
	v12 =	vsel vm2, $0x1, v7  }
0x16c: {  	(xrf0) =	vadd.scan.msk.s32 $0xffff, v12;
	_ =	sdelay $0x3  }
0x16d: {  	v43 =	vmpcnt.ones.xlane vm1;
	vm1 =	vne.s32 v42, $0x1  }
0x16e: {  	v13 =	vsel vm1, $0x1, v7  }
0x16f: {  	v11 =	vadd.s32 v43, v11;
	v44, _, _ =	vpop (xrf0);
	(xrf0) =	vadd.scan.msk.s32 $0xffff, v13  }
0x170: {  	v12 =	vadd.s32 v44, v11  }
0x171: {  	v12 =	vnsel vm2, $0x1, v12  }
0x172: {  	v45 =	vshll.u32 v12, $0x2  }
0x173: {  	v46 =	vmpcnt.ones.xlane vm2;
	v47 =	vand.u32 $0x7, v12;
	v13 =	vand.u32 $0xFFFFFFE0, v45  }
0x174: {  	v13 =	vor.u32 v47, v13  }
0x175: {  	v11 =	vadd.s32 v46, v11;
	v48, _, _ =	vpop (xrf0);
	v49 =	vperm.xlane v13, v8  }
0x176: {  	v15 =	vadd.s32 v48, v11  }
0x177: {  	[tilespmem:$0x2C0] =	vst v12;
	v50 =	vnsel vm1, $0x1, v15;
	v14 =	vadd.s32 v9, v49  }
0x178: {  	[tilespmem:$0x2D0] =	vst v50  }
0x179: {  	v51 =	vperm.xlane v13, v10;
	_ =	swait.ge [sflag:s26], $0x4000  }
0x17a: {  	[sflag:s26] =	ssyncset.done $0x0  }
0x17b: {  	v12 =	vadd.s32 v9, v51;
	[sflag:s26] =	ssyncadd.s32 $0xFFFFC000  }
0x17c: {  	[tilespmem:s28], [sflag:$0x2] =	stream.indirect_vreg.gather [hbm4b:s1+s4], $0x80, v14, vm0, $0xb8;
	[tilespmem:$0x14590] =	vst v63  }
0x17d: {  	s18 =	simm.s32 $0x4D80  }
0x17e: {  	[tilespmem:s18], [sflag:$0x2] =	stream.indirect_vreg.gather [hbm4b:s8+s4], $0x80, v14, vm0, $0xb8;
	[tilespmem:$0x14590] =	vst v63  }
0x17f: {  	_ = 	snop  }
0x180: {  	[tilespmem:s22], [sflag:$0x2] =	stream.indirect_vreg.gather [hbm4b:s1+s4], $0x80, v12, vm0, $0xb8;
	[tilespmem:$0x14590] =	vst v63  }
0x181: {  	s19 =	simm.s32 $0x5D80  }
0x182: {  	[tilespmem:s19], [sflag:$0x2] =	stream.indirect_vreg.gather [hbm4b:s8+s4], $0x80, v12, vm0, $0xb8;
	[tilespmem:$0x14590] =	vst v63  }
0x183: {  	v12 =	vld [tilespmem:$0x2D0];
	_ =	sdelay $0x4  }
0x184: {  	v52 =	vshll.u32 v12, $0x2  }
0x185: {  	v12 =	vand.u32 $0x7, v12;
	v13 =	vand.u32 $0xFFFFFFE0, v52  }
0x186: {  	v12 =	vor.u32 v12, v13  }
0x187: {  	v13 =	vperm.xlane v12, v8;
	_ =	sdelay $0x1  }
0x188: {  	v13 =	vadd.s32 v9, v13;
	_ =	sdelay $0x1  }
0x189: {  	v12 =	vperm.xlane v12, v10;
	_ =	sdelay $0x1  }
0x18a: {  	s21 =	simm.s32 $0x6580;
	v12 =	vadd.s32 v9, v12  }
0x18b: {  	[tilespmem:s21], [sflag:$0x2] =	stream.indirect_vreg.gather [hbm4b:s1+s4], $0x80, v13, vm0, $0xb8;
	[tilespmem:$0x14590] =	vst v63  }
0x18c: {  	_ = 	snop  }
0x18d: {  	[tilespmem:s30], [sflag:$0x2] =	stream.indirect_vreg.gather [hbm4b:s8+s4], $0x80, v13, vm0, $0xb8;
	[tilespmem:$0x14590] =	vst v63  }
0x18e: {  	s11 =	simm.s32 $0x7580  }
0x18f: {  	[tilespmem:s11], [sflag:$0x2] =	stream.indirect_vreg.gather [hbm4b:s1+s4], $0x80, v12, vm0, $0xb8;
	[tilespmem:$0x14590] =	vst v63  }
0x190: {  	s12 =	simm.s32 $0x7D80  }
0x191: {  	[tilespmem:s12], [sflag:$0x2] =	stream.indirect_vreg.gather [hbm4b:s8+s4], $0x80, v12, vm0, $0xb8;
	[tilespmem:$0x14590] =	vst v63  }
0x192: {  	_ =	swait.ge [sflag:s29], $0x4000  }
0x193: {  	[sflag:s29] =	ssyncset.done $0x0  }
0x194: {  	s13 =	rddreg [dreg:$0x9];
	[sflag:s29] =	ssyncadd.s32 $0xFFFFC000  }
0x195: {  	[hbm4b:s13+s4] =	stream.linear.scatter [tilespmem:s15], [sflag:$0x9], $0x4000, $0x38;
	[tilespmem:$0x14590] =	vst v63  }
0x196: {  	v53 =	vld [tilespmem:$0xE0];
	_ =	sdelay $0x4  }
0x197: {  	vm2 =	vne.s32 v53, $0x1  }
0x198: {  	v54 =	vld [tilespmem:$0xF0];
	v12 =	vsel vm2, $0x1, v7  }
0x199: {  	(xrf0) =	vadd.scan.msk.s32 $0xffff, v12;
	_ =	sdelay $0x3  }
0x19a: {  	v55 =	vmpcnt.ones.xlane vm1;
	vm1 =	vne.s32 v54, $0x1  }
0x19b: {  	v13 =	vsel vm1, $0x1, v7  }
0x19c: {  	v11 =	vadd.s32 v55, v11;
	v56, _, _ =	vpop (xrf0);
	(xrf0) =	vadd.scan.msk.s32 $0xffff, v13  }
0x19d: {  	v12 =	vadd.s32 v56, v11  }
0x19e: {  	v12 =	vnsel vm2, $0x1, v12  }
0x19f: {  	v57 =	vshll.u32 v12, $0x2  }
0x1a0: {  	v58 =	vmpcnt.ones.xlane vm2;
	v59 =	vand.u32 $0x7, v12;
	v13 =	vand.u32 $0xFFFFFFE0, v57  }
0x1a1: {  	v13 =	vor.u32 v59, v13  }
0x1a2: {  	v11 =	vadd.s32 v58, v11;
	v60, _, _ =	vpop (xrf0);
	v61 =	vperm.xlane v13, v8  }
0x1a3: {  	v15 =	vadd.s32 v60, v11  }
0x1a4: {  	[tilespmem:$0x2E0] =	vst v12;
	v62 =	vnsel vm1, $0x1, v15;
	v14 =	vadd.s32 v9, v61  }
0x1a5: {  	[tilespmem:$0x2F0] =	vst v62  }
0x1a6: {  	v63 =	vperm.xlane v13, v10;
	_ =	swait.ge [sflag:s31], $0x4000  }
0x1a7: {  	[sflag:s31] =	ssyncset.done $0x0  }
0x1a8: {  	v12 =	vadd.s32 v9, v63;
	[sflag:s31] =	ssyncadd.s32 $0xFFFFC000  }
0x1a9: {  	[tilespmem:s14], [sflag:$0x3] =	stream.indirect_vreg.gather [hbm4b:s1+s4], $0x80, v14, vm0, $0xb8;
	[tilespmem:$0x14590] =	vst v63  }
0x1aa: {  	s18 =	simm.s32 $0x8D80  }
0x1ab: {  	[tilespmem:s18], [sflag:$0x3] =	stream.indirect_vreg.gather [hbm4b:s8+s4], $0x80, v14, vm0, $0xb8;
	[tilespmem:$0x14590] =	vst v63  }
0x1ac: {  	s19 =	simm.s32 $0x9580  }
0x1ad: {  	[tilespmem:s19], [sflag:$0x3] =	stream.indirect_vreg.gather [hbm4b:s1+s4], $0x80, v12, vm0, $0xb8;
	[tilespmem:$0x14590] =	vst v63  }
0x1ae: {  	s21 =	simm.s32 $0x9D80  }
0x1af: {  	[tilespmem:s21], [sflag:$0x3] =	stream.indirect_vreg.gather [hbm4b:s8+s4], $0x80, v12, vm0, $0xb8;
	[tilespmem:$0x14590] =	vst v63  }
0x1b0: {  	v12 =	vld [tilespmem:$0x2F0];
	_ =	sdelay $0x4  }
0x1b1: {  	v16 =	vshll.u32 v12, $0x2  }
0x1b2: {  	v12 =	vand.u32 $0x7, v12;
	v13 =	vand.u32 $0xFFFFFFE0, v16  }
0x1b3: {  	v12 =	vor.u32 v12, v13  }
0x1b4: {  	v13 =	vperm.xlane v12, v8;
	_ =	sdelay $0x1  }
0x1b5: {  	v13 =	vadd.s32 v9, v13;
	_ =	sdelay $0x1  }
0x1b6: {  	v12 =	vperm.xlane v12, v10;
	_ =	sdelay $0x1  }
0x1b7: {  	s11 =	simm.s32 $0xA580;
	v12 =	vadd.s32 v9, v12  }
0x1b8: {  	[tilespmem:s11], [sflag:$0x3] =	stream.indirect_vreg.gather [hbm4b:s1+s4], $0x80, v13, vm0, $0xb8;
	[tilespmem:$0x14590] =	vst v63  }
0x1b9: {  	s12 =	simm.s32 $0xAD80  }
0x1ba: {  	[tilespmem:s12], [sflag:$0x3] =	stream.indirect_vreg.gather [hbm4b:s8+s4], $0x80, v13, vm0, $0xb8;
	[tilespmem:$0x14590] =	vst v63  }
0x1bb: {  	s13 =	simm.s32 $0xB580  }
0x1bc: {  	[tilespmem:s13], [sflag:$0x3] =	stream.indirect_vreg.gather [hbm4b:s1+s4], $0x80, v12, vm0, $0xb8;
	[tilespmem:$0x14590] =	vst v63  }
0x1bd: {  	s18 =	simm.s32 $0xBD80  }
0x1be: {  	[tilespmem:s18], [sflag:$0x3] =	stream.indirect_vreg.gather [hbm4b:s8+s4], $0x80, v12, vm0, $0xb8;
	[tilespmem:$0x14590] =	vst v63  }
0x1bf: {  	_ =	swait.ge [sflag:s2], $0x4000  }
0x1c0: {  	[sflag:s2] =	ssyncset.done $0x0  }
0x1c1: {  	s19 =	rddreg [dreg:$0xa];
	[sflag:s2] =	ssyncadd.s32 $0xFFFFC000  }
0x1c2: {  	[hbm4b:s19+s4] =	stream.linear.scatter [tilespmem:s16], [sflag:$0xA], $0x4000, $0x38;
	[tilespmem:$0x14590] =	vst v63  }
0x1c3: {  	v17 =	vld [tilespmem:$0x100];
	_ =	sdelay $0x4  }
0x1c4: {  	vm2 =	vne.s32 v17, $0x1  }
0x1c5: {  	v18 =	vld [tilespmem:$0x110];
	v12 =	vsel vm2, $0x1, v7  }
0x1c6: {  	(xrf0) =	vadd.scan.msk.s32 $0xffff, v12;
	_ =	sdelay $0x3  }
0x1c7: {  	v19 =	vmpcnt.ones.xlane vm1;
	vm1 =	vne.s32 v18, $0x1  }
0x1c8: {  	v13 =	vsel vm1, $0x1, v7  }
0x1c9: {  	v11 =	vadd.s32 v19, v11;
	v20, _, _ =	vpop (xrf0);
	(xrf0) =	vadd.scan.msk.s32 $0xffff, v13  }
0x1ca: {  	v12 =	vadd.s32 v20, v11  }
0x1cb: {  	v12 =	vnsel vm2, $0x1, v12  }
0x1cc: {  	v21 =	vshll.u32 v12, $0x2  }
0x1cd: {  	v22 =	vmpcnt.ones.xlane vm2;
	v23 =	vand.u32 $0x7, v12;
	v13 =	vand.u32 $0xFFFFFFE0, v21  }
0x1ce: {  	v13 =	vor.u32 v23, v13  }
0x1cf: {  	v11 =	vadd.s32 v22, v11;
	v24, _, _ =	vpop (xrf0);
	v25 =	vperm.xlane v13, v8  }
0x1d0: {  	v15 =	vadd.s32 v24, v11  }
0x1d1: {  	[tilespmem:$0x300] =	vst v12;
	v26 =	vnsel vm1, $0x1, v15;
	v14 =	vadd.s32 v9, v25  }
0x1d2: {  	[tilespmem:$0x310] =	vst v26  }
0x1d3: {  	v27 =	vperm.xlane v13, v10;
	_ =	swait.ge [sflag:s0], $0x4000  }
0x1d4: {  	[sflag:s0] =	ssyncset.done $0x0  }
0x1d5: {  	v12 =	vadd.s32 v9, v27;
	[sflag:s0] =	ssyncadd.s32 $0xFFFFC000  }
0x1d6: {  	[tilespmem:s15], [sflag:$0x4] =	stream.indirect_vreg.gather [hbm4b:s1+s4], $0x80, v14, vm0, $0xb8;
	[tilespmem:$0x14590] =	vst v63  }
0x1d7: {  	s21 =	simm.s32 $0xCD80  }
0x1d8: {  	[tilespmem:s21], [sflag:$0x4] =	stream.indirect_vreg.gather [hbm4b:s8+s4], $0x80, v14, vm0, $0xb8;
	[tilespmem:$0x14590] =	vst v63  }
0x1d9: {  	s11 =	simm.s32 $0xD580  }
0x1da: {  	[tilespmem:s11], [sflag:$0x4] =	stream.indirect_vreg.gather [hbm4b:s1+s4], $0x80, v12, vm0, $0xb8;
	[tilespmem:$0x14590] =	vst v63  }
0x1db: {  	s12 =	simm.s32 $0xDD80  }
0x1dc: {  	[tilespmem:s12], [sflag:$0x4] =	stream.indirect_vreg.gather [hbm4b:s8+s4], $0x80, v12, vm0, $0xb8;
	[tilespmem:$0x14590] =	vst v63  }
0x1dd: {  	v12 =	vld [tilespmem:$0x310];
	_ =	sdelay $0x4  }
0x1de: {  	v28 =	vshll.u32 v12, $0x2  }
0x1df: {  	v12 =	vand.u32 $0x7, v12;
	v13 =	vand.u32 $0xFFFFFFE0, v28  }
0x1e0: {  	v12 =	vor.u32 v12, v13  }
0x1e1: {  	v13 =	vperm.xlane v12, v8;
	_ =	sdelay $0x1  }
0x1e2: {  	v13 =	vadd.s32 v9, v13;
	_ =	sdelay $0x1  }
0x1e3: {  	v12 =	vperm.xlane v12, v10;
	_ =	sdelay $0x1  }
0x1e4: {  	s13 =	simm.s32 $0xE580;
	v12 =	vadd.s32 v9, v12  }
0x1e5: {  	[tilespmem:s13], [sflag:$0x4] =	stream.indirect_vreg.gather [hbm4b:s1+s4], $0x80, v13, vm0, $0xb8;
	[tilespmem:$0x14590] =	vst v63  }
0x1e6: {  	s18 =	simm.s32 $0xED80  }
0x1e7: {  	[tilespmem:s18], [sflag:$0x4] =	stream.indirect_vreg.gather [hbm4b:s8+s4], $0x80, v13, vm0, $0xb8;
	[tilespmem:$0x14590] =	vst v63  }
0x1e8: {  	s19 =	simm.s32 $0xF580  }
0x1e9: {  	[tilespmem:s19], [sflag:$0x4] =	stream.indirect_vreg.gather [hbm4b:s1+s4], $0x80, v12, vm0, $0xb8;
	[tilespmem:$0x14590] =	vst v63  }
0x1ea: {  	s21 =	simm.s32 $0xFD80  }
0x1eb: {  	[tilespmem:s21], [sflag:$0x4] =	stream.indirect_vreg.gather [hbm4b:s8+s4], $0x80, v12, vm0, $0xb8;
	[tilespmem:$0x14590] =	vst v63  }
0x1ec: {  	_ =	swait.ge [sflag:s6], $0x4000  }
0x1ed: {  	[sflag:s6] =	ssyncset.done $0x0  }
0x1ee: {  	s11 =	rddreg [dreg:$0xb];
	[sflag:s6] =	ssyncadd.s32 $0xFFFFC000  }
0x1ef: {  	[hbm4b:s11+s4] =	stream.linear.scatter [tilespmem:s10], [sflag:$0x6], $0x4000, $0x38;
	[tilespmem:$0x14590] =	vst v63  }
0x1f0: {  	v29 =	vld [tilespmem:$0x120];
	_ =	sdelay $0x4  }
0x1f1: {  	vm2 =	vne.s32 v29, $0x1  }
0x1f2: {  	v30 =	vld [tilespmem:$0x130];
	v12 =	vsel vm2, $0x1, v7  }
0x1f3: {  	(xrf0) =	vadd.scan.msk.s32 $0xffff, v12;
	_ =	sdelay $0x3  }
0x1f4: {  	v31 =	vmpcnt.ones.xlane vm1;
	vm1 =	vne.s32 v30, $0x1  }
0x1f5: {  	v13 =	vsel vm1, $0x1, v7  }
0x1f6: {  	v11 =	vadd.s32 v31, v11;
	v32, _, _ =	vpop (xrf0);
	(xrf0) =	vadd.scan.msk.s32 $0xffff, v13  }
0x1f7: {  	v12 =	vadd.s32 v32, v11  }
0x1f8: {  	v12 =	vnsel vm2, $0x1, v12  }
0x1f9: {  	v33 =	vshll.u32 v12, $0x2  }
0x1fa: {  	v34 =	vmpcnt.ones.xlane vm2;
	v35 =	vand.u32 $0x7, v12;
	v13 =	vand.u32 $0xFFFFFFE0, v33  }
0x1fb: {  	v13 =	vor.u32 v35, v13  }
0x1fc: {  	v11 =	vadd.s32 v34, v11;
	v36, _, _ =	vpop (xrf0);
	v37 =	vperm.xlane v13, v8  }
0x1fd: {  	v15 =	vadd.s32 v36, v11  }
0x1fe: {  	[tilespmem:$0x320] =	vst v12;
	v38 =	vnsel vm1, $0x1, v15;
	v14 =	vadd.s32 v9, v37  }
0x1ff: {  	[tilespmem:$0x330] =	vst v38  }
0x200: {  	v39 =	vperm.xlane v13, v10;
	_ =	swait.ge [sflag:s3], $0x4000  }
0x201: {  	[sflag:s3] =	ssyncset.done $0x0  }
0x202: {  	v12 =	vadd.s32 v9, v39;
	[sflag:s3] =	ssyncadd.s32 $0xFFFFC000  }
0x203: {  	[tilespmem:s16], [sflag:$0x5] =	stream.indirect_vreg.gather [hbm4b:s1+s4], $0x80, v14, vm0, $0xb8;
	[tilespmem:$0x14590] =	vst v63  }
0x204: {  	s12 =	simm.s32 $0x10D80  }
0x205: {  	[tilespmem:s12], [sflag:$0x5] =	stream.indirect_vreg.gather [hbm4b:s8+s4], $0x80, v14, vm0, $0xb8;
	[tilespmem:$0x14590] =	vst v63  }
0x206: {  	s13 =	simm.s32 $0x11580  }
0x207: {  	[tilespmem:s13], [sflag:$0x5] =	stream.indirect_vreg.gather [hbm4b:s1+s4], $0x80, v12, vm0, $0xb8;
	[tilespmem:$0x14590] =	vst v63  }
0x208: {  	s18 =	simm.s32 $0x11D80  }
0x209: {  	[tilespmem:s18], [sflag:$0x5] =	stream.indirect_vreg.gather [hbm4b:s8+s4], $0x80, v12, vm0, $0xb8;
	[tilespmem:$0x14590] =	vst v63  }
0x20a: {  	v12 =	vld [tilespmem:$0x330];
	_ =	sdelay $0x4  }
0x20b: {  	v40 =	vshll.u32 v12, $0x2  }
0x20c: {  	v12 =	vand.u32 $0x7, v12;
	v13 =	vand.u32 $0xFFFFFFE0, v40  }
0x20d: {  	v12 =	vor.u32 v12, v13  }
0x20e: {  	v13 =	vperm.xlane v12, v8;
	_ =	sdelay $0x1  }
0x20f: {  	v13 =	vadd.s32 v9, v13;
	_ =	sdelay $0x1  }
0x210: {  	v12 =	vperm.xlane v12, v10;
	_ =	sdelay $0x1  }
0x211: {  	s21 =	simm.s32 $0x12580;
	v12 =	vadd.s32 v9, v12  }
0x212: {  	[tilespmem:s21], [sflag:$0x5] =	stream.indirect_vreg.gather [hbm4b:s1+s4], $0x80, v13, vm0, $0xb8;
	[tilespmem:$0x14590] =	vst v63  }
0x213: {  	s11 =	simm.s32 $0x12D80  }
0x214: {  	[tilespmem:s11], [sflag:$0x5] =	stream.indirect_vreg.gather [hbm4b:s8+s4], $0x80, v13, vm0, $0xb8;
	[tilespmem:$0x14590] =	vst v63  }
0x215: {  	s13 =	simm.s32 $0x13580  }
0x216: {  	[tilespmem:s13], [sflag:$0x5] =	stream.indirect_vreg.gather [hbm4b:s1+s4], $0x80, v12, vm0, $0xb8;
	[tilespmem:$0x14590] =	vst v63  }
0x217: {  	s18 =	simm.s32 $0x13D80  }
0x218: {  	[tilespmem:s18], [sflag:$0x5] =	stream.indirect_vreg.gather [hbm4b:s8+s4], $0x80, v12, vm0, $0xb8;
	[tilespmem:$0x14590] =	vst v63  }
0x219: {  	_ =	swait.ge [sflag:s23], $0x4000  }
0x21a: {  	[sflag:s23] =	ssyncset.done $0x0  }
0x21b: {  	s18 =	rddreg [dreg:$0xc];
	[sflag:s23] =	ssyncadd.s32 $0xFFFFC000  }
0x21c: {  	[hbm4b:s18+s4] =	stream.linear.scatter [tilespmem:s28], [sflag:$0x7], $0x4000, $0x38;
	[tilespmem:$0x14590] =	vst v63  }
0x21d: {  	v41 =	vld [tilespmem:$0x140];
	_ =	sdelay $0x4  }
0x21e: {  	vm2 =	vne.s32 v41, $0x1  }
0x21f: {  	v42 =	vld [tilespmem:$0x150];
	v12 =	vsel vm2, $0x1, v7  }
0x220: {  	(xrf0) =	vadd.scan.msk.s32 $0xffff, v12;
	_ =	sdelay $0x3  }
0x221: {  	v43 =	vmpcnt.ones.xlane vm1;
	vm1 =	vne.s32 v42, $0x1  }
0x222: {  	v13 =	vsel vm1, $0x1, v7  }
0x223: {  	v11 =	vadd.s32 v43, v11;
	v44, _, _ =	vpop (xrf0);
	(xrf0) =	vadd.scan.msk.s32 $0xffff, v13  }
0x224: {  	v12 =	vadd.s32 v44, v11  }
0x225: {  	v12 =	vnsel vm2, $0x1, v12  }
0x226: {  	v45 =	vshll.u32 v12, $0x2  }
0x227: {  	v46 =	vmpcnt.ones.xlane vm2;
	v47 =	vand.u32 $0x7, v12;
	v13 =	vand.u32 $0xFFFFFFE0, v45  }
0x228: {  	v13 =	vor.u32 v47, v13  }
0x229: {  	v11 =	vadd.s32 v46, v11;
	v48, _, _ =	vpop (xrf0);
	v49 =	vperm.xlane v13, v8  }
0x22a: {  	v15 =	vadd.s32 v48, v11  }
0x22b: {  	[tilespmem:$0x340] =	vst v12;
	v50 =	vnsel vm1, $0x1, v15;
	v14 =	vadd.s32 v9, v49  }
0x22c: {  	[tilespmem:$0x350] =	vst v50  }
0x22d: {  	v51 =	vperm.xlane v13, v10;
	_ =	swait.ge [sflag:s24], $0x4000  }
0x22e: {  	[sflag:s24] =	ssyncset.done $0x0  }
0x22f: {  	v12 =	vadd.s32 v9, v51;
	[sflag:s24] =	ssyncadd.s32 $0xFFFFC000  }
0x230: {  	[tilespmem:s10], [sflag:$0x1] =	stream.indirect_vreg.gather [hbm4b:s1+s4], $0x80, v14, vm0, $0xb8;
	[tilespmem:$0x14590] =	vst v63  }
0x231: {  	s20 =	simm.s32 $0xD80  }
0x232: {  	[tilespmem:s20], [sflag:$0x1] =	stream.indirect_vreg.gather [hbm4b:s8+s4], $0x80, v14, vm0, $0xb8;
	[tilespmem:$0x14590] =	vst v63  }
0x233: {  	s20 =	simm.s32 $0x1580  }
0x234: {  	[tilespmem:s20], [sflag:$0x1] =	stream.indirect_vreg.gather [hbm4b:s1+s4], $0x80, v12, vm0, $0xb8;
	[tilespmem:$0x14590] =	vst v63  }
0x235: {  	s7 =	simm.s32 $0x1D80  }
0x236: {  	[tilespmem:s7], [sflag:$0x1] =	stream.indirect_vreg.gather [hbm4b:s8+s4], $0x80, v12, vm0, $0xb8;
	[tilespmem:$0x14590] =	vst v63  }
0x237: {  	v12 =	vld [tilespmem:$0x350];
	_ =	sdelay $0x4  }
0x238: {  	v52 =	vshll.u32 v12, $0x2  }
0x239: {  	v12 =	vand.u32 $0x7, v12;
	v13 =	vand.u32 $0xFFFFFFE0, v52  }
0x23a: {  	v12 =	vor.u32 v12, v13  }
0x23b: {  	v13 =	vperm.xlane v12, v8;
	_ =	sdelay $0x1  }
0x23c: {  	v13 =	vadd.s32 v9, v13;
	_ =	sdelay $0x1  }
0x23d: {  	v12 =	vperm.xlane v12, v10;
	_ =	sdelay $0x1  }
0x23e: {  	s7 =	simm.s32 $0x2580;
	v12 =	vadd.s32 v9, v12  }
0x23f: {  	[tilespmem:s7], [sflag:$0x1] =	stream.indirect_vreg.gather [hbm4b:s1+s4], $0x80, v13, vm0, $0xb8;
	[tilespmem:$0x14590] =	vst v63  }
0x240: {  	s7 =	simm.s32 $0x2D80  }
0x241: {  	[tilespmem:s7], [sflag:$0x1] =	stream.indirect_vreg.gather [hbm4b:s8+s4], $0x80, v13, vm0, $0xb8;
	[tilespmem:$0x14590] =	vst v63  }
0x242: {  	s7 =	simm.s32 $0x3580  }
0x243: {  	[tilespmem:s7], [sflag:$0x1] =	stream.indirect_vreg.gather [hbm4b:s1+s4], $0x80, v12, vm0, $0xb8;
	[tilespmem:$0x14590] =	vst v63  }
0x244: {  	s7 =	simm.s32 $0x3D80  }
0x245: {  	[tilespmem:s7], [sflag:$0x1] =	stream.indirect_vreg.gather [hbm4b:s8+s4], $0x80, v12, vm0, $0xb8;
	[tilespmem:$0x14590] =	vst v63  }
0x246: {  	_ =	swait.ge [sflag:s25], $0x4000  }
0x247: {  	[sflag:s25] =	ssyncset.done $0x0  }
0x248: {  	s7 =	rddreg [dreg:$0xd];
	[sflag:s25] =	ssyncadd.s32 $0xFFFFC000  }
0x249: {  	[hbm4b:s7+s4] =	stream.linear.scatter [tilespmem:s14], [sflag:$0x8], $0x4000, $0x38;
	[tilespmem:$0x14590] =	vst v63  }
0x24a: {  	v53 =	vld [tilespmem:$0x160];
	_ =	sdelay $0x4  }
0x24b: {  	vm2 =	vne.s32 v53, $0x1  }
0x24c: {  	v54 =	vld [tilespmem:$0x170];
	v12 =	vsel vm2, $0x1, v7  }
0x24d: {  	(xrf0) =	vadd.scan.msk.s32 $0xffff, v12;
	_ =	sdelay $0x3  }
0x24e: {  	v55 =	vmpcnt.ones.xlane vm1;
	vm1 =	vne.s32 v54, $0x1  }
0x24f: {  	v13 =	vsel vm1, $0x1, v7  }
0x250: {  	v11 =	vadd.s32 v55, v11;
	v56, _, _ =	vpop (xrf0);
	(xrf0) =	vadd.scan.msk.s32 $0xffff, v13  }
0x251: {  	v12 =	vadd.s32 v56, v11  }
0x252: {  	v12 =	vnsel vm2, $0x1, v12  }
0x253: {  	v57 =	vshll.u32 v12, $0x2  }
0x254: {  	v58 =	vmpcnt.ones.xlane vm2;
	v59 =	vand.u32 $0x7, v12;
	v13 =	vand.u32 $0xFFFFFFE0, v57  }
0x255: {  	v13 =	vor.u32 v59, v13  }
0x256: {  	v11 =	vadd.s32 v58, v11;
	v60, _, _ =	vpop (xrf0);
	v61 =	vperm.xlane v13, v8  }
0x257: {  	v15 =	vadd.s32 v60, v11  }
0x258: {  	[tilespmem:$0x360] =	vst v12;
	v62 =	vnsel vm1, $0x1, v15;
	v14 =	vadd.s32 v9, v61  }
0x259: {  	[tilespmem:$0x370] =	vst v62  }
0x25a: {  	v63 =	vperm.xlane v13, v10;
	_ =	swait.ge [sflag:s26], $0x4000  }
0x25b: {  	[sflag:s26] =	ssyncset.done $0x0  }
0x25c: {  	v12 =	vadd.s32 v9, v63;
	[sflag:s26] =	ssyncadd.s32 $0xFFFFC000  }
0x25d: {  	[tilespmem:s28], [sflag:$0x2] =	stream.indirect_vreg.gather [hbm4b:s1+s4], $0x80, v14, vm0, $0xb8;
	[tilespmem:$0x14590] =	vst v63  }
0x25e: {  	s7 =	simm.s32 $0x4D80  }
0x25f: {  	[tilespmem:s7], [sflag:$0x2] =	stream.indirect_vreg.gather [hbm4b:s8+s4], $0x80, v14, vm0, $0xb8;
	[tilespmem:$0x14590] =	vst v63  }
0x260: {  	_ = 	snop  }
0x261: {  	[tilespmem:s22], [sflag:$0x2] =	stream.indirect_vreg.gather [hbm4b:s1+s4], $0x80, v12, vm0, $0xb8;
	[tilespmem:$0x14590] =	vst v63  }
0x262: {  	s7 =	simm.s32 $0x5D80  }
0x263: {  	[tilespmem:s7], [sflag:$0x2] =	stream.indirect_vreg.gather [hbm4b:s8+s4], $0x80, v12, vm0, $0xb8;
	[tilespmem:$0x14590] =	vst v63  }
0x264: {  	v12 =	vld [tilespmem:$0x370];
	_ =	sdelay $0x4  }
0x265: {  	v16 =	vshll.u32 v12, $0x2  }
0x266: {  	v12 =	vand.u32 $0x7, v12;
	v13 =	vand.u32 $0xFFFFFFE0, v16  }
0x267: {  	v12 =	vor.u32 v12, v13  }
0x268: {  	v13 =	vperm.xlane v12, v8;
	_ =	sdelay $0x1  }
0x269: {  	v13 =	vadd.s32 v9, v13;
	_ =	sdelay $0x1  }
0x26a: {  	v12 =	vperm.xlane v12, v10;
	_ =	sdelay $0x1  }
0x26b: {  	s7 =	simm.s32 $0x6580;
	v12 =	vadd.s32 v9, v12  }
0x26c: {  	[tilespmem:s7], [sflag:$0x2] =	stream.indirect_vreg.gather [hbm4b:s1+s4], $0x80, v13, vm0, $0xb8;
	[tilespmem:$0x14590] =	vst v63  }
0x26d: {  	_ = 	snop  }
0x26e: {  	[tilespmem:s30], [sflag:$0x2] =	stream.indirect_vreg.gather [hbm4b:s8+s4], $0x80, v13, vm0, $0xb8;
	[tilespmem:$0x14590] =	vst v63  }
0x26f: {  	s7 =	simm.s32 $0x7580  }
0x270: {  	[tilespmem:s7], [sflag:$0x2] =	stream.indirect_vreg.gather [hbm4b:s1+s4], $0x80, v12, vm0, $0xb8;
	[tilespmem:$0x14590] =	vst v63  }
0x271: {  	s7 =	simm.s32 $0x7D80  }
0x272: {  	[tilespmem:s7], [sflag:$0x2] =	stream.indirect_vreg.gather [hbm4b:s8+s4], $0x80, v12, vm0, $0xb8;
	[tilespmem:$0x14590] =	vst v63  }
0x273: {  	_ =	swait.ge [sflag:s29], $0x4000  }
0x274: {  	[sflag:s29] =	ssyncset.done $0x0  }
0x275: {  	s7 =	rddreg [dreg:$0xe];
	[sflag:s29] =	ssyncadd.s32 $0xFFFFC000  }
0x276: {  	[hbm4b:s7+s4] =	stream.linear.scatter [tilespmem:s15], [sflag:$0x9], $0x4000, $0x38;
	[tilespmem:$0x14590] =	vst v63  }
0x277: {  	v17 =	vld [tilespmem:$0x180];
	_ =	sdelay $0x4  }
0x278: {  	vm2 =	vne.s32 v17, $0x1  }
0x279: {  	v18 =	vld [tilespmem:$0x190];
	v12 =	vsel vm2, $0x1, v7  }
0x27a: {  	(xrf0) =	vadd.scan.msk.s32 $0xffff, v12;
	_ =	sdelay $0x3  }
0x27b: {  	v19 =	vmpcnt.ones.xlane vm1;
	vm1 =	vne.s32 v18, $0x1  }
0x27c: {  	v13 =	vsel vm1, $0x1, v7  }
0x27d: {  	v11 =	vadd.s32 v19, v11;
	v20, _, _ =	vpop (xrf0);
	(xrf0) =	vadd.scan.msk.s32 $0xffff, v13  }
0x27e: {  	v12 =	vadd.s32 v20, v11  }
0x27f: {  	v12 =	vnsel vm2, $0x1, v12  }
0x280: {  	v21 =	vshll.u32 v12, $0x2  }
0x281: {  	v22 =	vmpcnt.ones.xlane vm2;
	v23 =	vand.u32 $0x7, v12;
	v13 =	vand.u32 $0xFFFFFFE0, v21  }
0x282: {  	v13 =	vor.u32 v23, v13  }
0x283: {  	v11 =	vadd.s32 v22, v11;
	v24, _, _ =	vpop (xrf0);
	v25 =	vperm.xlane v13, v8  }
0x284: {  	v15 =	vadd.s32 v24, v11  }
0x285: {  	[tilespmem:$0x380] =	vst v12;
	v26 =	vnsel vm1, $0x1, v15;
	v14 =	vadd.s32 v9, v25  }
0x286: {  	[tilespmem:$0x390] =	vst v26  }
0x287: {  	v27 =	vperm.xlane v13, v10;
	_ =	swait.ge [sflag:s31], $0x4000  }
0x288: {  	[sflag:s31] =	ssyncset.done $0x0  }
0x289: {  	v12 =	vadd.s32 v9, v27;
	[sflag:s31] =	ssyncadd.s32 $0xFFFFC000  }
0x28a: {  	[tilespmem:s14], [sflag:$0x3] =	stream.indirect_vreg.gather [hbm4b:s1+s4], $0x80, v14, vm0, $0xb8;
	[tilespmem:$0x14590] =	vst v63  }
0x28b: {  	s7 =	simm.s32 $0x8D80  }
0x28c: {  	[tilespmem:s7], [sflag:$0x3] =	stream.indirect_vreg.gather [hbm4b:s8+s4], $0x80, v14, vm0, $0xb8;
	[tilespmem:$0x14590] =	vst v63  }
0x28d: {  	s7 =	simm.s32 $0x9580  }
0x28e: {  	[tilespmem:s7], [sflag:$0x3] =	stream.indirect_vreg.gather [hbm4b:s1+s4], $0x80, v12, vm0, $0xb8;
	[tilespmem:$0x14590] =	vst v63  }
0x28f: {  	s7 =	simm.s32 $0x9D80  }
0x290: {  	[tilespmem:s7], [sflag:$0x3] =	stream.indirect_vreg.gather [hbm4b:s8+s4], $0x80, v12, vm0, $0xb8;
	[tilespmem:$0x14590] =	vst v63  }
0x291: {  	v12 =	vld [tilespmem:$0x390];
	_ =	sdelay $0x4  }
0x292: {  	v28 =	vshll.u32 v12, $0x2  }
0x293: {  	v12 =	vand.u32 $0x7, v12;
	v13 =	vand.u32 $0xFFFFFFE0, v28  }
0x294: {  	v12 =	vor.u32 v12, v13  }
0x295: {  	v13 =	vperm.xlane v12, v8;
	_ =	sdelay $0x1  }
0x296: {  	v13 =	vadd.s32 v9, v13;
	_ =	sdelay $0x1  }
0x297: {  	v12 =	vperm.xlane v12, v10;
	_ =	sdelay $0x1  }
0x298: {  	s7 =	simm.s32 $0xA580;
	v12 =	vadd.s32 v9, v12  }
0x299: {  	[tilespmem:s7], [sflag:$0x3] =	stream.indirect_vreg.gather [hbm4b:s1+s4], $0x80, v13, vm0, $0xb8;
	[tilespmem:$0x14590] =	vst v63  }
0x29a: {  	s7 =	simm.s32 $0xAD80  }
0x29b: {  	[tilespmem:s7], [sflag:$0x3] =	stream.indirect_vreg.gather [hbm4b:s8+s4], $0x80, v13, vm0, $0xb8;
	[tilespmem:$0x14590] =	vst v63  }
0x29c: {  	s7 =	simm.s32 $0xB580  }
0x29d: {  	[tilespmem:s7], [sflag:$0x3] =	stream.indirect_vreg.gather [hbm4b:s1+s4], $0x80, v12, vm0, $0xb8;
	[tilespmem:$0x14590] =	vst v63  }
0x29e: {  	s7 =	simm.s32 $0xBD80  }
0x29f: {  	[tilespmem:s7], [sflag:$0x3] =	stream.indirect_vreg.gather [hbm4b:s8+s4], $0x80, v12, vm0, $0xb8;
	[tilespmem:$0x14590] =	vst v63  }
0x2a0: {  	_ =	swait.ge [sflag:s2], $0x4000  }
0x2a1: {  	[sflag:s2] =	ssyncset.done $0x0  }
0x2a2: {  	s7 =	rddreg [dreg:$0xf];
	[sflag:s2] =	ssyncadd.s32 $0xFFFFC000  }
0x2a3: {  	[hbm4b:s7+s4] =	stream.linear.scatter [tilespmem:s16], [sflag:$0xA], $0x4000, $0x38;
	[tilespmem:$0x14590] =	vst v63  }
0x2a4: {  	v29 =	vld [tilespmem:$0x1A0];
	_ =	sdelay $0x4  }
0x2a5: {  	vm2 =	vne.s32 v29, $0x1  }
0x2a6: {  	v30 =	vld [tilespmem:$0x1B0];
	v12 =	vsel vm2, $0x1, v7  }
0x2a7: {  	(xrf0) =	vadd.scan.msk.s32 $0xffff, v12;
	_ =	sdelay $0x3  }
0x2a8: {  	v31 =	vmpcnt.ones.xlane vm1;
	vm1 =	vne.s32 v30, $0x1  }
0x2a9: {  	v13 =	vsel vm1, $0x1, v7  }
0x2aa: {  	v11 =	vadd.s32 v31, v11;
	v32, _, _ =	vpop (xrf0);
	(xrf0) =	vadd.scan.msk.s32 $0xffff, v13  }
0x2ab: {  	v12 =	vadd.s32 v32, v11  }
0x2ac: {  	v12 =	vnsel vm2, $0x1, v12  }
0x2ad: {  	v33 =	vshll.u32 v12, $0x2  }
0x2ae: {  	v34 =	vmpcnt.ones.xlane vm2;
	v35 =	vand.u32 $0x7, v12;
	v13 =	vand.u32 $0xFFFFFFE0, v33  }
0x2af: {  	v13 =	vor.u32 v35, v13  }
0x2b0: {  	v11 =	vadd.s32 v34, v11;
	v36, _, _ =	vpop (xrf0);
	v37 =	vperm.xlane v13, v8  }
0x2b1: {  	v15 =	vadd.s32 v36, v11  }
0x2b2: {  	[tilespmem:$0x3A0] =	vst v12;
	v38 =	vnsel vm1, $0x1, v15;
	v14 =	vadd.s32 v9, v37  }
0x2b3: {  	[tilespmem:$0x3B0] =	vst v38  }
0x2b4: {  	v39 =	vperm.xlane v13, v10;
	_ =	swait.ge [sflag:s0], $0x4000  }
0x2b5: {  	[sflag:s0] =	ssyncset.done $0x0  }
0x2b6: {  	v12 =	vadd.s32 v9, v39;
	[sflag:s0] =	ssyncadd.s32 $0xFFFFC000  }
0x2b7: {  	[tilespmem:s15], [sflag:$0x4] =	stream.indirect_vreg.gather [hbm4b:s1+s4], $0x80, v14, vm0, $0xb8;
	[tilespmem:$0x14590] =	vst v63  }
0x2b8: {  	s7 =	simm.s32 $0xCD80  }
0x2b9: {  	[tilespmem:s7], [sflag:$0x4] =	stream.indirect_vreg.gather [hbm4b:s8+s4], $0x80, v14, vm0, $0xb8;
	[tilespmem:$0x14590] =	vst v63  }
0x2ba: {  	s7 =	simm.s32 $0xD580  }
0x2bb: {  	[tilespmem:s7], [sflag:$0x4] =	stream.indirect_vreg.gather [hbm4b:s1+s4], $0x80, v12, vm0, $0xb8;
	[tilespmem:$0x14590] =	vst v63  }
0x2bc: {  	s7 =	simm.s32 $0xDD80  }
0x2bd: {  	[tilespmem:s7], [sflag:$0x4] =	stream.indirect_vreg.gather [hbm4b:s8+s4], $0x80, v12, vm0, $0xb8;
	[tilespmem:$0x14590] =	vst v63  }
0x2be: {  	v12 =	vld [tilespmem:$0x3B0];
	_ =	sdelay $0x4  }
0x2bf: {  	v40 =	vshll.u32 v12, $0x2  }
0x2c0: {  	v12 =	vand.u32 $0x7, v12;
	v13 =	vand.u32 $0xFFFFFFE0, v40  }
0x2c1: {  	v12 =	vor.u32 v12, v13  }
0x2c2: {  	v13 =	vperm.xlane v12, v8;
	_ =	sdelay $0x1  }
0x2c3: {  	v13 =	vadd.s32 v9, v13;
	_ =	sdelay $0x1  }
0x2c4: {  	v12 =	vperm.xlane v12, v10;
	_ =	sdelay $0x1  }
0x2c5: {  	s7 =	simm.s32 $0xE580;
	v12 =	vadd.s32 v9, v12  }
0x2c6: {  	[tilespmem:s7], [sflag:$0x4] =	stream.indirect_vreg.gather [hbm4b:s1+s4], $0x80, v13, vm0, $0xb8;
	[tilespmem:$0x14590] =	vst v63  }
0x2c7: {  	s7 =	simm.s32 $0xED80  }
0x2c8: {  	[tilespmem:s7], [sflag:$0x4] =	stream.indirect_vreg.gather [hbm4b:s8+s4], $0x80, v13, vm0, $0xb8;
	[tilespmem:$0x14590] =	vst v63  }
0x2c9: {  	s7 =	simm.s32 $0xF580  }
0x2ca: {  	[tilespmem:s7], [sflag:$0x4] =	stream.indirect_vreg.gather [hbm4b:s1+s4], $0x80, v12, vm0, $0xb8;
	[tilespmem:$0x14590] =	vst v63  }
0x2cb: {  	s7 =	simm.s32 $0xFD80  }
0x2cc: {  	[tilespmem:s7], [sflag:$0x4] =	stream.indirect_vreg.gather [hbm4b:s8+s4], $0x80, v12, vm0, $0xb8;
	[tilespmem:$0x14590] =	vst v63  }
0x2cd: {  	_ =	swait.ge [sflag:s6], $0x4000  }
0x2ce: {  	[sflag:s6] =	ssyncset.done $0x0  }
0x2cf: {  	s7 =	rddreg [dreg:$0x10];
	[sflag:s6] =	ssyncadd.s32 $0xFFFFC000  }
0x2d0: {  	[hbm4b:s7+s4] =	stream.linear.scatter [tilespmem:s10], [sflag:$0x6], $0x4000, $0x38;
	[tilespmem:$0x14590] =	vst v63  }
0x2d1: {  	v41 =	vld [tilespmem:$0x1C0];
	_ =	sdelay $0x4  }
0x2d2: {  	vm2 =	vne.s32 v41, $0x1  }
0x2d3: {  	v42 =	vld [tilespmem:$0x1D0];
	v12 =	vsel vm2, $0x1, v7  }
0x2d4: {  	(xrf0) =	vadd.scan.msk.s32 $0xffff, v12;
	_ =	sdelay $0x3  }
0x2d5: {  	v43 =	vmpcnt.ones.xlane vm1;
	vm1 =	vne.s32 v42, $0x1  }
0x2d6: {  	v13 =	vsel vm1, $0x1, v7  }
0x2d7: {  	v11 =	vadd.s32 v43, v11;
	v44, _, _ =	vpop (xrf0);
	(xrf0) =	vadd.scan.msk.s32 $0xffff, v13  }
0x2d8: {  	v12 =	vadd.s32 v44, v11  }
0x2d9: {  	v12 =	vnsel vm2, $0x1, v12  }
0x2da: {  	v45 =	vshll.u32 v12, $0x2  }
0x2db: {  	v46 =	vmpcnt.ones.xlane vm2;
	v47 =	vand.u32 $0x7, v12;
	v13 =	vand.u32 $0xFFFFFFE0, v45  }
0x2dc: {  	v13 =	vor.u32 v47, v13  }
0x2dd: {  	v11 =	vadd.s32 v46, v11;
	v48, _, _ =	vpop (xrf0);
	v49 =	vperm.xlane v13, v8  }
0x2de: {  	v15 =	vadd.s32 v48, v11  }
0x2df: {  	[tilespmem:$0x3C0] =	vst v12;
	v50 =	vnsel vm1, $0x1, v15;
	v14 =	vadd.s32 v9, v49  }
0x2e0: {  	[tilespmem:$0x3D0] =	vst v50  }
0x2e1: {  	v51 =	vperm.xlane v13, v10;
	_ =	swait.ge [sflag:s3], $0x4000  }
0x2e2: {  	[sflag:s3] =	ssyncset.done $0x0  }
0x2e3: {  	v12 =	vadd.s32 v9, v51;
	[sflag:s3] =	ssyncadd.s32 $0xFFFFC000  }
0x2e4: {  	[tilespmem:s16], [sflag:$0x5] =	stream.indirect_vreg.gather [hbm4b:s1+s4], $0x80, v14, vm0, $0xb8;
	[tilespmem:$0x14590] =	vst v63  }
0x2e5: {  	s12 =	simm.s32 $0x10D80  }
0x2e6: {  	[tilespmem:s12], [sflag:$0x5] =	stream.indirect_vreg.gather [hbm4b:s8+s4], $0x80, v14, vm0, $0xb8;
	[tilespmem:$0x14590] =	vst v63  }
0x2e7: {  	s19 =	simm.s32 $0x11580  }
0x2e8: {  	[tilespmem:s19], [sflag:$0x5] =	stream.indirect_vreg.gather [hbm4b:s1+s4], $0x80, v12, vm0, $0xb8;
	[tilespmem:$0x14590] =	vst v63  }
0x2e9: {  	s12 =	simm.s32 $0x11D80  }
0x2ea: {  	[tilespmem:s12], [sflag:$0x5] =	stream.indirect_vreg.gather [hbm4b:s8+s4], $0x80, v12, vm0, $0xb8;
	[tilespmem:$0x14590] =	vst v63  }
0x2eb: {  	v12 =	vld [tilespmem:$0x3D0];
	_ =	sdelay $0x4  }
0x2ec: {  	v52 =	vshll.u32 v12, $0x2  }
0x2ed: {  	v12 =	vand.u32 $0x7, v12;
	v13 =	vand.u32 $0xFFFFFFE0, v52  }
0x2ee: {  	v12 =	vor.u32 v12, v13  }
0x2ef: {  	v13 =	vperm.xlane v12, v8;
	_ =	sdelay $0x1  }
0x2f0: {  	v13 =	vadd.s32 v9, v13;
	_ =	sdelay $0x1  }
0x2f1: {  	v12 =	vperm.xlane v12, v10;
	_ =	sdelay $0x1  }
0x2f2: {  	s21 =	simm.s32 $0x12580;
	v12 =	vadd.s32 v9, v12  }
0x2f3: {  	[tilespmem:s21], [sflag:$0x5] =	stream.indirect_vreg.gather [hbm4b:s1+s4], $0x80, v13, vm0, $0xb8;
	[tilespmem:$0x14590] =	vst v63  }
0x2f4: {  	s11 =	simm.s32 $0x12D80  }
0x2f5: {  	[tilespmem:s11], [sflag:$0x5] =	stream.indirect_vreg.gather [hbm4b:s8+s4], $0x80, v13, vm0, $0xb8;
	[tilespmem:$0x14590] =	vst v63  }
0x2f6: {  	s13 =	simm.s32 $0x13580  }
0x2f7: {  	[tilespmem:s13], [sflag:$0x5] =	stream.indirect_vreg.gather [hbm4b:s1+s4], $0x80, v12, vm0, $0xb8;
	[tilespmem:$0x14590] =	vst v63  }
0x2f8: {  	s13 =	simm.s32 $0x13D80  }
0x2f9: {  	[tilespmem:s13], [sflag:$0x5] =	stream.indirect_vreg.gather [hbm4b:s8+s4], $0x80, v12, vm0, $0xb8;
	[tilespmem:$0x14590] =	vst v63  }
0x2fa: {  	_ =	swait.ge [sflag:s23], $0x4000  }
0x2fb: {  	[sflag:s23] =	ssyncset.done $0x0  }
0x2fc: {  	s19 =	rddreg [dreg:$0x11];
	[sflag:s23] =	ssyncadd.s32 $0xFFFFC000  }
0x2fd: {  	[hbm4b:s19+s4] =	stream.linear.scatter [tilespmem:s28], [sflag:$0x7], $0x4000, $0x38;
	[tilespmem:$0x14590] =	vst v63  }
0x2fe: {  	v53 =	vld [tilespmem:$0x1E0];
	_ =	sdelay $0x4  }
0x2ff: {  	vm2 =	vne.s32 v53, $0x1  }
0x300: {  	v54 =	vld [tilespmem:$0x1F0];
	v12 =	vsel vm2, $0x1, v7  }
0x301: {  	(xrf0) =	vadd.scan.msk.s32 $0xffff, v12;
	_ =	sdelay $0x3  }
0x302: {  	v55 =	vmpcnt.ones.xlane vm1;
	vm1 =	vne.s32 v54, $0x1  }
0x303: {  	v13 =	vsel vm1, $0x1, v7  }
0x304: {  	v11 =	vadd.s32 v55, v11;
	v56, _, _ =	vpop (xrf0);
	(xrf0) =	vadd.scan.msk.s32 $0xffff, v13  }
0x305: {  	v12 =	vadd.s32 v56, v11  }
0x306: {  	v12 =	vnsel vm2, $0x1, v12  }
0x307: {  	v57 =	vshll.u32 v12, $0x2  }
0x308: {  	v58 =	vmpcnt.ones.xlane vm2;
	v59 =	vand.u32 $0x7, v12;
	v13 =	vand.u32 $0xFFFFFFE0, v57  }
0x309: {  	v13 =	vor.u32 v59, v13  }
0x30a: {  	v11 =	vadd.s32 v58, v11;
	v60, _, _ =	vpop (xrf0);
	v61 =	vperm.xlane v13, v8  }
0x30b: {  	v11 =	vadd.s32 v60, v11  }
0x30c: {  	[tilespmem:$0x3E0] =	vst v12;
	v11 =	vnsel vm1, $0x1, v11;
	v62 =	vadd.s32 v9, v61  }
0x30d: {  	[tilespmem:$0x3F0] =	vst v11  }
0x30e: {  	v11 =	vperm.xlane v13, v10;
	_ =	swait.ge [sflag:s24], $0x4000  }
0x30f: {  	[sflag:s24] =	ssyncset.done $0x0  }
0x310: {  	v11 =	vadd.s32 v9, v11;
	[sflag:s24] =	ssyncadd.s32 $0xFFFFC000  }
0x311: {  	[tilespmem:s10], [sflag:$0x1] =	stream.indirect_vreg.gather [hbm4b:s1+s4], $0x80, v62, vm0, $0xb8;
	[tilespmem:$0x14590] =	vst v63  }
0x312: {  	s18 =	simm.s32 $0xD80  }
0x313: {  	[tilespmem:s18], [sflag:$0x1] =	stream.indirect_vreg.gather [hbm4b:s8+s4], $0x80, v62, vm0, $0xb8;
	[tilespmem:$0x14590] =	vst v63  }
0x314: {  	s20 =	simm.s32 $0x1580  }
0x315: {  	[tilespmem:s20], [sflag:$0x1] =	stream.indirect_vreg.gather [hbm4b:s1+s4], $0x80, v11, vm0, $0xb8;
	[tilespmem:$0x14590] =	vst v63  }
0x316: {  	s20 =	simm.s32 $0x1D80  }
0x317: {  	[tilespmem:s20], [sflag:$0x1] =	stream.indirect_vreg.gather [hbm4b:s8+s4], $0x80, v11, vm0, $0xb8;
	[tilespmem:$0x14590] =	vst v63  }
0x318: {  	v11 =	vld [tilespmem:$0x3F0];
	_ =	sdelay $0x4  }
0x319: {  	v63 =	vshll.u32 v11, $0x2  }
0x31a: {  	v11 =	vand.u32 $0x7, v11;
	v12 =	vand.u32 $0xFFFFFFE0, v63  }
0x31b: {  	v11 =	vor.u32 v11, v12  }
0x31c: {  	v12 =	vperm.xlane v11, v8;
	_ =	sdelay $0x1  }
0x31d: {  	v12 =	vadd.s32 v9, v12;
	_ =	sdelay $0x1  }
0x31e: {  	v11 =	vperm.xlane v11, v10;
	_ =	sdelay $0x1  }
0x31f: {  	s21 =	simm.s32 $0x2580;
	v11 =	vadd.s32 v9, v11  }
0x320: {  	[tilespmem:s21], [sflag:$0x1] =	stream.indirect_vreg.gather [hbm4b:s1+s4], $0x80, v12, vm0, $0xb8;
	[tilespmem:$0x14590] =	vst v63  }
0x321: {  	s11 =	simm.s32 $0x2D80  }
0x322: {  	[tilespmem:s11], [sflag:$0x1] =	stream.indirect_vreg.gather [hbm4b:s8+s4], $0x80, v12, vm0, $0xb8;
	[tilespmem:$0x14590] =	vst v63  }
0x323: {  	s12 =	simm.s32 $0x3580  }
0x324: {  	[tilespmem:s12], [sflag:$0x1] =	stream.indirect_vreg.gather [hbm4b:s1+s4], $0x80, v11, vm0, $0xb8;
	[tilespmem:$0x14590] =	vst v63  }
0x325: {  	s13 =	simm.s32 $0x3D80  }
0x326: {  	[tilespmem:s13], [sflag:$0x1] =	stream.indirect_vreg.gather [hbm4b:s8+s4], $0x80, v11, vm0, $0xb8;
	[tilespmem:$0x14590] =	vst v63  }
0x327: {  	_ =	swait.ge [sflag:s25], $0x4000  }
0x328: {  	[sflag:s25] =	ssyncset.done $0x0  }
0x329: {  	s18 =	rddreg [dreg:$0x12];
	[sflag:s25] =	ssyncadd.s32 $0xFFFFC000  }
0x32a: {  	[hbm4b:s18+s4] =	stream.linear.scatter [tilespmem:s14], [sflag:$0x8], $0x4000, $0x38;
	[tilespmem:$0x14590] =	vst v63  }
0x32b: {  	_ =	swait.ge [sflag:s29], $0x4000  }
0x32c: {  	[sflag:s29] =	ssyncset.done $0x0  }
0x32d: {  	s19 =	rddreg [dreg:$0x13];
	[sflag:s29] =	ssyncadd.s32 $0xFFFFC000  }
0x32e: {  	[hbm4b:s19+s4] =	stream.linear.scatter [tilespmem:s15], [sflag:$0x9], $0x4000, $0x38;
	[tilespmem:$0x14590] =	vst v63  }
0x32f: {  	_ =	swait.ge [sflag:s2], $0x4000  }
0x330: {  	[sflag:s2] =	ssyncset.done $0x0  }
0x331: {  	s20 =	rddreg [dreg:$0x14];
	[sflag:s2] =	ssyncadd.s32 $0xFFFFC000  }
0x332: {  	[hbm4b:s20+s4] =	stream.linear.scatter [tilespmem:s16], [sflag:$0xA], $0x4000, $0x38;
	[tilespmem:$0x14590] =	vst v63  }
0x333: {  	_ =	swait.ge [sflag:s6], $0x4000  }
0x334: {  	[sflag:s6] =	ssyncset.done $0x0  }
0x335: {  	s21 =	rddreg [dreg:$0x15];
	[sflag:s6] =	ssyncadd.s32 $0xFFFFC000  }
0x336: {  	[hbm4b:s21+s4] =	stream.linear.scatter [tilespmem:s10], [sflag:$0x6], $0x4000, $0x38;
	[tilespmem:$0x14590] =	vst v63  }
0x337: {  	_ =	swait.ge [sflag:s26], $0x4000  }
0x338: {  	[sflag:s26] =	ssyncset.done $0x0  }
0x339: {  	[sflag:s26] =	ssyncadd.s32 $0xFFFFC000  }
0x33a: {  	_ =	swait.ge [sflag:s31], $0x4000  }
0x33b: {  	[sflag:s31] =	ssyncset.done $0x0  }
0x33c: {  	[sflag:s31] =	ssyncadd.s32 $0xFFFFC000  }
0x33d: {  	_ =	swait.ge [sflag:s0], $0x4000  }
0x33e: {  	[sflag:s0] =	ssyncset.done $0x0  }
0x33f: {  	[sflag:s0] =	ssyncadd.s32 $0xFFFFC000  }
0x340: {  	p0 =	sne.s32 s9, $0x1;
	_ =	swait.ge [sflag:s3], $0x4000  }
.Ltmp0:
0x341: {  	[sflag:s3] =	ssyncset.done $0x0;
	(pc) =	sbr.rel @p0 .LBB2_1-.Ltmp0, $4  }
0x342: {  	[sflag:s3] =	ssyncadd.s32 $0xFFFFC000  }
0x343: {  	_ =	swait.ge [sflag:s24], $0x4000  }
0x344: {  	[sflag:s24] =	ssyncset.done $0x0  }
0x345: {  	s9 =	sadd.s32 $0xFFFFFFFF, s9;
	[sflag:s24] =	ssyncadd.s32 $0xFFFFC000  }
0x346: {  	_ =	sfence.sel $0x180000  }
0x347: {  	[bflag:$0x0] =	sbarrier.arrive $0xFFFF  }
0x348: {  	_ =	strace $0x90000047  }
0x349: {  	s0 =	stileid.u32;
	[bflag:$0x2] =	sbarrier.arrive $0xFFFF  }
0x34a: {  	p0 =	sne.s32 s0, $0x0;
	s0 =	rddreg [dreg:$0x4]  }
0x34b: {  	s0 =	sadd.s32 @!p0 $0x100000, s0  }
0x34c: {  	[sflag:s0] =	ssyncadd.tile.s32 @!p0 $0x1;
	_ =	shalt  }
.Lfunc_end2:
_tile_overlayer_lowered:
.L_overlay_start_2:
0x34d: {  	(tag) =	ssettag $0x2  }
0x34e: {  	s0 =	rddreg [dreg:$0x0];
	s2 =	stileid.u32  }
0x34f: {  	s1 =	rddreg [dreg:$0x1];
	p0 =	sne.s32 s2, $0x0  }
0x350: {  	s3 =	rddreg [dreg:$0x2];
	[bflag:$0x3] =	sbarrier.arrive $0xFFFF;
	s2 =	simm.s32 @!p0 $0x1C0B  }
0x351: {  	[timem:s3], [sflag:s2] =	dma.local @!p0 [hbm:s0], s1  }
0x352: {  	s0 =	simm.s32 @!p0 $0xB  }
0x353: {  	_ =	swait.ge @!p0 [sflag:s0], s1  }
0x354: {  	s1 =	ssub.s32 @!p0 $0x0, s1;
	[sflag:s0] =	ssyncset.done @!p0 $0x0  }
0x355: {  	[sflag:s0] =	ssyncadd.s32 @!p0 s1  }
0x356: {  	[bflag:$0x3] =	sbarrier.arrive $0xFFFF  }
0x357: {  	_ =	shalt  }

</sc_bundles>
